<compile_context>
chip_gen: v7x
topology: tpu7x:2x2x1
jax: 0.10.2.dev20260603
libtpu: 0.0.44.dev20260713+nightly
codegen_flags: <defaults>
</compile_context>

<pallas_src>
import math

import jax
import jax.numpy as jnp
from jax import lax
from jax.experimental import pallas as pl
from jax.experimental.pallas import tpu as pltpu
from jax.experimental.pallas import tpu_sc as plsc

EMBED_DIM = 64
SEQ_LEN = 200
BATCH = 1024
ROWS = BATCH * SEQ_LEN
NC, NS, LANES = 2, 16, 16
NW = NC * NS
RPW = ROWS // NW
CHUNK = 32
NCHUNK = RPW // CHUNK
NBUF = 5
PE_EXT = 224
PAIR_DIM = 2 * EMBED_DIM
SCALE = math.sqrt(EMBED_DIM)


def _positional_table():
    pe_len = SEQ_LEN * 2
    pos = jnp.arange(pe_len, dtype=jnp.float32)[:, None]
    i = jnp.arange(0, EMBED_DIM, 2, dtype=jnp.float32)[None, :]
    sin_part = jnp.sin(pos / jnp.power(10000.0, 2.0 * i / EMBED_DIM))
    cos_part = jnp.cos(pos / jnp.power(10000.0, 2.0 * (i + 1.0) / EMBED_DIM))
    pe = jnp.zeros((pe_len, EMBED_DIM), dtype=jnp.float32)
    pe = pe.at[:, 0::2].set(sin_part)
    pe = pe.at[:, 1::2].set(cos_part)
    pe = pe[:SEQ_LEN]
    return jnp.concatenate([pe, pe[: PE_EXT - SEQ_LEN]], axis=0)


def _sc_body(idx_hbm, pe_hbm, pm_hbm, table_hbm, out_hbm, idx_v, pe_v, *rest):
    bufs = rest[:NBUF]
    obufs = rest[NBUF:2 * NBUF]
    islots = rest[2 * NBUF:3 * NBUF]
    pmslots = rest[3 * NBUF:4 * NBUF]
    sg = rest[4 * NBUF:5 * NBUF]
    sp = rest[5 * NBUF:6 * NBUF]
    so = rest[6 * NBUF:]
    cid = lax.axis_index("c")
    sid = lax.axis_index("s")
    wid = sid * NC + cid
    out_base = wid * RPW

    pltpu.sync_copy(idx_hbm.at[wid], idx_v)
    pltpu.sync_copy(pe_hbm, pe_v)

    def _fetch(j, b):
        for k in range(CHUNK // LANES):
            sl = pl.ds(k * LANES, LANES)
            islots[b][sl] = idx_v[j, sl]
        pltpu.async_copy(table_hbm.at[islots[b]], bufs[b], sg[b])
        pltpu.async_copy(pm_hbm.at[wid].at[j], pmslots[b], sp[b])

    for b in range(NBUF - 1):
        _fetch(b, b)

    def group(g, carry):
        for b in range(NBUF):
            j = g * NBUF + b
            buf, obuf, pm = bufs[b], obufs[b], pmslots[b]
            pltpu.make_async_copy(table_hbm.at[islots[b]], buf, sg[b]).wait()
            pltpu.make_async_copy(pm_hbm.at[wid].at[j], pm, sp[b]).wait()

            bp = (b + NBUF - 1) % NBUF

            def _refill():
                _fetch(j + NBUF - 1, bp)

            pl.when(j + NBUF - 1 < NCHUNK)(_refill)

            def _retire():
                pltpu.make_async_copy(
                    obuf, out_hbm.at[pl.ds(0, CHUNK)], so[b]).wait()

            pl.when(g >= 1)(_retire)

            p0 = (j * CHUNK) % SEQ_LEN

            @plsc.parallel_loop(0, CHUNK, step=1, unroll=4)
            def _row(i):
                m = pm[i, pl.ds(0, LANES)]
                for k in range(EMBED_DIM // LANES):
                    sl = pl.ds(k * LANES, LANES)
                    lo = buf[i, sl]
                    hi = buf[i, pl.ds(EMBED_DIM + k * LANES, LANES)]
                    obuf[i, sl] = ((lo + (hi - lo) * m) * SCALE
                                   + pe_v[p0 + i, sl])

            pltpu.async_copy(
                obuf, out_hbm.at[pl.ds(out_base + j * CHUNK, CHUNK)], so[b])
        return carry

    lax.fori_loop(0, NCHUNK // NBUF, group, 0)

    for b in range(NBUF):
        pltpu.make_async_copy(
            obufs[b], out_hbm.at[pl.ds(0, CHUNK)], so[b]).wait()


_emb = pl.kernel(
    _sc_body,
    out_type=jax.ShapeDtypeStruct((ROWS, EMBED_DIM), jnp.float32),
    mesh=plsc.VectorSubcoreMesh(
        core_axis_name="c", subcore_axis_name="s",
        num_cores=NC, num_subcores=NS,
    ),
    scratch_types=(
        [pltpu.VMEM((NCHUNK, CHUNK), jnp.int32),
         pltpu.VMEM((PE_EXT, EMBED_DIM), jnp.float32)]
        + [pltpu.VMEM((CHUNK, PAIR_DIM), jnp.float32) for _ in range(NBUF)]
        + [pltpu.VMEM((CHUNK, EMBED_DIM), jnp.float32) for _ in range(NBUF)]
        + [pltpu.VMEM((CHUNK,), jnp.int32) for _ in range(NBUF)]
        + [pltpu.VMEM((CHUNK, LANES), jnp.float32) for _ in range(NBUF)]
        + [pltpu.SemaphoreType.DMA for _ in range(3 * NBUF)]
    ),
)


def kernel(input_seq, embed_weight):
    idx = input_seq.astype(jnp.int32).reshape(NW, NCHUNK, CHUNK)
    pair = idx >> 1
    parity = jnp.broadcast_to(
        (idx & 1).astype(jnp.float32)[..., None], (NW, NCHUNK, CHUNK, LANES))
    tview = embed_weight.reshape(embed_weight.shape[0] // 2, PAIR_DIM)
    out = _emb(pair, _positional_table(), parity, tview)
    return out.reshape(BATCH, SEQ_LEN, EMBED_DIM)

# --- scband reference (transcript-rebuilt; emitter-appended) ---
"""Pipeline reference for scband-transformer-embeddings-86723979641318 (READ-ONLY COPY).

The authoritative reference and input builder live on the scoring server;
editing this copy changes nothing except your own understanding.
"""

import jax, jax.numpy as jnp
import numpy as np
import math

EMBED_SIZE = 1000000
EMBED_DIM = 64
SEQ_LEN = 200
BATCH = 1024


def _positional_encoding(seq_len, embed_dim):
    # Faithful to the torch loop: pe[pos, i] = sin(pos / 10000**(2*i/d)),
    # pe[pos, i+1] = cos(pos / 10000**(2*(i+1)/d)) for i in 0,2,4,...
    pe_len = seq_len * 2
    pos = jnp.arange(pe_len, dtype=jnp.float32)[:, None]
    i = jnp.arange(0, embed_dim, 2, dtype=jnp.float32)[None, :]
    sin_part = jnp.sin(pos / jnp.power(10000.0, 2.0 * i / embed_dim))
    cos_part = jnp.cos(pos / jnp.power(10000.0, 2.0 * (i + 1.0) / embed_dim))
    pe = jnp.zeros((pe_len, embed_dim), dtype=jnp.float32)
    pe = pe.at[:, 0::2].set(sin_part)
    pe = pe.at[:, 1::2].set(cos_part)
    return pe[None]  # [1, 2*seq_len, embed_dim]


def setup_inputs(seed: int = 0) -> dict:
    key = jax.random.key(seed)
    k1, k2 = jax.random.split(key)
    input_seq = jax.random.randint(k1, (BATCH, SEQ_LEN), 0, EMBED_SIZE)
    embed_weight = jax.random.normal(k2, (EMBED_SIZE, EMBED_DIM), dtype=jnp.float32)
    return {"input_seq": input_seq, "embed_weight": embed_weight}


def reference(input_seq, embed_weight):
    pe = _positional_encoding(SEQ_LEN, EMBED_DIM)
    curr_seq_size = input_seq.shape[1]
    assert curr_seq_size <= 2 * SEQ_LEN
    embedds = jnp.take(embed_weight, input_seq, axis=0) * math.sqrt(EMBED_DIM)
    embedds = embedds + pe[:, :curr_seq_size]
    # dropout is identity in eval mode
    return embedds

if __name__ == "__main__":
    import jax
    _d = setup_inputs()
    print(jax.jit(kernel)(*tuple(_d.values())))

</pallas_src>

<mosaic_0001>
#map = affine_map<(d0, d1) -> (0, 0, 0)>
#map1 = affine_map<(d0, d1) -> (0, 0)>
#map2 = affine_map<(d0, d1) -> (0, 0, 0, 0)>
module attributes {stable_mosaic.version = 14 : i64} {
  func.func @_sc_body(%arg0: i32, %arg1: i32, %arg2: memref<32x200x32xi32, #tpu.memory_space<hbm>>, %arg3: memref<224x64xf32, #tpu.memory_space<hbm>>, %arg4: memref<32x200x32x16xf32, #tpu.memory_space<hbm>>, %arg5: memref<500000x128xf32, #tpu.memory_space<hbm>>, %arg6: memref<204800x64xf32, #tpu.memory_space<hbm>>, %arg7: memref<200x32xi32, #tpu.memory_space<vmem>>, %arg8: memref<224x64xf32, #tpu.memory_space<vmem>>, %arg9: memref<32x128xf32, #tpu.memory_space<vmem>>, %arg10: memref<32x128xf32, #tpu.memory_space<vmem>>, %arg11: memref<32x128xf32, #tpu.memory_space<vmem>>, %arg12: memref<32x128xf32, #tpu.memory_space<vmem>>, %arg13: memref<32x128xf32, #tpu.memory_space<vmem>>, %arg14: memref<32x64xf32, #tpu.memory_space<vmem>>, %arg15: memref<32x64xf32, #tpu.memory_space<vmem>>, %arg16: memref<32x64xf32, #tpu.memory_space<vmem>>, %arg17: memref<32x64xf32, #tpu.memory_space<vmem>>, %arg18: memref<32x64xf32, #tpu.memory_space<vmem>>, %arg19: memref<32xi32, #tpu.memory_space<vmem>>, %arg20: memref<32xi32, #tpu.memory_space<vmem>>, %arg21: memref<32xi32, #tpu.memory_space<vmem>>, %arg22: memref<32xi32, #tpu.memory_space<vmem>>, %arg23: memref<32xi32, #tpu.memory_space<vmem>>, %arg24: memref<32x16xf32, #tpu.memory_space<vmem>>, %arg25: memref<32x16xf32, #tpu.memory_space<vmem>>, %arg26: memref<32x16xf32, #tpu.memory_space<vmem>>, %arg27: memref<32x16xf32, #tpu.memory_space<vmem>>, %arg28: memref<32x16xf32, #tpu.memory_space<vmem>>, %arg29: memref<!tpu.dma_semaphore, #tpu.memory_space<semaphore_mem>>, %arg30: memref<!tpu.dma_semaphore, #tpu.memory_space<semaphore_mem>>, %arg31: memref<!tpu.dma_semaphore, #tpu.memory_space<semaphore_mem>>, %arg32: memref<!tpu.dma_semaphore, #tpu.memory_space<semaphore_mem>>, %arg33: memref<!tpu.dma_semaphore, #tpu.memory_space<semaphore_mem>>, %arg34: memref<!tpu.dma_semaphore, #tpu.memory_space<semaphore_mem>>, %arg35: memref<!tpu.dma_semaphore, #tpu.memory_space<semaphore_mem>>, %arg36: memref<!tpu.dma_semaphore, #tpu.memory_space<semaphore_mem>>, %arg37: memref<!tpu.dma_semaphore, #tpu.memory_space<semaphore_mem>>, %arg38: memref<!tpu.dma_semaphore, #tpu.memory_space<semaphore_mem>>, %arg39: memref<!tpu.dma_semaphore, #tpu.memory_space<semaphore_mem>>, %arg40: memref<!tpu.dma_semaphore, #tpu.memory_space<semaphore_mem>>, %arg41: memref<!tpu.dma_semaphore, #tpu.memory_space<semaphore_mem>>, %arg42: memref<!tpu.dma_semaphore, #tpu.memory_space<semaphore_mem>>, %arg43: memref<!tpu.dma_semaphore, #tpu.memory_space<semaphore_mem>>) attributes {dimension_semantics = [#tpu.dimension_semantics<core_parallel>, #tpu.dimension_semantics<subcore_parallel>], iteration_bounds = array<i64: 2, 16>, scalar_prefetch = 0 : i64, scratch_operands = 37 : i64, tpu.core_type = #tpu.core_type<sc_vector_subcore>, window_params = [{transform_indices = #map}, {transform_indices = #map1}, {transform_indices = #map2}, {transform_indices = #map1}, {transform_indices = #map1}]} {
    %mul3A = arith.constant 2 : i32
    %mul3A_0 = arith.muli %arg1, %mul3A : i32
    %add3A = arith.addi %mul3A_0, %arg0 : i32
    %mul3A_1 = arith.constant 6400 : i32
    %mul3A_2 = arith.muli %add3A, %mul3A_1 : i32
    "tpu.region"() ({
      %run_scoped3A = tpu.sem_alloc : memref<!tpu.dma_semaphore, #tpu.memory_space<semaphore_mem>>
      %dma_start3A_194 = arith.constant 0 : i32
      %dma_start3A_195 = arith.constant 0 : i32
      %dma_start3A_196 = tpu.memref_slice %arg2[%add3A, %dma_start3A_194, %dma_start3A_195] : memref<32x200x32xi32, #tpu.memory_space<hbm>> -> memref<1x200x32xi32, #tpu.memory_space<hbm>>
      %dma_start3A_197 = tpu.memref_squeeze %dma_start3A_196 : memref<1x200x32xi32, #tpu.memory_space<hbm>> -> memref<200x32xi32, #tpu.memory_space<hbm>>
      %dma_start3A_198 = arith.constant 0 : i32
      %dma_start3A_199 = arith.constant 0 : i32
      %dma_start3A_200 = tpu.memref_slice %arg2[%add3A, %dma_start3A_198, %dma_start3A_199] : memref<32x200x32xi32, #tpu.memory_space<hbm>> -> memref<1x200x32xi32, #tpu.memory_space<hbm>>
      %dma_start3A_201 = tpu.memref_squeeze %dma_start3A_200 : memref<1x200x32xi32, #tpu.memory_space<hbm>> -> memref<200x32xi32, #tpu.memory_space<hbm>>
      tpu.enqueue_dma source(%dma_start3A_201 : memref<200x32xi32, #tpu.memory_space<hbm>>) target(%arg7 : memref<200x32xi32, #tpu.memory_space<vmem>>) target_semaphore(%run_scoped3A : memref<!tpu.dma_semaphore, #tpu.memory_space<semaphore_mem>>)
      %dma_wait3A_202 = arith.constant 0 : i32
      %dma_wait3A_203 = arith.constant 0 : i32
      %dma_wait3A_204 = tpu.memref_slice %arg2[%add3A, %dma_wait3A_202, %dma_wait3A_203] : memref<32x200x32xi32, #tpu.memory_space<hbm>> -> memref<1x200x32xi32, #tpu.memory_space<hbm>>
      %dma_wait3A_205 = tpu.memref_squeeze %dma_wait3A_204 : memref<1x200x32xi32, #tpu.memory_space<hbm>> -> memref<200x32xi32, #tpu.memory_space<hbm>>
      %dma_wait3A_206 = arith.constant 0 : i32
      %dma_wait3A_207 = arith.constant 0 : i32
      %dma_wait3A_208 = tpu.memref_slice %arg2[%add3A, %dma_wait3A_206, %dma_wait3A_207] : memref<32x200x32xi32, #tpu.memory_space<hbm>> -> memref<1x200x32xi32, #tpu.memory_space<hbm>>
      %dma_wait3A_209 = tpu.memref_squeeze %dma_wait3A_208 : memref<1x200x32xi32, #tpu.memory_space<hbm>> -> memref<200x32xi32, #tpu.memory_space<hbm>>
      tpu.wait_dma2 semaphore(%run_scoped3A : memref<!tpu.dma_semaphore, #tpu.memory_space<semaphore_mem>>) src(%dma_wait3A_209 : memref<200x32xi32, #tpu.memory_space<hbm>>) dst(%arg7 : memref<200x32xi32, #tpu.memory_space<vmem>>)
      tpu.yield
    }) : () -> ()
    "tpu.region"() ({
      %run_scoped3A = tpu.sem_alloc : memref<!tpu.dma_semaphore, #tpu.memory_space<semaphore_mem>>
      tpu.enqueue_dma source(%arg3 : memref<224x64xf32, #tpu.memory_space<hbm>>) target(%arg8 : memref<224x64xf32, #tpu.memory_space<vmem>>) target_semaphore(%run_scoped3A : memref<!tpu.dma_semaphore, #tpu.memory_space<semaphore_mem>>)
      tpu.wait_dma2 semaphore(%run_scoped3A : memref<!tpu.dma_semaphore, #tpu.memory_space<semaphore_mem>>) src(%arg3 : memref<224x64xf32, #tpu.memory_space<hbm>>) dst(%arg8 : memref<224x64xf32, #tpu.memory_space<vmem>>)
      tpu.yield
    }) : () -> ()
    %get3A = arith.constant 0 : i32
    %get3A_3 = arith.index_cast %get3A : i32 to index
    %get3A_4 = arith.constant 0 : index
    %get3A_5 = tpu.vector_load %arg7[%get3A_3, %get3A_4] {strides = array<i32>} : memref<200x32xi32, #tpu.memory_space<vmem>>, vector<1x16xi32>,
    %get3A_6 = vector.shape_cast %get3A_5 : vector<1x16xi32> to vector<16xi32>
    %swap3A = arith.constant 0 : index
    %swap3A_7 = tpu.vector_load %arg19[%swap3A] {strides = array<i32>} : memref<32xi32, #tpu.memory_space<vmem>>, vector<16xi32>,
    %swap3A_8 = vector.shape_cast %swap3A_7 : vector<16xi32> to vector<16xi32>
    %swap3A_9 = vector.shape_cast %get3A_6 : vector<16xi32> to vector<16xi32>
    tpu.vector_store %arg19[%swap3A], %swap3A_9 {strides = array<i32>} : memref<32xi32, #tpu.memory_space<vmem>>, vector<16xi32>,
    %get3A_10 = arith.constant 0 : i32
    %get3A_11 = arith.index_cast %get3A_10 : i32 to index
    %get3A_12 = arith.constant 16 : index
    %get3A_13 = tpu.vector_load %arg7[%get3A_11, %get3A_12] {strides = array<i32>} : memref<200x32xi32, #tpu.memory_space<vmem>>, vector<1x16xi32>,
    %get3A_14 = vector.shape_cast %get3A_13 : vector<1x16xi32> to vector<16xi32>
    %swap3A_15 = arith.constant 16 : index
    %swap3A_16 = tpu.vector_load %arg19[%swap3A_15] {strides = array<i32>} : memref<32xi32, #tpu.memory_space<vmem>>, vector<16xi32>,
    %swap3A_17 = vector.shape_cast %swap3A_16 : vector<16xi32> to vector<16xi32>
    %swap3A_18 = vector.shape_cast %get3A_14 : vector<16xi32> to vector<16xi32>
    tpu.vector_store %arg19[%swap3A_15], %swap3A_18 {strides = array<i32>} : memref<32xi32, #tpu.memory_space<vmem>>, vector<16xi32>,
    %dma_start3A = arith.constant 0 : i32
    %dma_start3A_19 = arith.constant 0 : i32
    %dma_start3A_20 = tpu.memref_slice %arg5[%dma_start3A, %dma_start3A_19] : memref<500000x128xf32, #tpu.memory_space<hbm>> -> memref<500000x128xf32, #tpu.memory_space<hbm>>
    tpu.enqueue_indirect_dma source(%dma_start3A_20 : memref<500000x128xf32, #tpu.memory_space<hbm>>) target(%arg9 : memref<32x128xf32, #tpu.memory_space<vmem>>) offsets(%arg19 : memref<32xi32, #tpu.memory_space<vmem>>) semaphore(%arg29 : memref<!tpu.dma_semaphore, #tpu.memory_space<semaphore_mem>>)
    %dma_start3A_21 = arith.constant 0 : i32
    %dma_start3A_22 = arith.constant 0 : i32
    %dma_start3A_23 = arith.constant 0 : i32
    %dma_start3A_24 = arith.constant 0 : i32
    %dma_start3A_25 = tpu.memref_slice %arg4[%add3A, %dma_start3A_22, %dma_start3A_23, %dma_start3A_24] : memref<32x200x32x16xf32, #tpu.memory_space<hbm>> -> memref<1x200x32x16xf32, #tpu.memory_space<hbm>>
    %dma_start3A_26 = tpu.memref_squeeze %dma_start3A_25 : memref<1x200x32x16xf32, #tpu.memory_space<hbm>> -> memref<200x32x16xf32, #tpu.memory_space<hbm>>
    %dma_start3A_27 = arith.constant 0 : i32
    %dma_start3A_28 = arith.constant 0 : i32
    %dma_start3A_29 = tpu.memref_slice %dma_start3A_26[%dma_start3A_21, %dma_start3A_27, %dma_start3A_28] : memref<200x32x16xf32, #tpu.memory_space<hbm>> -> memref<1x32x16xf32, #tpu.memory_space<hbm>>
    %dma_start3A_30 = tpu.memref_squeeze %dma_start3A_29 : memref<1x32x16xf32, #tpu.memory_space<hbm>> -> memref<32x16xf32, #tpu.memory_space<hbm>>
    %dma_start3A_31 = arith.constant 0 : i32
    %dma_start3A_32 = arith.constant 0 : i32
    %dma_start3A_33 = arith.constant 0 : i32
    %dma_start3A_34 = tpu.memref_slice %arg4[%add3A, %dma_start3A_31, %dma_start3A_32, %dma_start3A_33] : memref<32x200x32x16xf32, #tpu.memory_space<hbm>> -> memref<1x200x32x16xf32, #tpu.memory_space<hbm>>
    %dma_start3A_35 = tpu.memref_squeeze %dma_start3A_34 : memref<1x200x32x16xf32, #tpu.memory_space<hbm>> -> memref<200x32x16xf32, #tpu.memory_space<hbm>>
    %dma_start3A_36 = arith.constant 0 : i32
    %dma_start3A_37 = arith.constant 0 : i32
    %dma_start3A_38 = tpu.memref_slice %dma_start3A_35[%dma_start3A_21, %dma_start3A_36, %dma_start3A_37] : memref<200x32x16xf32, #tpu.memory_space<hbm>> -> memref<1x32x16xf32, #tpu.memory_space<hbm>>
    %dma_start3A_39 = tpu.memref_squeeze %dma_start3A_38 : memref<1x32x16xf32, #tpu.memory_space<hbm>> -> memref<32x16xf32, #tpu.memory_space<hbm>>
    tpu.enqueue_dma source(%dma_start3A_39 : memref<32x16xf32, #tpu.memory_space<hbm>>) target(%arg24 : memref<32x16xf32, #tpu.memory_space<vmem>>) target_semaphore(%arg34 : memref<!tpu.dma_semaphore, #tpu.memory_space<semaphore_mem>>)
    %get3A_40 = arith.constant 1 : i32
    %get3A_41 = arith.index_cast %get3A_40 : i32 to index
    %get3A_42 = arith.constant 0 : index
    %get3A_43 = tpu.vector_load %arg7[%get3A_41, %get3A_42] {strides = array<i32>} : memref<200x32xi32, #tpu.memory_space<vmem>>, vector<1x16xi32>,
    %get3A_44 = vector.shape_cast %get3A_43 : vector<1x16xi32> to vector<16xi32>
    %swap3A_45 = arith.constant 0 : index
    %swap3A_46 = tpu.vector_load %arg20[%swap3A_45] {strides = array<i32>} : memref<32xi32, #tpu.memory_space<vmem>>, vector<16xi32>,
    %swap3A_47 = vector.shape_cast %swap3A_46 : vector<16xi32> to vector<16xi32>
    %swap3A_48 = vector.shape_cast %get3A_44 : vector<16xi32> to vector<16xi32>
    tpu.vector_store %arg20[%swap3A_45], %swap3A_48 {strides = array<i32>} : memref<32xi32, #tpu.memory_space<vmem>>, vector<16xi32>,
    %get3A_49 = arith.constant 1 : i32
    %get3A_50 = arith.index_cast %get3A_49 : i32 to index
    %get3A_51 = arith.constant 16 : index
    %get3A_52 = tpu.vector_load %arg7[%get3A_50, %get3A_51] {strides = array<i32>} : memref<200x32xi32, #tpu.memory_space<vmem>>, vector<1x16xi32>,
    %get3A_53 = vector.shape_cast %get3A_52 : vector<1x16xi32> to vector<16xi32>
    %swap3A_54 = arith.constant 16 : index
    %swap3A_55 = tpu.vector_load %arg20[%swap3A_54] {strides = array<i32>} : memref<32xi32, #tpu.memory_space<vmem>>, vector<16xi32>,
    %swap3A_56 = vector.shape_cast %swap3A_55 : vector<16xi32> to vector<16xi32>
    %swap3A_57 = vector.shape_cast %get3A_53 : vector<16xi32> to vector<16xi32>
    tpu.vector_store %arg20[%swap3A_54], %swap3A_57 {strides = array<i32>} : memref<32xi32, #tpu.memory_space<vmem>>, vector<16xi32>,
    %dma_start3A_58 = arith.constant 0 : i32
    %dma_start3A_59 = arith.constant 0 : i32
    %dma_start3A_60 = tpu.memref_slice %arg5[%dma_start3A_58, %dma_start3A_59] : memref<500000x128xf32, #tpu.memory_space<hbm>> -> memref<500000x128xf32, #tpu.memory_space<hbm>>
    tpu.enqueue_indirect_dma source(%dma_start3A_60 : memref<500000x128xf32, #tpu.memory_space<hbm>>) target(%arg10 : memref<32x128xf32, #tpu.memory_space<vmem>>) offsets(%arg20 : memref<32xi32, #tpu.memory_space<vmem>>) semaphore(%arg30 : memref<!tpu.dma_semaphore, #tpu.memory_space<semaphore_mem>>)
    %dma_start3A_61 = arith.constant 1 : i32
    %dma_start3A_62 = arith.constant 0 : i32
    %dma_start3A_63 = arith.constant 0 : i32
    %dma_start3A_64 = arith.constant 0 : i32
    %dma_start3A_65 = tpu.memref_slice %arg4[%add3A, %dma_start3A_62, %dma_start3A_63, %dma_start3A_64] : memref<32x200x32x16xf32, #tpu.memory_space<hbm>> -> memref<1x200x32x16xf32, #tpu.memory_space<hbm>>
    %dma_start3A_66 = tpu.memref_squeeze %dma_start3A_65 : memref<1x200x32x16xf32, #tpu.memory_space<hbm>> -> memref<200x32x16xf32, #tpu.memory_space<hbm>>
    %dma_start3A_67 = arith.constant 0 : i32
    %dma_start3A_68 = arith.constant 0 : i32
    %dma_start3A_69 = tpu.memref_slice %dma_start3A_66[%dma_start3A_61, %dma_start3A_67, %dma_start3A_68] : memref<200x32x16xf32, #tpu.memory_space<hbm>> -> memref<1x32x16xf32, #tpu.memory_space<hbm>>
    %dma_start3A_70 = tpu.memref_squeeze %dma_start3A_69 : memref<1x32x16xf32, #tpu.memory_space<hbm>> -> memref<32x16xf32, #tpu.memory_space<hbm>>
    %dma_start3A_71 = arith.constant 0 : i32
    %dma_start3A_72 = arith.constant 0 : i32
    %dma_start3A_73 = arith.constant 0 : i32
    %dma_start3A_74 = tpu.memref_slice %arg4[%add3A, %dma_start3A_71, %dma_start3A_72, %dma_start3A_73] : memref<32x200x32x16xf32, #tpu.memory_space<hbm>> -> memref<1x200x32x16xf32, #tpu.memory_space<hbm>>
    %dma_start3A_75 = tpu.memref_squeeze %dma_start3A_74 : memref<1x200x32x16xf32, #tpu.memory_space<hbm>> -> memref<200x32x16xf32, #tpu.memory_space<hbm>>
    %dma_start3A_76 = arith.constant 0 : i32
    %dma_start3A_77 = arith.constant 0 : i32
    %dma_start3A_78 = tpu.memref_slice %dma_start3A_75[%dma_start3A_61, %dma_start3A_76, %dma_start3A_77] : memref<200x32x16xf32, #tpu.memory_space<hbm>> -> memref<1x32x16xf32, #tpu.memory_space<hbm>>
    %dma_start3A_79 = tpu.memref_squeeze %dma_start3A_78 : memref<1x32x16xf32, #tpu.memory_space<hbm>> -> memref<32x16xf32, #tpu.memory_space<hbm>>
    tpu.enqueue_dma source(%dma_start3A_79 : memref<32x16xf32, #tpu.memory_space<hbm>>) target(%arg25 : memref<32x16xf32, #tpu.memory_space<vmem>>) target_semaphore(%arg35 : memref<!tpu.dma_semaphore, #tpu.memory_space<semaphore_mem>>)
    %get3A_80 = arith.constant 2 : i32
    %get3A_81 = arith.index_cast %get3A_80 : i32 to index
    %get3A_82 = arith.constant 0 : index
    %get3A_83 = tpu.vector_load %arg7[%get3A_81, %get3A_82] {strides = array<i32>} : memref<200x32xi32, #tpu.memory_space<vmem>>, vector<1x16xi32>,
    %get3A_84 = vector.shape_cast %get3A_83 : vector<1x16xi32> to vector<16xi32>
    %swap3A_85 = arith.constant 0 : index
    %swap3A_86 = tpu.vector_load %arg21[%swap3A_85] {strides = array<i32>} : memref<32xi32, #tpu.memory_space<vmem>>, vector<16xi32>,
    %swap3A_87 = vector.shape_cast %swap3A_86 : vector<16xi32> to vector<16xi32>
    %swap3A_88 = vector.shape_cast %get3A_84 : vector<16xi32> to vector<16xi32>
    tpu.vector_store %arg21[%swap3A_85], %swap3A_88 {strides = array<i32>} : memref<32xi32, #tpu.memory_space<vmem>>, vector<16xi32>,
    %get3A_89 = arith.constant 2 : i32
    %get3A_90 = arith.index_cast %get3A_89 : i32 to index
    %get3A_91 = arith.constant 16 : index
    %get3A_92 = tpu.vector_load %arg7[%get3A_90, %get3A_91] {strides = array<i32>} : memref<200x32xi32, #tpu.memory_space<vmem>>, vector<1x16xi32>,
    %get3A_93 = vector.shape_cast %get3A_92 : vector<1x16xi32> to vector<16xi32>
    %swap3A_94 = arith.constant 16 : index
    %swap3A_95 = tpu.vector_load %arg21[%swap3A_94] {strides = array<i32>} : memref<32xi32, #tpu.memory_space<vmem>>, vector<16xi32>,
    %swap3A_96 = vector.shape_cast %swap3A_95 : vector<16xi32> to vector<16xi32>
    %swap3A_97 = vector.shape_cast %get3A_93 : vector<16xi32> to vector<16xi32>
    tpu.vector_store %arg21[%swap3A_94], %swap3A_97 {strides = array<i32>} : memref<32xi32, #tpu.memory_space<vmem>>, vector<16xi32>,
    %dma_start3A_98 = arith.constant 0 : i32
    %dma_start3A_99 = arith.constant 0 : i32
    %dma_start3A_100 = tpu.memref_slice %arg5[%dma_start3A_98, %dma_start3A_99] : memref<500000x128xf32, #tpu.memory_space<hbm>> -> memref<500000x128xf32, #tpu.memory_space<hbm>>
    tpu.enqueue_indirect_dma source(%dma_start3A_100 : memref<500000x128xf32, #tpu.memory_space<hbm>>) target(%arg11 : memref<32x128xf32, #tpu.memory_space<vmem>>) offsets(%arg21 : memref<32xi32, #tpu.memory_space<vmem>>) semaphore(%arg31 : memref<!tpu.dma_semaphore, #tpu.memory_space<semaphore_mem>>)
    %dma_start3A_101 = arith.constant 2 : i32
    %dma_start3A_102 = arith.constant 0 : i32
    %dma_start3A_103 = arith.constant 0 : i32
    %dma_start3A_104 = arith.constant 0 : i32
    %dma_start3A_105 = tpu.memref_slice %arg4[%add3A, %dma_start3A_102, %dma_start3A_103, %dma_start3A_104] : memref<32x200x32x16xf32, #tpu.memory_space<hbm>> -> memref<1x200x32x16xf32, #tpu.memory_space<hbm>>
    %dma_start3A_106 = tpu.memref_squeeze %dma_start3A_105 : memref<1x200x32x16xf32, #tpu.memory_space<hbm>> -> memref<200x32x16xf32, #tpu.memory_space<hbm>>
    %dma_start3A_107 = arith.constant 0 : i32
    %dma_start3A_108 = arith.constant 0 : i32
    %dma_start3A_109 = tpu.memref_slice %dma_start3A_106[%dma_start3A_101, %dma_start3A_107, %dma_start3A_108] : memref<200x32x16xf32, #tpu.memory_space<hbm>> -> memref<1x32x16xf32, #tpu.memory_space<hbm>>
    %dma_start3A_110 = tpu.memref_squeeze %dma_start3A_109 : memref<1x32x16xf32, #tpu.memory_space<hbm>> -> memref<32x16xf32, #tpu.memory_space<hbm>>
    %dma_start3A_111 = arith.constant 0 : i32
    %dma_start3A_112 = arith.constant 0 : i32
    %dma_start3A_113 = arith.constant 0 : i32
    %dma_start3A_114 = tpu.memref_slice %arg4[%add3A, %dma_start3A_111, %dma_start3A_112, %dma_start3A_113] : memref<32x200x32x16xf32, #tpu.memory_space<hbm>> -> memref<1x200x32x16xf32, #tpu.memory_space<hbm>>
    %dma_start3A_115 = tpu.memref_squeeze %dma_start3A_114 : memref<1x200x32x16xf32, #tpu.memory_space<hbm>> -> memref<200x32x16xf32, #tpu.memory_space<hbm>>
    %dma_start3A_116 = arith.constant 0 : i32
    %dma_start3A_117 = arith.constant 0 : i32
    %dma_start3A_118 = tpu.memref_slice %dma_start3A_115[%dma_start3A_101, %dma_start3A_116, %dma_start3A_117] : memref<200x32x16xf32, #tpu.memory_space<hbm>> -> memref<1x32x16xf32, #tpu.memory_space<hbm>>
    %dma_start3A_119 = tpu.memref_squeeze %dma_start3A_118 : memref<1x32x16xf32, #tpu.memory_space<hbm>> -> memref<32x16xf32, #tpu.memory_space<hbm>>
    tpu.enqueue_dma source(%dma_start3A_119 : memref<32x16xf32, #tpu.memory_space<hbm>>) target(%arg26 : memref<32x16xf32, #tpu.memory_space<vmem>>) target_semaphore(%arg36 : memref<!tpu.dma_semaphore, #tpu.memory_space<semaphore_mem>>)
    %get3A_120 = arith.constant 3 : i32
    %get3A_121 = arith.index_cast %get3A_120 : i32 to index
    %get3A_122 = arith.constant 0 : index
    %get3A_123 = tpu.vector_load %arg7[%get3A_121, %get3A_122] {strides = array<i32>} : memref<200x32xi32, #tpu.memory_space<vmem>>, vector<1x16xi32>,
    %get3A_124 = vector.shape_cast %get3A_123 : vector<1x16xi32> to vector<16xi32>
    %swap3A_125 = arith.constant 0 : index
    %swap3A_126 = tpu.vector_load %arg22[%swap3A_125] {strides = array<i32>} : memref<32xi32, #tpu.memory_space<vmem>>, vector<16xi32>,
    %swap3A_127 = vector.shape_cast %swap3A_126 : vector<16xi32> to vector<16xi32>
    %swap3A_128 = vector.shape_cast %get3A_124 : vector<16xi32> to vector<16xi32>
    tpu.vector_store %arg22[%swap3A_125], %swap3A_128 {strides = array<i32>} : memref<32xi32, #tpu.memory_space<vmem>>, vector<16xi32>,
    %get3A_129 = arith.constant 3 : i32
    %get3A_130 = arith.index_cast %get3A_129 : i32 to index
    %get3A_131 = arith.constant 16 : index
    %get3A_132 = tpu.vector_load %arg7[%get3A_130, %get3A_131] {strides = array<i32>} : memref<200x32xi32, #tpu.memory_space<vmem>>, vector<1x16xi32>,
    %get3A_133 = vector.shape_cast %get3A_132 : vector<1x16xi32> to vector<16xi32>
    %swap3A_134 = arith.constant 16 : index
    %swap3A_135 = tpu.vector_load %arg22[%swap3A_134] {strides = array<i32>} : memref<32xi32, #tpu.memory_space<vmem>>, vector<16xi32>,
    %swap3A_136 = vector.shape_cast %swap3A_135 : vector<16xi32> to vector<16xi32>
    %swap3A_137 = vector.shape_cast %get3A_133 : vector<16xi32> to vector<16xi32>
    tpu.vector_store %arg22[%swap3A_134], %swap3A_137 {strides = array<i32>} : memref<32xi32, #tpu.memory_space<vmem>>, vector<16xi32>,
    %dma_start3A_138 = arith.constant 0 : i32
    %dma_start3A_139 = arith.constant 0 : i32
    %dma_start3A_140 = tpu.memref_slice %arg5[%dma_start3A_138, %dma_start3A_139] : memref<500000x128xf32, #tpu.memory_space<hbm>> -> memref<500000x128xf32, #tpu.memory_space<hbm>>
    tpu.enqueue_indirect_dma source(%dma_start3A_140 : memref<500000x128xf32, #tpu.memory_space<hbm>>) target(%arg12 : memref<32x128xf32, #tpu.memory_space<vmem>>) offsets(%arg22 : memref<32xi32, #tpu.memory_space<vmem>>) semaphore(%arg32 : memref<!tpu.dma_semaphore, #tpu.memory_space<semaphore_mem>>)
    %dma_start3A_141 = arith.constant 3 : i32
    %dma_start3A_142 = arith.constant 0 : i32
    %dma_start3A_143 = arith.constant 0 : i32
    %dma_start3A_144 = arith.constant 0 : i32
    %dma_start3A_145 = tpu.memref_slice %arg4[%add3A, %dma_start3A_142, %dma_start3A_143, %dma_start3A_144] : memref<32x200x32x16xf32, #tpu.memory_space<hbm>> -> memref<1x200x32x16xf32, #tpu.memory_space<hbm>>
    %dma_start3A_146 = tpu.memref_squeeze %dma_start3A_145 : memref<1x200x32x16xf32, #tpu.memory_space<hbm>> -> memref<200x32x16xf32, #tpu.memory_space<hbm>>
    %dma_start3A_147 = arith.constant 0 : i32
    %dma_start3A_148 = arith.constant 0 : i32
    %dma_start3A_149 = tpu.memref_slice %dma_start3A_146[%dma_start3A_141, %dma_start3A_147, %dma_start3A_148] : memref<200x32x16xf32, #tpu.memory_space<hbm>> -> memref<1x32x16xf32, #tpu.memory_space<hbm>>
    %dma_start3A_150 = tpu.memref_squeeze %dma_start3A_149 : memref<1x32x16xf32, #tpu.memory_space<hbm>> -> memref<32x16xf32, #tpu.memory_space<hbm>>
    %dma_start3A_151 = arith.constant 0 : i32
    %dma_start3A_152 = arith.constant 0 : i32
    %dma_start3A_153 = arith.constant 0 : i32
    %dma_start3A_154 = tpu.memref_slice %arg4[%add3A, %dma_start3A_151, %dma_start3A_152, %dma_start3A_153] : memref<32x200x32x16xf32, #tpu.memory_space<hbm>> -> memref<1x200x32x16xf32, #tpu.memory_space<hbm>>
    %dma_start3A_155 = tpu.memref_squeeze %dma_start3A_154 : memref<1x200x32x16xf32, #tpu.memory_space<hbm>> -> memref<200x32x16xf32, #tpu.memory_space<hbm>>
    %dma_start3A_156 = arith.constant 0 : i32
    %dma_start3A_157 = arith.constant 0 : i32
    %dma_start3A_158 = tpu.memref_slice %dma_start3A_155[%dma_start3A_141, %dma_start3A_156, %dma_start3A_157] : memref<200x32x16xf32, #tpu.memory_space<hbm>> -> memref<1x32x16xf32, #tpu.memory_space<hbm>>
    %dma_start3A_159 = tpu.memref_squeeze %dma_start3A_158 : memref<1x32x16xf32, #tpu.memory_space<hbm>> -> memref<32x16xf32, #tpu.memory_space<hbm>>
    tpu.enqueue_dma source(%dma_start3A_159 : memref<32x16xf32, #tpu.memory_space<hbm>>) target(%arg27 : memref<32x16xf32, #tpu.memory_space<vmem>>) target_semaphore(%arg37 : memref<!tpu.dma_semaphore, #tpu.memory_space<semaphore_mem>>)
    %scan3A = arith.constant 0 : i32
    %scan3A_160 = arith.constant 0 : i32
    %scan3A_161 = arith.constant 40 : i32
    %scan3A_162 = arith.addi %scan3A_160, %scan3A_161 : i32
    %scan3A_163 = arith.constant 1 : i32
    scf.for %scan3A_194 = %scan3A_160 to %scan3A_162 step %scan3A_163  : i32 {
      %mul3A_195 = arith.constant 5 : i32
      %mul3A_196 = arith.muli %scan3A_194, %mul3A_195 : i32
      %add3A_197 = arith.constant 0 : i32
      %add3A_198 = arith.addi %mul3A_196, %add3A_197 : i32
      %dma_wait3A_199 = arith.constant 0 : i32
      %dma_wait3A_200 = arith.constant 0 : i32
      %dma_wait3A_201 = tpu.memref_slice %arg5[%dma_wait3A_199, %dma_wait3A_200] : memref<500000x128xf32, #tpu.memory_space<hbm>> -> memref<500000x128xf32, #tpu.memory_space<hbm>>
      tpu.wait_indirect_dma semaphore(%arg29 : memref<!tpu.dma_semaphore, #tpu.memory_space<semaphore_mem>>) src(%dma_wait3A_201 : memref<500000x128xf32, #tpu.memory_space<hbm>>) dst(%arg9 : memref<32x128xf32, #tpu.memory_space<vmem>>)
      %dma_wait3A_202 = arith.constant 0 : i32
      %dma_wait3A_203 = arith.constant 0 : i32
      %dma_wait3A_204 = arith.constant 0 : i32
      %dma_wait3A_205 = tpu.memref_slice %arg4[%add3A, %dma_wait3A_202, %dma_wait3A_203, %dma_wait3A_204] : memref<32x200x32x16xf32, #tpu.memory_space<hbm>> -> memref<1x200x32x16xf32, #tpu.memory_space<hbm>>
      %dma_wait3A_206 = tpu.memref_squeeze %dma_wait3A_205 : memref<1x200x32x16xf32, #tpu.memory_space<hbm>> -> memref<200x32x16xf32, #tpu.memory_space<hbm>>
      %dma_wait3A_207 = arith.constant 0 : i32
      %dma_wait3A_208 = arith.constant 0 : i32
      %dma_wait3A_209 = tpu.memref_slice %dma_wait3A_206[%add3A_198, %dma_wait3A_207, %dma_wait3A_208] : memref<200x32x16xf32, #tpu.memory_space<hbm>> -> memref<1x32x16xf32, #tpu.memory_space<hbm>>
      %dma_wait3A_210 = tpu.memref_squeeze %dma_wait3A_209 : memref<1x32x16xf32, #tpu.memory_space<hbm>> -> memref<32x16xf32, #tpu.memory_space<hbm>>
      %dma_wait3A_211 = arith.constant 0 : i32
      %dma_wait3A_212 = arith.constant 0 : i32
      %dma_wait3A_213 = arith.constant 0 : i32
      %dma_wait3A_214 = tpu.memref_slice %arg4[%add3A, %dma_wait3A_211, %dma_wait3A_212, %dma_wait3A_213] : memref<32x200x32x16xf32, #tpu.memory_space<hbm>> -> memref<1x200x32x16xf32, #tpu.memory_space<hbm>>
      %dma_wait3A_215 = tpu.memref_squeeze %dma_wait3A_214 : memref<1x200x32x16xf32, #tpu.memory_space<hbm>> -> memref<200x32x16xf32, #tpu.memory_space<hbm>>
      %dma_wait3A_216 = arith.constant 0 : i32
      %dma_wait3A_217 = arith.constant 0 : i32
      %dma_wait3A_218 = tpu.memref_slice %dma_wait3A_215[%add3A_198, %dma_wait3A_216, %dma_wait3A_217] : memref<200x32x16xf32, #tpu.memory_space<hbm>> -> memref<1x32x16xf32, #tpu.memory_space<hbm>>
      %dma_wait3A_219 = tpu.memref_squeeze %dma_wait3A_218 : memref<1x32x16xf32, #tpu.memory_space<hbm>> -> memref<32x16xf32, #tpu.memory_space<hbm>>
      tpu.wait_dma2 semaphore(%arg34 : memref<!tpu.dma_semaphore, #tpu.memory_space<semaphore_mem>>) src(%dma_wait3A_219 : memref<32x16xf32, #tpu.memory_space<hbm>>) dst(%arg24 : memref<32x16xf32, #tpu.memory_space<vmem>>)
      %add3A_220 = arith.constant 5 : i32
      %add3A_221 = arith.addi %add3A_198, %add3A_220 : i32
      %sub3A = arith.constant 1 : i32
      %sub3A_222 = arith.subi %add3A_221, %sub3A : i32
      %lt3A = arith.constant 200 : i32
      %lt3A_223 = arith.cmpi slt, %sub3A_222, %lt3A : i32
      %convert_element_type3A = arith.extui %lt3A_223 : i1 to i32
      %cond3A = arith.constant 0 : i32
      %cond3A_224 = arith.cmpi ne, %convert_element_type3A, %cond3A : i32
      scf.if %cond3A_224 {
        %add3A_518 = arith.constant 5 : i32
        %add3A_519 = arith.addi %add3A_198, %add3A_518 : i32
        %sub3A_520 = arith.constant 1 : i32
        %sub3A_521 = arith.subi %add3A_519, %sub3A_520 : i32
        %get3A_522 = arith.index_cast %sub3A_521 : i32 to index
        %get3A_523 = arith.constant 0 : index
        %get3A_524 = tpu.vector_load %arg7[%get3A_522, %get3A_523] {strides = array<i32>} : memref<200x32xi32, #tpu.memory_space<vmem>>, vector<1x16xi32>,
        %get3A_525 = vector.shape_cast %get3A_524 : vector<1x16xi32> to vector<16xi32>
        %swap3A_526 = arith.constant 0 : index
        %swap3A_527 = tpu.vector_load %arg23[%swap3A_526] {strides = array<i32>} : memref<32xi32, #tpu.memory_space<vmem>>, vector<16xi32>,
        %swap3A_528 = vector.shape_cast %swap3A_527 : vector<16xi32> to vector<16xi32>
        %swap3A_529 = vector.shape_cast %get3A_525 : vector<16xi32> to vector<16xi32>
        tpu.vector_store %arg23[%swap3A_526], %swap3A_529 {strides = array<i32>} : memref<32xi32, #tpu.memory_space<vmem>>, vector<16xi32>,
        %get3A_530 = arith.index_cast %sub3A_521 : i32 to index
        %get3A_531 = arith.constant 16 : index
        %get3A_532 = tpu.vector_load %arg7[%get3A_530, %get3A_531] {strides = array<i32>} : memref<200x32xi32, #tpu.memory_space<vmem>>, vector<1x16xi32>,
        %get3A_533 = vector.shape_cast %get3A_532 : vector<1x16xi32> to vector<16xi32>
        %swap3A_534 = arith.constant 16 : index
        %swap3A_535 = tpu.vector_load %arg23[%swap3A_534] {strides = array<i32>} : memref<32xi32, #tpu.memory_space<vmem>>, vector<16xi32>,
        %swap3A_536 = vector.shape_cast %swap3A_535 : vector<16xi32> to vector<16xi32>
        %swap3A_537 = vector.shape_cast %get3A_533 : vector<16xi32> to vector<16xi32>
        tpu.vector_store %arg23[%swap3A_534], %swap3A_537 {strides = array<i32>} : memref<32xi32, #tpu.memory_space<vmem>>, vector<16xi32>,
        %dma_start3A_538 = arith.constant 0 : i32
        %dma_start3A_539 = arith.constant 0 : i32
        %dma_start3A_540 = tpu.memref_slice %arg5[%dma_start3A_538, %dma_start3A_539] : memref<500000x128xf32, #tpu.memory_space<hbm>> -> memref<500000x128xf32, #tpu.memory_space<hbm>>
        tpu.enqueue_indirect_dma source(%dma_start3A_540 : memref<500000x128xf32, #tpu.memory_space<hbm>>) target(%arg13 : memref<32x128xf32, #tpu.memory_space<vmem>>) offsets(%arg23 : memref<32xi32, #tpu.memory_space<vmem>>) semaphore(%arg33 : memref<!tpu.dma_semaphore, #tpu.memory_space<semaphore_mem>>)
        %dma_start3A_541 = arith.constant 0 : i32
        %dma_start3A_542 = arith.constant 0 : i32
        %dma_start3A_543 = arith.constant 0 : i32
        %dma_start3A_544 = tpu.memref_slice %arg4[%add3A, %dma_start3A_541, %dma_start3A_542, %dma_start3A_543] : memref<32x200x32x16xf32, #tpu.memory_space<hbm>> -> memref<1x200x32x16xf32, #tpu.memory_space<hbm>>
        %dma_start3A_545 = tpu.memref_squeeze %dma_start3A_544 : memref<1x200x32x16xf32, #tpu.memory_space<hbm>> -> memref<200x32x16xf32, #tpu.memory_space<hbm>>
        %dma_start3A_546 = arith.constant 0 : i32
        %dma_start3A_547 = arith.constant 0 : i32
        %dma_start3A_548 = tpu.memref_slice %dma_start3A_545[%sub3A_521, %dma_start3A_546, %dma_start3A_547] : memref<200x32x16xf32, #tpu.memory_space<hbm>> -> memref<1x32x16xf32, #tpu.memory_space<hbm>>
        %dma_start3A_549 = tpu.memref_squeeze %dma_start3A_548 : memref<1x32x16xf32, #tpu.memory_space<hbm>> -> memref<32x16xf32, #tpu.memory_space<hbm>>
        %dma_start3A_550 = arith.constant 0 : i32
        %dma_start3A_551 = arith.constant 0 : i32
        %dma_start3A_552 = arith.constant 0 : i32
        %dma_start3A_553 = tpu.memref_slice %arg4[%add3A, %dma_start3A_550, %dma_start3A_551, %dma_start3A_552] : memref<32x200x32x16xf32, #tpu.memory_space<hbm>> -> memref<1x200x32x16xf32, #tpu.memory_space<hbm>>
        %dma_start3A_554 = tpu.memref_squeeze %dma_start3A_553 : memref<1x200x32x16xf32, #tpu.memory_space<hbm>> -> memref<200x32x16xf32, #tpu.memory_space<hbm>>
        %dma_start3A_555 = arith.constant 0 : i32
        %dma_start3A_556 = arith.constant 0 : i32
        %dma_start3A_557 = tpu.memref_slice %dma_start3A_554[%sub3A_521, %dma_start3A_555, %dma_start3A_556] : memref<200x32x16xf32, #tpu.memory_space<hbm>> -> memref<1x32x16xf32, #tpu.memory_space<hbm>>
        %dma_start3A_558 = tpu.memref_squeeze %dma_start3A_557 : memref<1x32x16xf32, #tpu.memory_space<hbm>> -> memref<32x16xf32, #tpu.memory_space<hbm>>
        tpu.enqueue_dma source(%dma_start3A_558 : memref<32x16xf32, #tpu.memory_space<hbm>>) target(%arg28 : memref<32x16xf32, #tpu.memory_space<vmem>>) target_semaphore(%arg38 : memref<!tpu.dma_semaphore, #tpu.memory_space<semaphore_mem>>)
      } else {
      }
      %ge3A = arith.constant 1 : i32
      %ge3A_225 = arith.cmpi sge, %scan3A_194, %ge3A : i32
      %convert_element_type3A_226 = arith.extui %ge3A_225 : i1 to i32
      %cond3A_227 = arith.constant 0 : i32
      %cond3A_228 = arith.cmpi ne, %convert_element_type3A_226, %cond3A_227 : i32
      scf.if %cond3A_228 {
        %dma_wait3A_518 = arith.constant 0 : i32
        %dma_wait3A_519 = arith.constant 0 : i32
        %dma_wait3A_520 = tpu.memref_slice %arg6[%dma_wait3A_518, %dma_wait3A_519] : memref<204800x64xf32, #tpu.memory_space<hbm>> -> memref<32x64xf32, #tpu.memory_space<hbm>>
        %dma_wait3A_521 = arith.constant 0 : i32
        %dma_wait3A_522 = arith.constant 0 : i32
        %dma_wait3A_523 = tpu.memref_slice %arg6[%dma_wait3A_521, %dma_wait3A_522] : memref<204800x64xf32, #tpu.memory_space<hbm>> -> memref<32x64xf32, #tpu.memory_space<hbm>>
        tpu.wait_dma2 semaphore(%arg39 : memref<!tpu.dma_semaphore, #tpu.memory_space<semaphore_mem>>) src(%arg14 : memref<32x64xf32, #tpu.memory_space<vmem>>) dst(%dma_wait3A_523 : memref<32x64xf32, #tpu.memory_space<hbm>>)
      } else {
      }
      %mul3A_229 = arith.constant 32 : i32
      %mul3A_230 = arith.muli %add3A_198, %mul3A_229 : i32
      %jit3A = arith.constant 200 : i32
      %eq3A = arith.constant 0 : i32
      %eq3A_231 = arith.cmpi eq, %jit3A, %eq3A : i32
      %jit3A_232 = arith.constant 1 : i32
      %select_n3A = arith.select %eq3A_231, %jit3A_232, %jit3A : i32
      %rem3A = arith.remsi %mul3A_230, %select_n3A : i32
      %ne3A = arith.constant 0 : i32
      %ne3A_233 = arith.cmpi ne, %rem3A, %ne3A : i32
      %lt3A_234 = arith.constant 0 : i32
      %lt3A_235 = arith.cmpi slt, %rem3A, %lt3A_234 : i32
      %lt3A_236 = arith.constant 0 : i32
      %lt3A_237 = arith.cmpi slt, %select_n3A, %lt3A_236 : i32
      %ne3A_238 = arith.xori %lt3A_235, %lt3A_237 : i1
      %and3A = arith.andi %ne3A_238, %ne3A_233 : i1
      %add3A_239 = arith.addi %rem3A, %select_n3A : i32
      %select_n3A_240 = arith.select %and3A, %add3A_239, %rem3A : i32
      %parallel_loop3A = arith.constant 0 : i32
      %parallel_loop3A_241 = arith.constant 32 : i32
      %parallel_loop3A_242 = arith.constant 1 : i32
      scf.for %parallel_loop3A_518 = %parallel_loop3A to %parallel_loop3A_241 step %parallel_loop3A_242  : i32 {
        %parallel_loop3A_519 = arith.index_cast %parallel_loop3A_518 : i32 to index
        %parallel_loop3A_520 = arith.constant 0 : index
        %parallel_loop3A_521 = tpu.vector_load %arg24[%parallel_loop3A_519, %parallel_loop3A_520] {strides = array<i32>} : memref<32x16xf32, #tpu.memory_space<vmem>>, vector<1x16xf32>,
        %parallel_loop3A_522 = vector.shape_cast %parallel_loop3A_521 : vector<1x16xf32> to vector<16xf32>
        %parallel_loop3A_523 = arith.index_cast %parallel_loop3A_518 : i32 to index
        %parallel_loop3A_524 = arith.constant 0 : index
        %parallel_loop3A_525 = tpu.vector_load %arg9[%parallel_loop3A_523, %parallel_loop3A_524] {strides = array<i32>} : memref<32x128xf32, #tpu.memory_space<vmem>>, vector<1x16xf32>,
        %parallel_loop3A_526 = vector.shape_cast %parallel_loop3A_525 : vector<1x16xf32> to vector<16xf32>
        %parallel_loop3A_527 = arith.index_cast %parallel_loop3A_518 : i32 to index
        %parallel_loop3A_528 = arith.constant 64 : index
        %parallel_loop3A_529 = tpu.vector_load %arg9[%parallel_loop3A_527, %parallel_loop3A_528] {strides = array<i32>} : memref<32x128xf32, #tpu.memory_space<vmem>>, vector<1x16xf32>,
        %parallel_loop3A_530 = vector.shape_cast %parallel_loop3A_529 : vector<1x16xf32> to vector<16xf32>
        %parallel_loop3A_531 = arith.subf %parallel_loop3A_530, %parallel_loop3A_526 : vector<16xf32>
        %parallel_loop3A_532 = arith.mulf %parallel_loop3A_531, %parallel_loop3A_522 : vector<16xf32>
        %parallel_loop3A_533 = arith.addf %parallel_loop3A_526, %parallel_loop3A_532 : vector<16xf32>
        %parallel_loop3A_534 = arith.constant 8.000000e+00 : f32
        %parallel_loop3A_535 = vector.broadcast %parallel_loop3A_534 : f32 to vector<16xf32>
        %parallel_loop3A_536 = arith.mulf %parallel_loop3A_533, %parallel_loop3A_535 : vector<16xf32>
        %parallel_loop3A_537 = arith.addi %select_n3A_240, %parallel_loop3A_518 : i32
        %parallel_loop3A_538 = arith.index_cast %parallel_loop3A_537 : i32 to index
        %parallel_loop3A_539 = arith.constant 0 : index
        %parallel_loop3A_540 = tpu.vector_load %arg8[%parallel_loop3A_538, %parallel_loop3A_539] {strides = array<i32>} : memref<224x64xf32, #tpu.memory_space<vmem>>, vector<1x16xf32>,
        %parallel_loop3A_541 = vector.shape_cast %parallel_loop3A_540 : vector<1x16xf32> to vector<16xf32>
        %parallel_loop3A_542 = arith.addf %parallel_loop3A_536, %parallel_loop3A_541 : vector<16xf32>
        %parallel_loop3A_543 = arith.index_cast %parallel_loop3A_518 : i32 to index
        %parallel_loop3A_544 = arith.constant 0 : index
        %parallel_loop3A_545 = tpu.vector_load %arg14[%parallel_loop3A_543, %parallel_loop3A_544] {strides = array<i32>} : memref<32x64xf32, #tpu.memory_space<vmem>>, vector<1x16xf32>,
        %parallel_loop3A_546 = vector.shape_cast %parallel_loop3A_545 : vector<1x16xf32> to vector<16xf32>
        %parallel_loop3A_547 = vector.shape_cast %parallel_loop3A_542 : vector<16xf32> to vector<1x16xf32>
        tpu.vector_store %arg14[%parallel_loop3A_543, %parallel_loop3A_544], %parallel_loop3A_547 {strides = array<i32>} : memref<32x64xf32, #tpu.memory_space<vmem>>, vector<1x16xf32>,
        %parallel_loop3A_548 = arith.index_cast %parallel_loop3A_518 : i32 to index
        %parallel_loop3A_549 = arith.constant 16 : index
        %parallel_loop3A_550 = tpu.vector_load %arg9[%parallel_loop3A_548, %parallel_loop3A_549] {strides = array<i32>} : memref<32x128xf32, #tpu.memory_space<vmem>>, vector<1x16xf32>,
        %parallel_loop3A_551 = vector.shape_cast %parallel_loop3A_550 : vector<1x16xf32> to vector<16xf32>
        %parallel_loop3A_552 = arith.index_cast %parallel_loop3A_518 : i32 to index
        %parallel_loop3A_553 = arith.constant 80 : index
        %parallel_loop3A_554 = tpu.vector_load %arg9[%parallel_loop3A_552, %parallel_loop3A_553] {strides = array<i32>} : memref<32x128xf32, #tpu.memory_space<vmem>>, vector<1x16xf32>,
        %parallel_loop3A_555 = vector.shape_cast %parallel_loop3A_554 : vector<1x16xf32> to vector<16xf32>
        %parallel_loop3A_556 = arith.subf %parallel_loop3A_555, %parallel_loop3A_551 : vector<16xf32>
        %parallel_loop3A_557 = arith.mulf %parallel_loop3A_556, %parallel_loop3A_522 : vector<16xf32>
        %parallel_loop3A_558 = arith.addf %parallel_loop3A_551, %parallel_loop3A_557 : vector<16xf32>
        %parallel_loop3A_559 = arith.constant 8.000000e+00 : f32
        %parallel_loop3A_560 = vector.broadcast %parallel_loop3A_559 : f32 to vector<16xf32>
        %parallel_loop3A_561 = arith.mulf %parallel_loop3A_558, %parallel_loop3A_560 : vector<16xf32>
        %parallel_loop3A_562 = arith.addi %select_n3A_240, %parallel_loop3A_518 : i32
        %parallel_loop3A_563 = arith.index_cast %parallel_loop3A_562 : i32 to index
        %parallel_loop3A_564 = arith.constant 16 : index
        %parallel_loop3A_565 = tpu.vector_load %arg8[%parallel_loop3A_563, %parallel_loop3A_564] {strides = array<i32>} : memref<224x64xf32, #tpu.memory_space<vmem>>, vector<1x16xf32>,
        %parallel_loop3A_566 = vector.shape_cast %parallel_loop3A_565 : vector<1x16xf32> to vector<16xf32>
        %parallel_loop3A_567 = arith.addf %parallel_loop3A_561, %parallel_loop3A_566 : vector<16xf32>
        %parallel_loop3A_568 = arith.index_cast %parallel_loop3A_518 : i32 to index
        %parallel_loop3A_569 = arith.constant 16 : index
        %parallel_loop3A_570 = tpu.vector_load %arg14[%parallel_loop3A_568, %parallel_loop3A_569] {strides = array<i32>} : memref<32x64xf32, #tpu.memory_space<vmem>>, vector<1x16xf32>,
        %parallel_loop3A_571 = vector.shape_cast %parallel_loop3A_570 : vector<1x16xf32> to vector<16xf32>
        %parallel_loop3A_572 = vector.shape_cast %parallel_loop3A_567 : vector<16xf32> to vector<1x16xf32>
        tpu.vector_store %arg14[%parallel_loop3A_568, %parallel_loop3A_569], %parallel_loop3A_572 {strides = array<i32>} : memref<32x64xf32, #tpu.memory_space<vmem>>, vector<1x16xf32>,
        %parallel_loop3A_573 = arith.index_cast %parallel_loop3A_518 : i32 to index
        %parallel_loop3A_574 = arith.constant 32 : index
        %parallel_loop3A_575 = tpu.vector_load %arg9[%parallel_loop3A_573, %parallel_loop3A_574] {strides = array<i32>} : memref<32x128xf32, #tpu.memory_space<vmem>>, vector<1x16xf32>,
        %parallel_loop3A_576 = vector.shape_cast %parallel_loop3A_575 : vector<1x16xf32> to vector<16xf32>
        %parallel_loop3A_577 = arith.index_cast %parallel_loop3A_518 : i32 to index
        %parallel_loop3A_578 = arith.constant 96 : index
        %parallel_loop3A_579 = tpu.vector_load %arg9[%parallel_loop3A_577, %parallel_loop3A_578] {strides = array<i32>} : memref<32x128xf32, #tpu.memory_space<vmem>>, vector<1x16xf32>,
        %parallel_loop3A_580 = vector.shape_cast %parallel_loop3A_579 : vector<1x16xf32> to vector<16xf32>
        %parallel_loop3A_581 = arith.subf %parallel_loop3A_580, %parallel_loop3A_576 : vector<16xf32>
        %parallel_loop3A_582 = arith.mulf %parallel_loop3A_581, %parallel_loop3A_522 : vector<16xf32>
        %parallel_loop3A_583 = arith.addf %parallel_loop3A_576, %parallel_loop3A_582 : vector<16xf32>
        %parallel_loop3A_584 = arith.constant 8.000000e+00 : f32
        %parallel_loop3A_585 = vector.broadcast %parallel_loop3A_584 : f32 to vector<16xf32>
        %parallel_loop3A_586 = arith.mulf %parallel_loop3A_583, %parallel_loop3A_585 : vector<16xf32>
        %parallel_loop3A_587 = arith.addi %select_n3A_240, %parallel_loop3A_518 : i32
        %parallel_loop3A_588 = arith.index_cast %parallel_loop3A_587 : i32 to index
        %parallel_loop3A_589 = arith.constant 32 : index
        %parallel_loop3A_590 = tpu.vector_load %arg8[%parallel_loop3A_588, %parallel_loop3A_589] {strides = array<i32>} : memref<224x64xf32, #tpu.memory_space<vmem>>, vector<1x16xf32>,
        %parallel_loop3A_591 = vector.shape_cast %parallel_loop3A_590 : vector<1x16xf32> to vector<16xf32>
        %parallel_loop3A_592 = arith.addf %parallel_loop3A_586, %parallel_loop3A_591 : vector<16xf32>
        %parallel_loop3A_593 = arith.index_cast %parallel_loop3A_518 : i32 to index
        %parallel_loop3A_594 = arith.constant 32 : index
        %parallel_loop3A_595 = tpu.vector_load %arg14[%parallel_loop3A_593, %parallel_loop3A_594] {strides = array<i32>} : memref<32x64xf32, #tpu.memory_space<vmem>>, vector<1x16xf32>,
        %parallel_loop3A_596 = vector.shape_cast %parallel_loop3A_595 : vector<1x16xf32> to vector<16xf32>
        %parallel_loop3A_597 = vector.shape_cast %parallel_loop3A_592 : vector<16xf32> to vector<1x16xf32>
        tpu.vector_store %arg14[%parallel_loop3A_593, %parallel_loop3A_594], %parallel_loop3A_597 {strides = array<i32>} : memref<32x64xf32, #tpu.memory_space<vmem>>, vector<1x16xf32>,
        %parallel_loop3A_598 = arith.index_cast %parallel_loop3A_518 : i32 to index
        %parallel_loop3A_599 = arith.constant 48 : index
        %parallel_loop3A_600 = tpu.vector_load %arg9[%parallel_loop3A_598, %parallel_loop3A_599] {strides = array<i32>} : memref<32x128xf32, #tpu.memory_space<vmem>>, vector<1x16xf32>,
        %parallel_loop3A_601 = vector.shape_cast %parallel_loop3A_600 : vector<1x16xf32> to vector<16xf32>
        %parallel_loop3A_602 = arith.index_cast %parallel_loop3A_518 : i32 to index
        %parallel_loop3A_603 = arith.constant 112 : index
        %parallel_loop3A_604 = tpu.vector_load %arg9[%parallel_loop3A_602, %parallel_loop3A_603] {strides = array<i32>} : memref<32x128xf32, #tpu.memory_space<vmem>>, vector<1x16xf32>,
        %parallel_loop3A_605 = vector.shape_cast %parallel_loop3A_604 : vector<1x16xf32> to vector<16xf32>
        %parallel_loop3A_606 = arith.subf %parallel_loop3A_605, %parallel_loop3A_601 : vector<16xf32>
        %parallel_loop3A_607 = arith.mulf %parallel_loop3A_606, %parallel_loop3A_522 : vector<16xf32>
        %parallel_loop3A_608 = arith.addf %parallel_loop3A_601, %parallel_loop3A_607 : vector<16xf32>
        %parallel_loop3A_609 = arith.constant 8.000000e+00 : f32
        %parallel_loop3A_610 = vector.broadcast %parallel_loop3A_609 : f32 to vector<16xf32>
        %parallel_loop3A_611 = arith.mulf %parallel_loop3A_608, %parallel_loop3A_610 : vector<16xf32>
        %parallel_loop3A_612 = arith.addi %select_n3A_240, %parallel_loop3A_518 : i32
        %parallel_loop3A_613 = arith.index_cast %parallel_loop3A_612 : i32 to index
        %parallel_loop3A_614 = arith.constant 48 : index
        %parallel_loop3A_615 = tpu.vector_load %arg8[%parallel_loop3A_613, %parallel_loop3A_614] {strides = array<i32>} : memref<224x64xf32, #tpu.memory_space<vmem>>, vector<1x16xf32>,
        %parallel_loop3A_616 = vector.shape_cast %parallel_loop3A_615 : vector<1x16xf32> to vector<16xf32>
        %parallel_loop3A_617 = arith.addf %parallel_loop3A_611, %parallel_loop3A_616 : vector<16xf32>
        %parallel_loop3A_618 = arith.index_cast %parallel_loop3A_518 : i32 to index
        %parallel_loop3A_619 = arith.constant 48 : index
        %parallel_loop3A_620 = tpu.vector_load %arg14[%parallel_loop3A_618, %parallel_loop3A_619] {strides = array<i32>} : memref<32x64xf32, #tpu.memory_space<vmem>>, vector<1x16xf32>,
        %parallel_loop3A_621 = vector.shape_cast %parallel_loop3A_620 : vector<1x16xf32> to vector<16xf32>
        %parallel_loop3A_622 = vector.shape_cast %parallel_loop3A_617 : vector<16xf32> to vector<1x16xf32>
        tpu.vector_store %arg14[%parallel_loop3A_618, %parallel_loop3A_619], %parallel_loop3A_622 {strides = array<i32>} : memref<32x64xf32, #tpu.memory_space<vmem>>, vector<1x16xf32>,
      } {sc.loop_unroll_factor = 4 : i64, sc.parallel_access}
      %mul3A_243 = arith.constant 32 : i32
      %mul3A_244 = arith.muli %add3A_198, %mul3A_243 : i32
      %add3A_245 = arith.addi %mul3A_2, %mul3A_244 : i32
      %dma_start3A_246 = arith.constant 0 : i32
      %dma_start3A_247 = tpu.memref_slice %arg6[%add3A_245, %dma_start3A_246] : memref<204800x64xf32, #tpu.memory_space<hbm>> -> memref<32x64xf32, #tpu.memory_space<hbm>>
      %dma_start3A_248 = arith.constant 0 : i32
      %dma_start3A_249 = tpu.memref_slice %arg6[%add3A_245, %dma_start3A_248] : memref<204800x64xf32, #tpu.memory_space<hbm>> -> memref<32x64xf32, #tpu.memory_space<hbm>>
      tpu.enqueue_dma source(%arg14 : memref<32x64xf32, #tpu.memory_space<vmem>>) target(%dma_start3A_249 : memref<32x64xf32, #tpu.memory_space<hbm>>) target_semaphore(%arg39 : memref<!tpu.dma_semaphore, #tpu.memory_space<semaphore_mem>>)
      %mul3A_250 = arith.constant 5 : i32
      %mul3A_251 = arith.muli %scan3A_194, %mul3A_250 : i32
      %add3A_252 = arith.constant 1 : i32
      %add3A_253 = arith.addi %mul3A_251, %add3A_252 : i32
      %dma_wait3A_254 = arith.constant 0 : i32
      %dma_wait3A_255 = arith.constant 0 : i32
      %dma_wait3A_256 = tpu.memref_slice %arg5[%dma_wait3A_254, %dma_wait3A_255] : memref<500000x128xf32, #tpu.memory_space<hbm>> -> memref<500000x128xf32, #tpu.memory_space<hbm>>
      tpu.wait_indirect_dma semaphore(%arg30 : memref<!tpu.dma_semaphore, #tpu.memory_space<semaphore_mem>>) src(%dma_wait3A_256 : memref<500000x128xf32, #tpu.memory_space<hbm>>) dst(%arg10 : memref<32x128xf32, #tpu.memory_space<vmem>>)
      %dma_wait3A_257 = arith.constant 0 : i32
      %dma_wait3A_258 = arith.constant 0 : i32
      %dma_wait3A_259 = arith.constant 0 : i32
      %dma_wait3A_260 = tpu.memref_slice %arg4[%add3A, %dma_wait3A_257, %dma_wait3A_258, %dma_wait3A_259] : memref<32x200x32x16xf32, #tpu.memory_space<hbm>> -> memref<1x200x32x16xf32, #tpu.memory_space<hbm>>
      %dma_wait3A_261 = tpu.memref_squeeze %dma_wait3A_260 : memref<1x200x32x16xf32, #tpu.memory_space<hbm>> -> memref<200x32x16xf32, #tpu.memory_space<hbm>>
      %dma_wait3A_262 = arith.constant 0 : i32
      %dma_wait3A_263 = arith.constant 0 : i32
      %dma_wait3A_264 = tpu.memref_slice %dma_wait3A_261[%add3A_253, %dma_wait3A_262, %dma_wait3A_263] : memref<200x32x16xf32, #tpu.memory_space<hbm>> -> memref<1x32x16xf32, #tpu.memory_space<hbm>>
      %dma_wait3A_265 = tpu.memref_squeeze %dma_wait3A_264 : memref<1x32x16xf32, #tpu.memory_space<hbm>> -> memref<32x16xf32, #tpu.memory_space<hbm>>
      %dma_wait3A_266 = arith.constant 0 : i32
      %dma_wait3A_267 = arith.constant 0 : i32
      %dma_wait3A_268 = arith.constant 0 : i32
      %dma_wait3A_269 = tpu.memref_slice %arg4[%add3A, %dma_wait3A_266, %dma_wait3A_267, %dma_wait3A_268] : memref<32x200x32x16xf32, #tpu.memory_space<hbm>> -> memref<1x200x32x16xf32, #tpu.memory_space<hbm>>
      %dma_wait3A_270 = tpu.memref_squeeze %dma_wait3A_269 : memref<1x200x32x16xf32, #tpu.memory_space<hbm>> -> memref<200x32x16xf32, #tpu.memory_space<hbm>>
      %dma_wait3A_271 = arith.constant 0 : i32
      %dma_wait3A_272 = arith.constant 0 : i32
      %dma_wait3A_273 = tpu.memref_slice %dma_wait3A_270[%add3A_253, %dma_wait3A_271, %dma_wait3A_272] : memref<200x32x16xf32, #tpu.memory_space<hbm>> -> memref<1x32x16xf32, #tpu.memory_space<hbm>>
      %dma_wait3A_274 = tpu.memref_squeeze %dma_wait3A_273 : memref<1x32x16xf32, #tpu.memory_space<hbm>> -> memref<32x16xf32, #tpu.memory_space<hbm>>
      tpu.wait_dma2 semaphore(%arg35 : memref<!tpu.dma_semaphore, #tpu.memory_space<semaphore_mem>>) src(%dma_wait3A_274 : memref<32x16xf32, #tpu.memory_space<hbm>>) dst(%arg25 : memref<32x16xf32, #tpu.memory_space<vmem>>)
      %add3A_275 = arith.constant 5 : i32
      %add3A_276 = arith.addi %add3A_253, %add3A_275 : i32
      %sub3A_277 = arith.constant 1 : i32
      %sub3A_278 = arith.subi %add3A_276, %sub3A_277 : i32
      %lt3A_279 = arith.constant 200 : i32
      %lt3A_280 = arith.cmpi slt, %sub3A_278, %lt3A_279 : i32
      %convert_element_type3A_281 = arith.extui %lt3A_280 : i1 to i32
      %cond3A_282 = arith.constant 0 : i32
      %cond3A_283 = arith.cmpi ne, %convert_element_type3A_281, %cond3A_282 : i32
      scf.if %cond3A_283 {
        %add3A_518 = arith.constant 5 : i32
        %add3A_519 = arith.addi %add3A_253, %add3A_518 : i32
        %sub3A_520 = arith.constant 1 : i32
        %sub3A_521 = arith.subi %add3A_519, %sub3A_520 : i32
        %get3A_522 = arith.index_cast %sub3A_521 : i32 to index
        %get3A_523 = arith.constant 0 : index
        %get3A_524 = tpu.vector_load %arg7[%get3A_522, %get3A_523] {strides = array<i32>} : memref<200x32xi32, #tpu.memory_space<vmem>>, vector<1x16xi32>,
        %get3A_525 = vector.shape_cast %get3A_524 : vector<1x16xi32> to vector<16xi32>
        %swap3A_526 = arith.constant 0 : index
        %swap3A_527 = tpu.vector_load %arg19[%swap3A_526] {strides = array<i32>} : memref<32xi32, #tpu.memory_space<vmem>>, vector<16xi32>,
        %swap3A_528 = vector.shape_cast %swap3A_527 : vector<16xi32> to vector<16xi32>
        %swap3A_529 = vector.shape_cast %get3A_525 : vector<16xi32> to vector<16xi32>
        tpu.vector_store %arg19[%swap3A_526], %swap3A_529 {strides = array<i32>} : memref<32xi32, #tpu.memory_space<vmem>>, vector<16xi32>,
        %get3A_530 = arith.index_cast %sub3A_521 : i32 to index
        %get3A_531 = arith.constant 16 : index
        %get3A_532 = tpu.vector_load %arg7[%get3A_530, %get3A_531] {strides = array<i32>} : memref<200x32xi32, #tpu.memory_space<vmem>>, vector<1x16xi32>,
        %get3A_533 = vector.shape_cast %get3A_532 : vector<1x16xi32> to vector<16xi32>
        %swap3A_534 = arith.constant 16 : index
        %swap3A_535 = tpu.vector_load %arg19[%swap3A_534] {strides = array<i32>} : memref<32xi32, #tpu.memory_space<vmem>>, vector<16xi32>,
        %swap3A_536 = vector.shape_cast %swap3A_535 : vector<16xi32> to vector<16xi32>
        %swap3A_537 = vector.shape_cast %get3A_533 : vector<16xi32> to vector<16xi32>
        tpu.vector_store %arg19[%swap3A_534], %swap3A_537 {strides = array<i32>} : memref<32xi32, #tpu.memory_space<vmem>>, vector<16xi32>,
        %dma_start3A_538 = arith.constant 0 : i32
        %dma_start3A_539 = arith.constant 0 : i32
        %dma_start3A_540 = tpu.memref_slice %arg5[%dma_start3A_538, %dma_start3A_539] : memref<500000x128xf32, #tpu.memory_space<hbm>> -> memref<500000x128xf32, #tpu.memory_space<hbm>>
        tpu.enqueue_indirect_dma source(%dma_start3A_540 : memref<500000x128xf32, #tpu.memory_space<hbm>>) target(%arg9 : memref<32x128xf32, #tpu.memory_space<vmem>>) offsets(%arg19 : memref<32xi32, #tpu.memory_space<vmem>>) semaphore(%arg29 : memref<!tpu.dma_semaphore, #tpu.memory_space<semaphore_mem>>)
        %dma_start3A_541 = arith.constant 0 : i32
        %dma_start3A_542 = arith.constant 0 : i32
        %dma_start3A_543 = arith.constant 0 : i32
        %dma_start3A_544 = tpu.memref_slice %arg4[%add3A, %dma_start3A_541, %dma_start3A_542, %dma_start3A_543] : memref<32x200x32x16xf32, #tpu.memory_space<hbm>> -> memref<1x200x32x16xf32, #tpu.memory_space<hbm>>
        %dma_start3A_545 = tpu.memref_squeeze %dma_start3A_544 : memref<1x200x32x16xf32, #tpu.memory_space<hbm>> -> memref<200x32x16xf32, #tpu.memory_space<hbm>>
        %dma_start3A_546 = arith.constant 0 : i32
        %dma_start3A_547 = arith.constant 0 : i32
        %dma_start3A_548 = tpu.memref_slice %dma_start3A_545[%sub3A_521, %dma_start3A_546, %dma_start3A_547] : memref<200x32x16xf32, #tpu.memory_space<hbm>> -> memref<1x32x16xf32, #tpu.memory_space<hbm>>
        %dma_start3A_549 = tpu.memref_squeeze %dma_start3A_548 : memref<1x32x16xf32, #tpu.memory_space<hbm>> -> memref<32x16xf32, #tpu.memory_space<hbm>>
        %dma_start3A_550 = arith.constant 0 : i32
        %dma_start3A_551 = arith.constant 0 : i32
        %dma_start3A_552 = arith.constant 0 : i32
        %dma_start3A_553 = tpu.memref_slice %arg4[%add3A, %dma_start3A_550, %dma_start3A_551, %dma_start3A_552] : memref<32x200x32x16xf32, #tpu.memory_space<hbm>> -> memref<1x200x32x16xf32, #tpu.memory_space<hbm>>
        %dma_start3A_554 = tpu.memref_squeeze %dma_start3A_553 : memref<1x200x32x16xf32, #tpu.memory_space<hbm>> -> memref<200x32x16xf32, #tpu.memory_space<hbm>>
        %dma_start3A_555 = arith.constant 0 : i32
        %dma_start3A_556 = arith.constant 0 : i32
        %dma_start3A_557 = tpu.memref_slice %dma_start3A_554[%sub3A_521, %dma_start3A_555, %dma_start3A_556] : memref<200x32x16xf32, #tpu.memory_space<hbm>> -> memref<1x32x16xf32, #tpu.memory_space<hbm>>
        %dma_start3A_558 = tpu.memref_squeeze %dma_start3A_557 : memref<1x32x16xf32, #tpu.memory_space<hbm>> -> memref<32x16xf32, #tpu.memory_space<hbm>>
        tpu.enqueue_dma source(%dma_start3A_558 : memref<32x16xf32, #tpu.memory_space<hbm>>) target(%arg24 : memref<32x16xf32, #tpu.memory_space<vmem>>) target_semaphore(%arg34 : memref<!tpu.dma_semaphore, #tpu.memory_space<semaphore_mem>>)
      } else {
      }
      %ge3A_284 = arith.constant 1 : i32
      %ge3A_285 = arith.cmpi sge, %scan3A_194, %ge3A_284 : i32
      %convert_element_type3A_286 = arith.extui %ge3A_285 : i1 to i32
      %cond3A_287 = arith.constant 0 : i32
      %cond3A_288 = arith.cmpi ne, %convert_element_type3A_286, %cond3A_287 : i32
      scf.if %cond3A_288 {
        %dma_wait3A_518 = arith.constant 0 : i32
        %dma_wait3A_519 = arith.constant 0 : i32
        %dma_wait3A_520 = tpu.memref_slice %arg6[%dma_wait3A_518, %dma_wait3A_519] : memref<204800x64xf32, #tpu.memory_space<hbm>> -> memref<32x64xf32, #tpu.memory_space<hbm>>
        %dma_wait3A_521 = arith.constant 0 : i32
        %dma_wait3A_522 = arith.constant 0 : i32
        %dma_wait3A_523 = tpu.memref_slice %arg6[%dma_wait3A_521, %dma_wait3A_522] : memref<204800x64xf32, #tpu.memory_space<hbm>> -> memref<32x64xf32, #tpu.memory_space<hbm>>
        tpu.wait_dma2 semaphore(%arg40 : memref<!tpu.dma_semaphore, #tpu.memory_space<semaphore_mem>>) src(%arg15 : memref<32x64xf32, #tpu.memory_space<vmem>>) dst(%dma_wait3A_523 : memref<32x64xf32, #tpu.memory_space<hbm>>)
      } else {
      }
      %mul3A_289 = arith.constant 32 : i32
      %mul3A_290 = arith.muli %add3A_253, %mul3A_289 : i32
      %jit3A_291 = arith.constant 200 : i32
      %eq3A_292 = arith.constant 0 : i32
      %eq3A_293 = arith.cmpi eq, %jit3A_291, %eq3A_292 : i32
      %jit3A_294 = arith.constant 1 : i32
      %select_n3A_295 = arith.select %eq3A_293, %jit3A_294, %jit3A_291 : i32
      %rem3A_296 = arith.remsi %mul3A_290, %select_n3A_295 : i32
      %ne3A_297 = arith.constant 0 : i32
      %ne3A_298 = arith.cmpi ne, %rem3A_296, %ne3A_297 : i32
      %lt3A_299 = arith.constant 0 : i32
      %lt3A_300 = arith.cmpi slt, %rem3A_296, %lt3A_299 : i32
      %lt3A_301 = arith.constant 0 : i32
      %lt3A_302 = arith.cmpi slt, %select_n3A_295, %lt3A_301 : i32
      %ne3A_303 = arith.xori %lt3A_300, %lt3A_302 : i1
      %and3A_304 = arith.andi %ne3A_303, %ne3A_298 : i1
      %add3A_305 = arith.addi %rem3A_296, %select_n3A_295 : i32
      %select_n3A_306 = arith.select %and3A_304, %add3A_305, %rem3A_296 : i32
      %parallel_loop3A_307 = arith.constant 0 : i32
      %parallel_loop3A_308 = arith.constant 32 : i32
      %parallel_loop3A_309 = arith.constant 1 : i32
      scf.for %parallel_loop3A_518 = %parallel_loop3A_307 to %parallel_loop3A_308 step %parallel_loop3A_309  : i32 {
        %parallel_loop3A_519 = arith.index_cast %parallel_loop3A_518 : i32 to index
        %parallel_loop3A_520 = arith.constant 0 : index
        %parallel_loop3A_521 = tpu.vector_load %arg25[%parallel_loop3A_519, %parallel_loop3A_520] {strides = array<i32>} : memref<32x16xf32, #tpu.memory_space<vmem>>, vector<1x16xf32>,
        %parallel_loop3A_522 = vector.shape_cast %parallel_loop3A_521 : vector<1x16xf32> to vector<16xf32>
        %parallel_loop3A_523 = arith.index_cast %parallel_loop3A_518 : i32 to index
        %parallel_loop3A_524 = arith.constant 0 : index
        %parallel_loop3A_525 = tpu.vector_load %arg10[%parallel_loop3A_523, %parallel_loop3A_524] {strides = array<i32>} : memref<32x128xf32, #tpu.memory_space<vmem>>, vector<1x16xf32>,
        %parallel_loop3A_526 = vector.shape_cast %parallel_loop3A_525 : vector<1x16xf32> to vector<16xf32>
        %parallel_loop3A_527 = arith.index_cast %parallel_loop3A_518 : i32 to index
        %parallel_loop3A_528 = arith.constant 64 : index
        %parallel_loop3A_529 = tpu.vector_load %arg10[%parallel_loop3A_527, %parallel_loop3A_528] {strides = array<i32>} : memref<32x128xf32, #tpu.memory_space<vmem>>, vector<1x16xf32>,
        %parallel_loop3A_530 = vector.shape_cast %parallel_loop3A_529 : vector<1x16xf32> to vector<16xf32>
        %parallel_loop3A_531 = arith.subf %parallel_loop3A_530, %parallel_loop3A_526 : vector<16xf32>
        %parallel_loop3A_532 = arith.mulf %parallel_loop3A_531, %parallel_loop3A_522 : vector<16xf32>
        %parallel_loop3A_533 = arith.addf %parallel_loop3A_526, %parallel_loop3A_532 : vector<16xf32>
        %parallel_loop3A_534 = arith.constant 8.000000e+00 : f32
        %parallel_loop3A_535 = vector.broadcast %parallel_loop3A_534 : f32 to vector<16xf32>
        %parallel_loop3A_536 = arith.mulf %parallel_loop3A_533, %parallel_loop3A_535 : vector<16xf32>
        %parallel_loop3A_537 = arith.addi %select_n3A_306, %parallel_loop3A_518 : i32
        %parallel_loop3A_538 = arith.index_cast %parallel_loop3A_537 : i32 to index
        %parallel_loop3A_539 = arith.constant 0 : index
        %parallel_loop3A_540 = tpu.vector_load %arg8[%parallel_loop3A_538, %parallel_loop3A_539] {strides = array<i32>} : memref<224x64xf32, #tpu.memory_space<vmem>>, vector<1x16xf32>,
        %parallel_loop3A_541 = vector.shape_cast %parallel_loop3A_540 : vector<1x16xf32> to vector<16xf32>
        %parallel_loop3A_542 = arith.addf %parallel_loop3A_536, %parallel_loop3A_541 : vector<16xf32>
        %parallel_loop3A_543 = arith.index_cast %parallel_loop3A_518 : i32 to index
        %parallel_loop3A_544 = arith.constant 0 : index
        %parallel_loop3A_545 = tpu.vector_load %arg15[%parallel_loop3A_543, %parallel_loop3A_544] {strides = array<i32>} : memref<32x64xf32, #tpu.memory_space<vmem>>, vector<1x16xf32>,
        %parallel_loop3A_546 = vector.shape_cast %parallel_loop3A_545 : vector<1x16xf32> to vector<16xf32>
        %parallel_loop3A_547 = vector.shape_cast %parallel_loop3A_542 : vector<16xf32> to vector<1x16xf32>
        tpu.vector_store %arg15[%parallel_loop3A_543, %parallel_loop3A_544], %parallel_loop3A_547 {strides = array<i32>} : memref<32x64xf32, #tpu.memory_space<vmem>>, vector<1x16xf32>,
        %parallel_loop3A_548 = arith.index_cast %parallel_loop3A_518 : i32 to index
        %parallel_loop3A_549 = arith.constant 16 : index
        %parallel_loop3A_550 = tpu.vector_load %arg10[%parallel_loop3A_548, %parallel_loop3A_549] {strides = array<i32>} : memref<32x128xf32, #tpu.memory_space<vmem>>, vector<1x16xf32>,
        %parallel_loop3A_551 = vector.shape_cast %parallel_loop3A_550 : vector<1x16xf32> to vector<16xf32>
        %parallel_loop3A_552 = arith.index_cast %parallel_loop3A_518 : i32 to index
        %parallel_loop3A_553 = arith.constant 80 : index
        %parallel_loop3A_554 = tpu.vector_load %arg10[%parallel_loop3A_552, %parallel_loop3A_553] {strides = array<i32>} : memref<32x128xf32, #tpu.memory_space<vmem>>, vector<1x16xf32>,
        %parallel_loop3A_555 = vector.shape_cast %parallel_loop3A_554 : vector<1x16xf32> to vector<16xf32>
        %parallel_loop3A_556 = arith.subf %parallel_loop3A_555, %parallel_loop3A_551 : vector<16xf32>
        %parallel_loop3A_557 = arith.mulf %parallel_loop3A_556, %parallel_loop3A_522 : vector<16xf32>
        %parallel_loop3A_558 = arith.addf %parallel_loop3A_551, %parallel_loop3A_557 : vector<16xf32>
        %parallel_loop3A_559 = arith.constant 8.000000e+00 : f32
        %parallel_loop3A_560 = vector.broadcast %parallel_loop3A_559 : f32 to vector<16xf32>
        %parallel_loop3A_561 = arith.mulf %parallel_loop3A_558, %parallel_loop3A_560 : vector<16xf32>
        %parallel_loop3A_562 = arith.addi %select_n3A_306, %parallel_loop3A_518 : i32
        %parallel_loop3A_563 = arith.index_cast %parallel_loop3A_562 : i32 to index
        %parallel_loop3A_564 = arith.constant 16 : index
        %parallel_loop3A_565 = tpu.vector_load %arg8[%parallel_loop3A_563, %parallel_loop3A_564] {strides = array<i32>} : memref<224x64xf32, #tpu.memory_space<vmem>>, vector<1x16xf32>,
        %parallel_loop3A_566 = vector.shape_cast %parallel_loop3A_565 : vector<1x16xf32> to vector<16xf32>
        %parallel_loop3A_567 = arith.addf %parallel_loop3A_561, %parallel_loop3A_566 : vector<16xf32>
        %parallel_loop3A_568 = arith.index_cast %parallel_loop3A_518 : i32 to index
        %parallel_loop3A_569 = arith.constant 16 : index
        %parallel_loop3A_570 = tpu.vector_load %arg15[%parallel_loop3A_568, %parallel_loop3A_569] {strides = array<i32>} : memref<32x64xf32, #tpu.memory_space<vmem>>, vector<1x16xf32>,
        %parallel_loop3A_571 = vector.shape_cast %parallel_loop3A_570 : vector<1x16xf32> to vector<16xf32>
        %parallel_loop3A_572 = vector.shape_cast %parallel_loop3A_567 : vector<16xf32> to vector<1x16xf32>
        tpu.vector_store %arg15[%parallel_loop3A_568, %parallel_loop3A_569], %parallel_loop3A_572 {strides = array<i32>} : memref<32x64xf32, #tpu.memory_space<vmem>>, vector<1x16xf32>,
        %parallel_loop3A_573 = arith.index_cast %parallel_loop3A_518 : i32 to index
        %parallel_loop3A_574 = arith.constant 32 : index
        %parallel_loop3A_575 = tpu.vector_load %arg10[%parallel_loop3A_573, %parallel_loop3A_574] {strides = array<i32>} : memref<32x128xf32, #tpu.memory_space<vmem>>, vector<1x16xf32>,
        %parallel_loop3A_576 = vector.shape_cast %parallel_loop3A_575 : vector<1x16xf32> to vector<16xf32>
        %parallel_loop3A_577 = arith.index_cast %parallel_loop3A_518 : i32 to index
        %parallel_loop3A_578 = arith.constant 96 : index
        %parallel_loop3A_579 = tpu.vector_load %arg10[%parallel_loop3A_577, %parallel_loop3A_578] {strides = array<i32>} : memref<32x128xf32, #tpu.memory_space<vmem>>, vector<1x16xf32>,
        %parallel_loop3A_580 = vector.shape_cast %parallel_loop3A_579 : vector<1x16xf32> to vector<16xf32>
        %parallel_loop3A_581 = arith.subf %parallel_loop3A_580, %parallel_loop3A_576 : vector<16xf32>
        %parallel_loop3A_582 = arith.mulf %parallel_loop3A_581, %parallel_loop3A_522 : vector<16xf32>
        %parallel_loop3A_583 = arith.addf %parallel_loop3A_576, %parallel_loop3A_582 : vector<16xf32>
        %parallel_loop3A_584 = arith.constant 8.000000e+00 : f32
        %parallel_loop3A_585 = vector.broadcast %parallel_loop3A_584 : f32 to vector<16xf32>
        %parallel_loop3A_586 = arith.mulf %parallel_loop3A_583, %parallel_loop3A_585 : vector<16xf32>
        %parallel_loop3A_587 = arith.addi %select_n3A_306, %parallel_loop3A_518 : i32
        %parallel_loop3A_588 = arith.index_cast %parallel_loop3A_587 : i32 to index
        %parallel_loop3A_589 = arith.constant 32 : index
        %parallel_loop3A_590 = tpu.vector_load %arg8[%parallel_loop3A_588, %parallel_loop3A_589] {strides = array<i32>} : memref<224x64xf32, #tpu.memory_space<vmem>>, vector<1x16xf32>,
        %parallel_loop3A_591 = vector.shape_cast %parallel_loop3A_590 : vector<1x16xf32> to vector<16xf32>
        %parallel_loop3A_592 = arith.addf %parallel_loop3A_586, %parallel_loop3A_591 : vector<16xf32>
        %parallel_loop3A_593 = arith.index_cast %parallel_loop3A_518 : i32 to index
        %parallel_loop3A_594 = arith.constant 32 : index
        %parallel_loop3A_595 = tpu.vector_load %arg15[%parallel_loop3A_593, %parallel_loop3A_594] {strides = array<i32>} : memref<32x64xf32, #tpu.memory_space<vmem>>, vector<1x16xf32>,
        %parallel_loop3A_596 = vector.shape_cast %parallel_loop3A_595 : vector<1x16xf32> to vector<16xf32>
        %parallel_loop3A_597 = vector.shape_cast %parallel_loop3A_592 : vector<16xf32> to vector<1x16xf32>
        tpu.vector_store %arg15[%parallel_loop3A_593, %parallel_loop3A_594], %parallel_loop3A_597 {strides = array<i32>} : memref<32x64xf32, #tpu.memory_space<vmem>>, vector<1x16xf32>,
        %parallel_loop3A_598 = arith.index_cast %parallel_loop3A_518 : i32 to index
        %parallel_loop3A_599 = arith.constant 48 : index
        %parallel_loop3A_600 = tpu.vector_load %arg10[%parallel_loop3A_598, %parallel_loop3A_599] {strides = array<i32>} : memref<32x128xf32, #tpu.memory_space<vmem>>, vector<1x16xf32>,
        %parallel_loop3A_601 = vector.shape_cast %parallel_loop3A_600 : vector<1x16xf32> to vector<16xf32>
        %parallel_loop3A_602 = arith.index_cast %parallel_loop3A_518 : i32 to index
        %parallel_loop3A_603 = arith.constant 112 : index
        %parallel_loop3A_604 = tpu.vector_load %arg10[%parallel_loop3A_602, %parallel_loop3A_603] {strides = array<i32>} : memref<32x128xf32, #tpu.memory_space<vmem>>, vector<1x16xf32>,
        %parallel_loop3A_605 = vector.shape_cast %parallel_loop3A_604 : vector<1x16xf32> to vector<16xf32>
        %parallel_loop3A_606 = arith.subf %parallel_loop3A_605, %parallel_loop3A_601 : vector<16xf32>
        %parallel_loop3A_607 = arith.mulf %parallel_loop3A_606, %parallel_loop3A_522 : vector<16xf32>
        %parallel_loop3A_608 = arith.addf %parallel_loop3A_601, %parallel_loop3A_607 : vector<16xf32>
        %parallel_loop3A_609 = arith.constant 8.000000e+00 : f32
        %parallel_loop3A_610 = vector.broadcast %parallel_loop3A_609 : f32 to vector<16xf32>
        %parallel_loop3A_611 = arith.mulf %parallel_loop3A_608, %parallel_loop3A_610 : vector<16xf32>
        %parallel_loop3A_612 = arith.addi %select_n3A_306, %parallel_loop3A_518 : i32
        %parallel_loop3A_613 = arith.index_cast %parallel_loop3A_612 : i32 to index
        %parallel_loop3A_614 = arith.constant 48 : index
        %parallel_loop3A_615 = tpu.vector_load %arg8[%parallel_loop3A_613, %parallel_loop3A_614] {strides = array<i32>} : memref<224x64xf32, #tpu.memory_space<vmem>>, vector<1x16xf32>,
        %parallel_loop3A_616 = vector.shape_cast %parallel_loop3A_615 : vector<1x16xf32> to vector<16xf32>
        %parallel_loop3A_617 = arith.addf %parallel_loop3A_611, %parallel_loop3A_616 : vector<16xf32>
        %parallel_loop3A_618 = arith.index_cast %parallel_loop3A_518 : i32 to index
        %parallel_loop3A_619 = arith.constant 48 : index
        %parallel_loop3A_620 = tpu.vector_load %arg15[%parallel_loop3A_618, %parallel_loop3A_619] {strides = array<i32>} : memref<32x64xf32, #tpu.memory_space<vmem>>, vector<1x16xf32>,
        %parallel_loop3A_621 = vector.shape_cast %parallel_loop3A_620 : vector<1x16xf32> to vector<16xf32>
        %parallel_loop3A_622 = vector.shape_cast %parallel_loop3A_617 : vector<16xf32> to vector<1x16xf32>
        tpu.vector_store %arg15[%parallel_loop3A_618, %parallel_loop3A_619], %parallel_loop3A_622 {strides = array<i32>} : memref<32x64xf32, #tpu.memory_space<vmem>>, vector<1x16xf32>,
      } {sc.loop_unroll_factor = 4 : i64, sc.parallel_access}
      %mul3A_310 = arith.constant 32 : i32
      %mul3A_311 = arith.muli %add3A_253, %mul3A_310 : i32
      %add3A_312 = arith.addi %mul3A_2, %mul3A_311 : i32
      %dma_start3A_313 = arith.constant 0 : i32
      %dma_start3A_314 = tpu.memref_slice %arg6[%add3A_312, %dma_start3A_313] : memref<204800x64xf32, #tpu.memory_space<hbm>> -> memref<32x64xf32, #tpu.memory_space<hbm>>
      %dma_start3A_315 = arith.constant 0 : i32
      %dma_start3A_316 = tpu.memref_slice %arg6[%add3A_312, %dma_start3A_315] : memref<204800x64xf32, #tpu.memory_space<hbm>> -> memref<32x64xf32, #tpu.memory_space<hbm>>
      tpu.enqueue_dma source(%arg15 : memref<32x64xf32, #tpu.memory_space<vmem>>) target(%dma_start3A_316 : memref<32x64xf32, #tpu.memory_space<hbm>>) target_semaphore(%arg40 : memref<!tpu.dma_semaphore, #tpu.memory_space<semaphore_mem>>)
      %mul3A_317 = arith.constant 5 : i32
      %mul3A_318 = arith.muli %scan3A_194, %mul3A_317 : i32
      %add3A_319 = arith.constant 2 : i32
      %add3A_320 = arith.addi %mul3A_318, %add3A_319 : i32
      %dma_wait3A_321 = arith.constant 0 : i32
      %dma_wait3A_322 = arith.constant 0 : i32
      %dma_wait3A_323 = tpu.memref_slice %arg5[%dma_wait3A_321, %dma_wait3A_322] : memref<500000x128xf32, #tpu.memory_space<hbm>> -> memref<500000x128xf32, #tpu.memory_space<hbm>>
      tpu.wait_indirect_dma semaphore(%arg31 : memref<!tpu.dma_semaphore, #tpu.memory_space<semaphore_mem>>) src(%dma_wait3A_323 : memref<500000x128xf32, #tpu.memory_space<hbm>>) dst(%arg11 : memref<32x128xf32, #tpu.memory_space<vmem>>)
      %dma_wait3A_324 = arith.constant 0 : i32
      %dma_wait3A_325 = arith.constant 0 : i32
      %dma_wait3A_326 = arith.constant 0 : i32
      %dma_wait3A_327 = tpu.memref_slice %arg4[%add3A, %dma_wait3A_324, %dma_wait3A_325, %dma_wait3A_326] : memref<32x200x32x16xf32, #tpu.memory_space<hbm>> -> memref<1x200x32x16xf32, #tpu.memory_space<hbm>>
      %dma_wait3A_328 = tpu.memref_squeeze %dma_wait3A_327 : memref<1x200x32x16xf32, #tpu.memory_space<hbm>> -> memref<200x32x16xf32, #tpu.memory_space<hbm>>
      %dma_wait3A_329 = arith.constant 0 : i32
      %dma_wait3A_330 = arith.constant 0 : i32
      %dma_wait3A_331 = tpu.memref_slice %dma_wait3A_328[%add3A_320, %dma_wait3A_329, %dma_wait3A_330] : memref<200x32x16xf32, #tpu.memory_space<hbm>> -> memref<1x32x16xf32, #tpu.memory_space<hbm>>
      %dma_wait3A_332 = tpu.memref_squeeze %dma_wait3A_331 : memref<1x32x16xf32, #tpu.memory_space<hbm>> -> memref<32x16xf32, #tpu.memory_space<hbm>>
      %dma_wait3A_333 = arith.constant 0 : i32
      %dma_wait3A_334 = arith.constant 0 : i32
      %dma_wait3A_335 = arith.constant 0 : i32
      %dma_wait3A_336 = tpu.memref_slice %arg4[%add3A, %dma_wait3A_333, %dma_wait3A_334, %dma_wait3A_335] : memref<32x200x32x16xf32, #tpu.memory_space<hbm>> -> memref<1x200x32x16xf32, #tpu.memory_space<hbm>>
      %dma_wait3A_337 = tpu.memref_squeeze %dma_wait3A_336 : memref<1x200x32x16xf32, #tpu.memory_space<hbm>> -> memref<200x32x16xf32, #tpu.memory_space<hbm>>
      %dma_wait3A_338 = arith.constant 0 : i32
      %dma_wait3A_339 = arith.constant 0 : i32
      %dma_wait3A_340 = tpu.memref_slice %dma_wait3A_337[%add3A_320, %dma_wait3A_338, %dma_wait3A_339] : memref<200x32x16xf32, #tpu.memory_space<hbm>> -> memref<1x32x16xf32, #tpu.memory_space<hbm>>
      %dma_wait3A_341 = tpu.memref_squeeze %dma_wait3A_340 : memref<1x32x16xf32, #tpu.memory_space<hbm>> -> memref<32x16xf32, #tpu.memory_space<hbm>>
      tpu.wait_dma2 semaphore(%arg36 : memref<!tpu.dma_semaphore, #tpu.memory_space<semaphore_mem>>) src(%dma_wait3A_341 : memref<32x16xf32, #tpu.memory_space<hbm>>) dst(%arg26 : memref<32x16xf32, #tpu.memory_space<vmem>>)
      %add3A_342 = arith.constant 5 : i32
      %add3A_343 = arith.addi %add3A_320, %add3A_342 : i32
      %sub3A_344 = arith.constant 1 : i32
      %sub3A_345 = arith.subi %add3A_343, %sub3A_344 : i32
      %lt3A_346 = arith.constant 200 : i32
      %lt3A_347 = arith.cmpi slt, %sub3A_345, %lt3A_346 : i32
      %convert_element_type3A_348 = arith.extui %lt3A_347 : i1 to i32
      %cond3A_349 = arith.constant 0 : i32
      %cond3A_350 = arith.cmpi ne, %convert_element_type3A_348, %cond3A_349 : i32
      scf.if %cond3A_350 {
        %add3A_518 = arith.constant 5 : i32
        %add3A_519 = arith.addi %add3A_320, %add3A_518 : i32
        %sub3A_520 = arith.constant 1 : i32
        %sub3A_521 = arith.subi %add3A_519, %sub3A_520 : i32
        %get3A_522 = arith.index_cast %sub3A_521 : i32 to index
        %get3A_523 = arith.constant 0 : index
        %get3A_524 = tpu.vector_load %arg7[%get3A_522, %get3A_523] {strides = array<i32>} : memref<200x32xi32, #tpu.memory_space<vmem>>, vector<1x16xi32>,
        %get3A_525 = vector.shape_cast %get3A_524 : vector<1x16xi32> to vector<16xi32>
        %swap3A_526 = arith.constant 0 : index
        %swap3A_527 = tpu.vector_load %arg20[%swap3A_526] {strides = array<i32>} : memref<32xi32, #tpu.memory_space<vmem>>, vector<16xi32>,
        %swap3A_528 = vector.shape_cast %swap3A_527 : vector<16xi32> to vector<16xi32>
        %swap3A_529 = vector.shape_cast %get3A_525 : vector<16xi32> to vector<16xi32>
        tpu.vector_store %arg20[%swap3A_526], %swap3A_529 {strides = array<i32>} : memref<32xi32, #tpu.memory_space<vmem>>, vector<16xi32>,
        %get3A_530 = arith.index_cast %sub3A_521 : i32 to index
        %get3A_531 = arith.constant 16 : index
        %get3A_532 = tpu.vector_load %arg7[%get3A_530, %get3A_531] {strides = array<i32>} : memref<200x32xi32, #tpu.memory_space<vmem>>, vector<1x16xi32>,
        %get3A_533 = vector.shape_cast %get3A_532 : vector<1x16xi32> to vector<16xi32>
        %swap3A_534 = arith.constant 16 : index
        %swap3A_535 = tpu.vector_load %arg20[%swap3A_534] {strides = array<i32>} : memref<32xi32, #tpu.memory_space<vmem>>, vector<16xi32>,
        %swap3A_536 = vector.shape_cast %swap3A_535 : vector<16xi32> to vector<16xi32>
        %swap3A_537 = vector.shape_cast %get3A_533 : vector<16xi32> to vector<16xi32>
        tpu.vector_store %arg20[%swap3A_534], %swap3A_537 {strides = array<i32>} : memref<32xi32, #tpu.memory_space<vmem>>, vector<16xi32>,
        %dma_start3A_538 = arith.constant 0 : i32
        %dma_start3A_539 = arith.constant 0 : i32
        %dma_start3A_540 = tpu.memref_slice %arg5[%dma_start3A_538, %dma_start3A_539] : memref<500000x128xf32, #tpu.memory_space<hbm>> -> memref<500000x128xf32, #tpu.memory_space<hbm>>
        tpu.enqueue_indirect_dma source(%dma_start3A_540 : memref<500000x128xf32, #tpu.memory_space<hbm>>) target(%arg10 : memref<32x128xf32, #tpu.memory_space<vmem>>) offsets(%arg20 : memref<32xi32, #tpu.memory_space<vmem>>) semaphore(%arg30 : memref<!tpu.dma_semaphore, #tpu.memory_space<semaphore_mem>>)
        %dma_start3A_541 = arith.constant 0 : i32
        %dma_start3A_542 = arith.constant 0 : i32
        %dma_start3A_543 = arith.constant 0 : i32
        %dma_start3A_544 = tpu.memref_slice %arg4[%add3A, %dma_start3A_541, %dma_start3A_542, %dma_start3A_543] : memref<32x200x32x16xf32, #tpu.memory_space<hbm>> -> memref<1x200x32x16xf32, #tpu.memory_space<hbm>>
        %dma_start3A_545 = tpu.memref_squeeze %dma_start3A_544 : memref<1x200x32x16xf32, #tpu.memory_space<hbm>> -> memref<200x32x16xf32, #tpu.memory_space<hbm>>
        %dma_start3A_546 = arith.constant 0 : i32
        %dma_start3A_547 = arith.constant 0 : i32
        %dma_start3A_548 = tpu.memref_slice %dma_start3A_545[%sub3A_521, %dma_start3A_546, %dma_start3A_547] : memref<200x32x16xf32, #tpu.memory_space<hbm>> -> memref<1x32x16xf32, #tpu.memory_space<hbm>>
        %dma_start3A_549 = tpu.memref_squeeze %dma_start3A_548 : memref<1x32x16xf32, #tpu.memory_space<hbm>> -> memref<32x16xf32, #tpu.memory_space<hbm>>
        %dma_start3A_550 = arith.constant 0 : i32
        %dma_start3A_551 = arith.constant 0 : i32
        %dma_start3A_552 = arith.constant 0 : i32
        %dma_start3A_553 = tpu.memref_slice %arg4[%add3A, %dma_start3A_550, %dma_start3A_551, %dma_start3A_552] : memref<32x200x32x16xf32, #tpu.memory_space<hbm>> -> memref<1x200x32x16xf32, #tpu.memory_space<hbm>>
        %dma_start3A_554 = tpu.memref_squeeze %dma_start3A_553 : memref<1x200x32x16xf32, #tpu.memory_space<hbm>> -> memref<200x32x16xf32, #tpu.memory_space<hbm>>
        %dma_start3A_555 = arith.constant 0 : i32
        %dma_start3A_556 = arith.constant 0 : i32
        %dma_start3A_557 = tpu.memref_slice %dma_start3A_554[%sub3A_521, %dma_start3A_555, %dma_start3A_556] : memref<200x32x16xf32, #tpu.memory_space<hbm>> -> memref<1x32x16xf32, #tpu.memory_space<hbm>>
        %dma_start3A_558 = tpu.memref_squeeze %dma_start3A_557 : memref<1x32x16xf32, #tpu.memory_space<hbm>> -> memref<32x16xf32, #tpu.memory_space<hbm>>
        tpu.enqueue_dma source(%dma_start3A_558 : memref<32x16xf32, #tpu.memory_space<hbm>>) target(%arg25 : memref<32x16xf32, #tpu.memory_space<vmem>>) target_semaphore(%arg35 : memref<!tpu.dma_semaphore, #tpu.memory_space<semaphore_mem>>)
      } else {
      }
      %ge3A_351 = arith.constant 1 : i32
      %ge3A_352 = arith.cmpi sge, %scan3A_194, %ge3A_351 : i32
      %convert_element_type3A_353 = arith.extui %ge3A_352 : i1 to i32
      %cond3A_354 = arith.constant 0 : i32
      %cond3A_355 = arith.cmpi ne, %convert_element_type3A_353, %cond3A_354 : i32
      scf.if %cond3A_355 {
        %dma_wait3A_518 = arith.constant 0 : i32
        %dma_wait3A_519 = arith.constant 0 : i32
        %dma_wait3A_520 = tpu.memref_slice %arg6[%dma_wait3A_518, %dma_wait3A_519] : memref<204800x64xf32, #tpu.memory_space<hbm>> -> memref<32x64xf32, #tpu.memory_space<hbm>>
        %dma_wait3A_521 = arith.constant 0 : i32
        %dma_wait3A_522 = arith.constant 0 : i32
        %dma_wait3A_523 = tpu.memref_slice %arg6[%dma_wait3A_521, %dma_wait3A_522] : memref<204800x64xf32, #tpu.memory_space<hbm>> -> memref<32x64xf32, #tpu.memory_space<hbm>>
        tpu.wait_dma2 semaphore(%arg41 : memref<!tpu.dma_semaphore, #tpu.memory_space<semaphore_mem>>) src(%arg16 : memref<32x64xf32, #tpu.memory_space<vmem>>) dst(%dma_wait3A_523 : memref<32x64xf32, #tpu.memory_space<hbm>>)
      } else {
      }
      %mul3A_356 = arith.constant 32 : i32
      %mul3A_357 = arith.muli %add3A_320, %mul3A_356 : i32
      %jit3A_358 = arith.constant 200 : i32
      %eq3A_359 = arith.constant 0 : i32
      %eq3A_360 = arith.cmpi eq, %jit3A_358, %eq3A_359 : i32
      %jit3A_361 = arith.constant 1 : i32
      %select_n3A_362 = arith.select %eq3A_360, %jit3A_361, %jit3A_358 : i32
      %rem3A_363 = arith.remsi %mul3A_357, %select_n3A_362 : i32
      %ne3A_364 = arith.constant 0 : i32
      %ne3A_365 = arith.cmpi ne, %rem3A_363, %ne3A_364 : i32
      %lt3A_366 = arith.constant 0 : i32
      %lt3A_367 = arith.cmpi slt, %rem3A_363, %lt3A_366 : i32
      %lt3A_368 = arith.constant 0 : i32
      %lt3A_369 = arith.cmpi slt, %select_n3A_362, %lt3A_368 : i32
      %ne3A_370 = arith.xori %lt3A_367, %lt3A_369 : i1
      %and3A_371 = arith.andi %ne3A_370, %ne3A_365 : i1
      %add3A_372 = arith.addi %rem3A_363, %select_n3A_362 : i32
      %select_n3A_373 = arith.select %and3A_371, %add3A_372, %rem3A_363 : i32
      %parallel_loop3A_374 = arith.constant 0 : i32
      %parallel_loop3A_375 = arith.constant 32 : i32
      %parallel_loop3A_376 = arith.constant 1 : i32
      scf.for %parallel_loop3A_518 = %parallel_loop3A_374 to %parallel_loop3A_375 step %parallel_loop3A_376  : i32 {
        %parallel_loop3A_519 = arith.index_cast %parallel_loop3A_518 : i32 to index
        %parallel_loop3A_520 = arith.constant 0 : index
        %parallel_loop3A_521 = tpu.vector_load %arg26[%parallel_loop3A_519, %parallel_loop3A_520] {strides = array<i32>} : memref<32x16xf32, #tpu.memory_space<vmem>>, vector<1x16xf32>,
        %parallel_loop3A_522 = vector.shape_cast %parallel_loop3A_521 : vector<1x16xf32> to vector<16xf32>
        %parallel_loop3A_523 = arith.index_cast %parallel_loop3A_518 : i32 to index
        %parallel_loop3A_524 = arith.constant 0 : index
        %parallel_loop3A_525 = tpu.vector_load %arg11[%parallel_loop3A_523, %parallel_loop3A_524] {strides = array<i32>} : memref<32x128xf32, #tpu.memory_space<vmem>>, vector<1x16xf32>,
        %parallel_loop3A_526 = vector.shape_cast %parallel_loop3A_525 : vector<1x16xf32> to vector<16xf32>
        %parallel_loop3A_527 = arith.index_cast %parallel_loop3A_518 : i32 to index
        %parallel_loop3A_528 = arith.constant 64 : index
        %parallel_loop3A_529 = tpu.vector_load %arg11[%parallel_loop3A_527, %parallel_loop3A_528] {strides = array<i32>} : memref<32x128xf32, #tpu.memory_space<vmem>>, vector<1x16xf32>,
        %parallel_loop3A_530 = vector.shape_cast %parallel_loop3A_529 : vector<1x16xf32> to vector<16xf32>
        %parallel_loop3A_531 = arith.subf %parallel_loop3A_530, %parallel_loop3A_526 : vector<16xf32>
        %parallel_loop3A_532 = arith.mulf %parallel_loop3A_531, %parallel_loop3A_522 : vector<16xf32>
        %parallel_loop3A_533 = arith.addf %parallel_loop3A_526, %parallel_loop3A_532 : vector<16xf32>
        %parallel_loop3A_534 = arith.constant 8.000000e+00 : f32
        %parallel_loop3A_535 = vector.broadcast %parallel_loop3A_534 : f32 to vector<16xf32>
        %parallel_loop3A_536 = arith.mulf %parallel_loop3A_533, %parallel_loop3A_535 : vector<16xf32>
        %parallel_loop3A_537 = arith.addi %select_n3A_373, %parallel_loop3A_518 : i32
        %parallel_loop3A_538 = arith.index_cast %parallel_loop3A_537 : i32 to index
        %parallel_loop3A_539 = arith.constant 0 : index
        %parallel_loop3A_540 = tpu.vector_load %arg8[%parallel_loop3A_538, %parallel_loop3A_539] {strides = array<i32>} : memref<224x64xf32, #tpu.memory_space<vmem>>, vector<1x16xf32>,
        %parallel_loop3A_541 = vector.shape_cast %parallel_loop3A_540 : vector<1x16xf32> to vector<16xf32>
        %parallel_loop3A_542 = arith.addf %parallel_loop3A_536, %parallel_loop3A_541 : vector<16xf32>
        %parallel_loop3A_543 = arith.index_cast %parallel_loop3A_518 : i32 to index
        %parallel_loop3A_544 = arith.constant 0 : index
        %parallel_loop3A_545 = tpu.vector_load %arg16[%parallel_loop3A_543, %parallel_loop3A_544] {strides = array<i32>} : memref<32x64xf32, #tpu.memory_space<vmem>>, vector<1x16xf32>,
        %parallel_loop3A_546 = vector.shape_cast %parallel_loop3A_545 : vector<1x16xf32> to vector<16xf32>
        %parallel_loop3A_547 = vector.shape_cast %parallel_loop3A_542 : vector<16xf32> to vector<1x16xf32>
        tpu.vector_store %arg16[%parallel_loop3A_543, %parallel_loop3A_544], %parallel_loop3A_547 {strides = array<i32>} : memref<32x64xf32, #tpu.memory_space<vmem>>, vector<1x16xf32>,
        %parallel_loop3A_548 = arith.index_cast %parallel_loop3A_518 : i32 to index
        %parallel_loop3A_549 = arith.constant 16 : index
        %parallel_loop3A_550 = tpu.vector_load %arg11[%parallel_loop3A_548, %parallel_loop3A_549] {strides = array<i32>} : memref<32x128xf32, #tpu.memory_space<vmem>>, vector<1x16xf32>,
        %parallel_loop3A_551 = vector.shape_cast %parallel_loop3A_550 : vector<1x16xf32> to vector<16xf32>
        %parallel_loop3A_552 = arith.index_cast %parallel_loop3A_518 : i32 to index
        %parallel_loop3A_553 = arith.constant 80 : index
        %parallel_loop3A_554 = tpu.vector_load %arg11[%parallel_loop3A_552, %parallel_loop3A_553] {strides = array<i32>} : memref<32x128xf32, #tpu.memory_space<vmem>>, vector<1x16xf32>,
        %parallel_loop3A_555 = vector.shape_cast %parallel_loop3A_554 : vector<1x16xf32> to vector<16xf32>
        %parallel_loop3A_556 = arith.subf %parallel_loop3A_555, %parallel_loop3A_551 : vector<16xf32>
        %parallel_loop3A_557 = arith.mulf %parallel_loop3A_556, %parallel_loop3A_522 : vector<16xf32>
        %parallel_loop3A_558 = arith.addf %parallel_loop3A_551, %parallel_loop3A_557 : vector<16xf32>
        %parallel_loop3A_559 = arith.constant 8.000000e+00 : f32
        %parallel_loop3A_560 = vector.broadcast %parallel_loop3A_559 : f32 to vector<16xf32>
        %parallel_loop3A_561 = arith.mulf %parallel_loop3A_558, %parallel_loop3A_560 : vector<16xf32>
        %parallel_loop3A_562 = arith.addi %select_n3A_373, %parallel_loop3A_518 : i32
        %parallel_loop3A_563 = arith.index_cast %parallel_loop3A_562 : i32 to index
        %parallel_loop3A_564 = arith.constant 16 : index
        %parallel_loop3A_565 = tpu.vector_load %arg8[%parallel_loop3A_563, %parallel_loop3A_564] {strides = array<i32>} : memref<224x64xf32, #tpu.memory_space<vmem>>, vector<1x16xf32>,
        %parallel_loop3A_566 = vector.shape_cast %parallel_loop3A_565 : vector<1x16xf32> to vector<16xf32>
        %parallel_loop3A_567 = arith.addf %parallel_loop3A_561, %parallel_loop3A_566 : vector<16xf32>
        %parallel_loop3A_568 = arith.index_cast %parallel_loop3A_518 : i32 to index
        %parallel_loop3A_569 = arith.constant 16 : index
        %parallel_loop3A_570 = tpu.vector_load %arg16[%parallel_loop3A_568, %parallel_loop3A_569] {strides = array<i32>} : memref<32x64xf32, #tpu.memory_space<vmem>>, vector<1x16xf32>,
        %parallel_loop3A_571 = vector.shape_cast %parallel_loop3A_570 : vector<1x16xf32> to vector<16xf32>
        %parallel_loop3A_572 = vector.shape_cast %parallel_loop3A_567 : vector<16xf32> to vector<1x16xf32>
        tpu.vector_store %arg16[%parallel_loop3A_568, %parallel_loop3A_569], %parallel_loop3A_572 {strides = array<i32>} : memref<32x64xf32, #tpu.memory_space<vmem>>, vector<1x16xf32>,
        %parallel_loop3A_573 = arith.index_cast %parallel_loop3A_518 : i32 to index
        %parallel_loop3A_574 = arith.constant 32 : index
        %parallel_loop3A_575 = tpu.vector_load %arg11[%parallel_loop3A_573, %parallel_loop3A_574] {strides = array<i32>} : memref<32x128xf32, #tpu.memory_space<vmem>>, vector<1x16xf32>,
        %parallel_loop3A_576 = vector.shape_cast %parallel_loop3A_575 : vector<1x16xf32> to vector<16xf32>
        %parallel_loop3A_577 = arith.index_cast %parallel_loop3A_518 : i32 to index
        %parallel_loop3A_578 = arith.constant 96 : index
        %parallel_loop3A_579 = tpu.vector_load %arg11[%parallel_loop3A_577, %parallel_loop3A_578] {strides = array<i32>} : memref<32x128xf32, #tpu.memory_space<vmem>>, vector<1x16xf32>,
        %parallel_loop3A_580 = vector.shape_cast %parallel_loop3A_579 : vector<1x16xf32> to vector<16xf32>
        %parallel_loop3A_581 = arith.subf %parallel_loop3A_580, %parallel_loop3A_576 : vector<16xf32>
        %parallel_loop3A_582 = arith.mulf %parallel_loop3A_581, %parallel_loop3A_522 : vector<16xf32>
        %parallel_loop3A_583 = arith.addf %parallel_loop3A_576, %parallel_loop3A_582 : vector<16xf32>
        %parallel_loop3A_584 = arith.constant 8.000000e+00 : f32
        %parallel_loop3A_585 = vector.broadcast %parallel_loop3A_584 : f32 to vector<16xf32>
        %parallel_loop3A_586 = arith.mulf %parallel_loop3A_583, %parallel_loop3A_585 : vector<16xf32>
        %parallel_loop3A_587 = arith.addi %select_n3A_373, %parallel_loop3A_518 : i32
        %parallel_loop3A_588 = arith.index_cast %parallel_loop3A_587 : i32 to index
        %parallel_loop3A_589 = arith.constant 32 : index
        %parallel_loop3A_590 = tpu.vector_load %arg8[%parallel_loop3A_588, %parallel_loop3A_589] {strides = array<i32>} : memref<224x64xf32, #tpu.memory_space<vmem>>, vector<1x16xf32>,
        %parallel_loop3A_591 = vector.shape_cast %parallel_loop3A_590 : vector<1x16xf32> to vector<16xf32>
        %parallel_loop3A_592 = arith.addf %parallel_loop3A_586, %parallel_loop3A_591 : vector<16xf32>
        %parallel_loop3A_593 = arith.index_cast %parallel_loop3A_518 : i32 to index
        %parallel_loop3A_594 = arith.constant 32 : index
        %parallel_loop3A_595 = tpu.vector_load %arg16[%parallel_loop3A_593, %parallel_loop3A_594] {strides = array<i32>} : memref<32x64xf32, #tpu.memory_space<vmem>>, vector<1x16xf32>,
        %parallel_loop3A_596 = vector.shape_cast %parallel_loop3A_595 : vector<1x16xf32> to vector<16xf32>
        %parallel_loop3A_597 = vector.shape_cast %parallel_loop3A_592 : vector<16xf32> to vector<1x16xf32>
        tpu.vector_store %arg16[%parallel_loop3A_593, %parallel_loop3A_594], %parallel_loop3A_597 {strides = array<i32>} : memref<32x64xf32, #tpu.memory_space<vmem>>, vector<1x16xf32>,
        %parallel_loop3A_598 = arith.index_cast %parallel_loop3A_518 : i32 to index
        %parallel_loop3A_599 = arith.constant 48 : index
        %parallel_loop3A_600 = tpu.vector_load %arg11[%parallel_loop3A_598, %parallel_loop3A_599] {strides = array<i32>} : memref<32x128xf32, #tpu.memory_space<vmem>>, vector<1x16xf32>,
        %parallel_loop3A_601 = vector.shape_cast %parallel_loop3A_600 : vector<1x16xf32> to vector<16xf32>
        %parallel_loop3A_602 = arith.index_cast %parallel_loop3A_518 : i32 to index
        %parallel_loop3A_603 = arith.constant 112 : index
        %parallel_loop3A_604 = tpu.vector_load %arg11[%parallel_loop3A_602, %parallel_loop3A_603] {strides = array<i32>} : memref<32x128xf32, #tpu.memory_space<vmem>>, vector<1x16xf32>,
        %parallel_loop3A_605 = vector.shape_cast %parallel_loop3A_604 : vector<1x16xf32> to vector<16xf32>
        %parallel_loop3A_606 = arith.subf %parallel_loop3A_605, %parallel_loop3A_601 : vector<16xf32>
        %parallel_loop3A_607 = arith.mulf %parallel_loop3A_606, %parallel_loop3A_522 : vector<16xf32>
        %parallel_loop3A_608 = arith.addf %parallel_loop3A_601, %parallel_loop3A_607 : vector<16xf32>
        %parallel_loop3A_609 = arith.constant 8.000000e+00 : f32
        %parallel_loop3A_610 = vector.broadcast %parallel_loop3A_609 : f32 to vector<16xf32>
        %parallel_loop3A_611 = arith.mulf %parallel_loop3A_608, %parallel_loop3A_610 : vector<16xf32>
        %parallel_loop3A_612 = arith.addi %select_n3A_373, %parallel_loop3A_518 : i32
        %parallel_loop3A_613 = arith.index_cast %parallel_loop3A_612 : i32 to index
        %parallel_loop3A_614 = arith.constant 48 : index
        %parallel_loop3A_615 = tpu.vector_load %arg8[%parallel_loop3A_613, %parallel_loop3A_614] {strides = array<i32>} : memref<224x64xf32, #tpu.memory_space<vmem>>, vector<1x16xf32>,
        %parallel_loop3A_616 = vector.shape_cast %parallel_loop3A_615 : vector<1x16xf32> to vector<16xf32>
        %parallel_loop3A_617 = arith.addf %parallel_loop3A_611, %parallel_loop3A_616 : vector<16xf32>
        %parallel_loop3A_618 = arith.index_cast %parallel_loop3A_518 : i32 to index
        %parallel_loop3A_619 = arith.constant 48 : index
        %parallel_loop3A_620 = tpu.vector_load %arg16[%parallel_loop3A_618, %parallel_loop3A_619] {strides = array<i32>} : memref<32x64xf32, #tpu.memory_space<vmem>>, vector<1x16xf32>,
        %parallel_loop3A_621 = vector.shape_cast %parallel_loop3A_620 : vector<1x16xf32> to vector<16xf32>
        %parallel_loop3A_622 = vector.shape_cast %parallel_loop3A_617 : vector<16xf32> to vector<1x16xf32>
        tpu.vector_store %arg16[%parallel_loop3A_618, %parallel_loop3A_619], %parallel_loop3A_622 {strides = array<i32>} : memref<32x64xf32, #tpu.memory_space<vmem>>, vector<1x16xf32>,
      } {sc.loop_unroll_factor = 4 : i64, sc.parallel_access}
      %mul3A_377 = arith.constant 32 : i32
      %mul3A_378 = arith.muli %add3A_320, %mul3A_377 : i32
      %add3A_379 = arith.addi %mul3A_2, %mul3A_378 : i32
      %dma_start3A_380 = arith.constant 0 : i32
      %dma_start3A_381 = tpu.memref_slice %arg6[%add3A_379, %dma_start3A_380] : memref<204800x64xf32, #tpu.memory_space<hbm>> -> memref<32x64xf32, #tpu.memory_space<hbm>>
      %dma_start3A_382 = arith.constant 0 : i32
      %dma_start3A_383 = tpu.memref_slice %arg6[%add3A_379, %dma_start3A_382] : memref<204800x64xf32, #tpu.memory_space<hbm>> -> memref<32x64xf32, #tpu.memory_space<hbm>>
      tpu.enqueue_dma source(%arg16 : memref<32x64xf32, #tpu.memory_space<vmem>>) target(%dma_start3A_383 : memref<32x64xf32, #tpu.memory_space<hbm>>) target_semaphore(%arg41 : memref<!tpu.dma_semaphore, #tpu.memory_space<semaphore_mem>>)
      %mul3A_384 = arith.constant 5 : i32
      %mul3A_385 = arith.muli %scan3A_194, %mul3A_384 : i32
      %add3A_386 = arith.constant 3 : i32
      %add3A_387 = arith.addi %mul3A_385, %add3A_386 : i32
      %dma_wait3A_388 = arith.constant 0 : i32
      %dma_wait3A_389 = arith.constant 0 : i32
      %dma_wait3A_390 = tpu.memref_slice %arg5[%dma_wait3A_388, %dma_wait3A_389] : memref<500000x128xf32, #tpu.memory_space<hbm>> -> memref<500000x128xf32, #tpu.memory_space<hbm>>
      tpu.wait_indirect_dma semaphore(%arg32 : memref<!tpu.dma_semaphore, #tpu.memory_space<semaphore_mem>>) src(%dma_wait3A_390 : memref<500000x128xf32, #tpu.memory_space<hbm>>) dst(%arg12 : memref<32x128xf32, #tpu.memory_space<vmem>>)
      %dma_wait3A_391 = arith.constant 0 : i32
      %dma_wait3A_392 = arith.constant 0 : i32
      %dma_wait3A_393 = arith.constant 0 : i32
      %dma_wait3A_394 = tpu.memref_slice %arg4[%add3A, %dma_wait3A_391, %dma_wait3A_392, %dma_wait3A_393] : memref<32x200x32x16xf32, #tpu.memory_space<hbm>> -> memref<1x200x32x16xf32, #tpu.memory_space<hbm>>
      %dma_wait3A_395 = tpu.memref_squeeze %dma_wait3A_394 : memref<1x200x32x16xf32, #tpu.memory_space<hbm>> -> memref<200x32x16xf32, #tpu.memory_space<hbm>>
      %dma_wait3A_396 = arith.constant 0 : i32
      %dma_wait3A_397 = arith.constant 0 : i32
      %dma_wait3A_398 = tpu.memref_slice %dma_wait3A_395[%add3A_387, %dma_wait3A_396, %dma_wait3A_397] : memref<200x32x16xf32, #tpu.memory_space<hbm>> -> memref<1x32x16xf32, #tpu.memory_space<hbm>>
      %dma_wait3A_399 = tpu.memref_squeeze %dma_wait3A_398 : memref<1x32x16xf32, #tpu.memory_space<hbm>> -> memref<32x16xf32, #tpu.memory_space<hbm>>
      %dma_wait3A_400 = arith.constant 0 : i32
      %dma_wait3A_401 = arith.constant 0 : i32
      %dma_wait3A_402 = arith.constant 0 : i32
      %dma_wait3A_403 = tpu.memref_slice %arg4[%add3A, %dma_wait3A_400, %dma_wait3A_401, %dma_wait3A_402] : memref<32x200x32x16xf32, #tpu.memory_space<hbm>> -> memref<1x200x32x16xf32, #tpu.memory_space<hbm>>
      %dma_wait3A_404 = tpu.memref_squeeze %dma_wait3A_403 : memref<1x200x32x16xf32, #tpu.memory_space<hbm>> -> memref<200x32x16xf32, #tpu.memory_space<hbm>>
      %dma_wait3A_405 = arith.constant 0 : i32
      %dma_wait3A_406 = arith.constant 0 : i32
      %dma_wait3A_407 = tpu.memref_slice %dma_wait3A_404[%add3A_387, %dma_wait3A_405, %dma_wait3A_406] : memref<200x32x16xf32, #tpu.memory_space<hbm>> -> memref<1x32x16xf32, #tpu.memory_space<hbm>>
      %dma_wait3A_408 = tpu.memref_squeeze %dma_wait3A_407 : memref<1x32x16xf32, #tpu.memory_space<hbm>> -> memref<32x16xf32, #tpu.memory_space<hbm>>
      tpu.wait_dma2 semaphore(%arg37 : memref<!tpu.dma_semaphore, #tpu.memory_space<semaphore_mem>>) src(%dma_wait3A_408 : memref<32x16xf32, #tpu.memory_space<hbm>>) dst(%arg27 : memref<32x16xf32, #tpu.memory_space<vmem>>)
      %add3A_409 = arith.constant 5 : i32
      %add3A_410 = arith.addi %add3A_387, %add3A_409 : i32
      %sub3A_411 = arith.constant 1 : i32
      %sub3A_412 = arith.subi %add3A_410, %sub3A_411 : i32
      %lt3A_413 = arith.constant 200 : i32
      %lt3A_414 = arith.cmpi slt, %sub3A_412, %lt3A_413 : i32
      %convert_element_type3A_415 = arith.extui %lt3A_414 : i1 to i32
      %cond3A_416 = arith.constant 0 : i32
      %cond3A_417 = arith.cmpi ne, %convert_element_type3A_415, %cond3A_416 : i32
      scf.if %cond3A_417 {
        %add3A_518 = arith.constant 5 : i32
        %add3A_519 = arith.addi %add3A_387, %add3A_518 : i32
        %sub3A_520 = arith.constant 1 : i32
        %sub3A_521 = arith.subi %add3A_519, %sub3A_520 : i32
        %get3A_522 = arith.index_cast %sub3A_521 : i32 to index
        %get3A_523 = arith.constant 0 : index
        %get3A_524 = tpu.vector_load %arg7[%get3A_522, %get3A_523] {strides = array<i32>} : memref<200x32xi32, #tpu.memory_space<vmem>>, vector<1x16xi32>,
        %get3A_525 = vector.shape_cast %get3A_524 : vector<1x16xi32> to vector<16xi32>
        %swap3A_526 = arith.constant 0 : index
        %swap3A_527 = tpu.vector_load %arg21[%swap3A_526] {strides = array<i32>} : memref<32xi32, #tpu.memory_space<vmem>>, vector<16xi32>,
        %swap3A_528 = vector.shape_cast %swap3A_527 : vector<16xi32> to vector<16xi32>
        %swap3A_529 = vector.shape_cast %get3A_525 : vector<16xi32> to vector<16xi32>
        tpu.vector_store %arg21[%swap3A_526], %swap3A_529 {strides = array<i32>} : memref<32xi32, #tpu.memory_space<vmem>>, vector<16xi32>,
        %get3A_530 = arith.index_cast %sub3A_521 : i32 to index
        %get3A_531 = arith.constant 16 : index
        %get3A_532 = tpu.vector_load %arg7[%get3A_530, %get3A_531] {strides = array<i32>} : memref<200x32xi32, #tpu.memory_space<vmem>>, vector<1x16xi32>,
        %get3A_533 = vector.shape_cast %get3A_532 : vector<1x16xi32> to vector<16xi32>
        %swap3A_534 = arith.constant 16 : index
        %swap3A_535 = tpu.vector_load %arg21[%swap3A_534] {strides = array<i32>} : memref<32xi32, #tpu.memory_space<vmem>>, vector<16xi32>,
        %swap3A_536 = vector.shape_cast %swap3A_535 : vector<16xi32> to vector<16xi32>
        %swap3A_537 = vector.shape_cast %get3A_533 : vector<16xi32> to vector<16xi32>
        tpu.vector_store %arg21[%swap3A_534], %swap3A_537 {strides = array<i32>} : memref<32xi32, #tpu.memory_space<vmem>>, vector<16xi32>,
        %dma_start3A_538 = arith.constant 0 : i32
        %dma_start3A_539 = arith.constant 0 : i32
        %dma_start3A_540 = tpu.memref_slice %arg5[%dma_start3A_538, %dma_start3A_539] : memref<500000x128xf32, #tpu.memory_space<hbm>> -> memref<500000x128xf32, #tpu.memory_space<hbm>>
        tpu.enqueue_indirect_dma source(%dma_start3A_540 : memref<500000x128xf32, #tpu.memory_space<hbm>>) target(%arg11 : memref<32x128xf32, #tpu.memory_space<vmem>>) offsets(%arg21 : memref<32xi32, #tpu.memory_space<vmem>>) semaphore(%arg31 : memref<!tpu.dma_semaphore, #tpu.memory_space<semaphore_mem>>)
        %dma_start3A_541 = arith.constant 0 : i32
        %dma_start3A_542 = arith.constant 0 : i32
        %dma_start3A_543 = arith.constant 0 : i32
        %dma_start3A_544 = tpu.memref_slice %arg4[%add3A, %dma_start3A_541, %dma_start3A_542, %dma_start3A_543] : memref<32x200x32x16xf32, #tpu.memory_space<hbm>> -> memref<1x200x32x16xf32, #tpu.memory_space<hbm>>
        %dma_start3A_545 = tpu.memref_squeeze %dma_start3A_544 : memref<1x200x32x16xf32, #tpu.memory_space<hbm>> -> memref<200x32x16xf32, #tpu.memory_space<hbm>>
        %dma_start3A_546 = arith.constant 0 : i32
        %dma_start3A_547 = arith.constant 0 : i32
        %dma_start3A_548 = tpu.memref_slice %dma_start3A_545[%sub3A_521, %dma_start3A_546, %dma_start3A_547] : memref<200x32x16xf32, #tpu.memory_space<hbm>> -> memref<1x32x16xf32, #tpu.memory_space<hbm>>
        %dma_start3A_549 = tpu.memref_squeeze %dma_start3A_548 : memref<1x32x16xf32, #tpu.memory_space<hbm>> -> memref<32x16xf32, #tpu.memory_space<hbm>>
        %dma_start3A_550 = arith.constant 0 : i32
        %dma_start3A_551 = arith.constant 0 : i32
        %dma_start3A_552 = arith.constant 0 : i32
        %dma_start3A_553 = tpu.memref_slice %arg4[%add3A, %dma_start3A_550, %dma_start3A_551, %dma_start3A_552] : memref<32x200x32x16xf32, #tpu.memory_space<hbm>> -> memref<1x200x32x16xf32, #tpu.memory_space<hbm>>
        %dma_start3A_554 = tpu.memref_squeeze %dma_start3A_553 : memref<1x200x32x16xf32, #tpu.memory_space<hbm>> -> memref<200x32x16xf32, #tpu.memory_space<hbm>>
        %dma_start3A_555 = arith.constant 0 : i32
        %dma_start3A_556 = arith.constant 0 : i32
        %dma_start3A_557 = tpu.memref_slice %dma_start3A_554[%sub3A_521, %dma_start3A_555, %dma_start3A_556] : memref<200x32x16xf32, #tpu.memory_space<hbm>> -> memref<1x32x16xf32, #tpu.memory_space<hbm>>
        %dma_start3A_558 = tpu.memref_squeeze %dma_start3A_557 : memref<1x32x16xf32, #tpu.memory_space<hbm>> -> memref<32x16xf32, #tpu.memory_space<hbm>>
        tpu.enqueue_dma source(%dma_start3A_558 : memref<32x16xf32, #tpu.memory_space<hbm>>) target(%arg26 : memref<32x16xf32, #tpu.memory_space<vmem>>) target_semaphore(%arg36 : memref<!tpu.dma_semaphore, #tpu.memory_space<semaphore_mem>>)
      } else {
      }
      %ge3A_418 = arith.constant 1 : i32
      %ge3A_419 = arith.cmpi sge, %scan3A_194, %ge3A_418 : i32
      %convert_element_type3A_420 = arith.extui %ge3A_419 : i1 to i32
      %cond3A_421 = arith.constant 0 : i32
      %cond3A_422 = arith.cmpi ne, %convert_element_type3A_420, %cond3A_421 : i32
      scf.if %cond3A_422 {
        %dma_wait3A_518 = arith.constant 0 : i32
        %dma_wait3A_519 = arith.constant 0 : i32
        %dma_wait3A_520 = tpu.memref_slice %arg6[%dma_wait3A_518, %dma_wait3A_519] : memref<204800x64xf32, #tpu.memory_space<hbm>> -> memref<32x64xf32, #tpu.memory_space<hbm>>
        %dma_wait3A_521 = arith.constant 0 : i32
        %dma_wait3A_522 = arith.constant 0 : i32
        %dma_wait3A_523 = tpu.memref_slice %arg6[%dma_wait3A_521, %dma_wait3A_522] : memref<204800x64xf32, #tpu.memory_space<hbm>> -> memref<32x64xf32, #tpu.memory_space<hbm>>
        tpu.wait_dma2 semaphore(%arg42 : memref<!tpu.dma_semaphore, #tpu.memory_space<semaphore_mem>>) src(%arg17 : memref<32x64xf32, #tpu.memory_space<vmem>>) dst(%dma_wait3A_523 : memref<32x64xf32, #tpu.memory_space<hbm>>)
      } else {
      }
      %mul3A_423 = arith.constant 32 : i32
      %mul3A_424 = arith.muli %add3A_387, %mul3A_423 : i32
      %jit3A_425 = arith.constant 200 : i32
      %eq3A_426 = arith.constant 0 : i32
      %eq3A_427 = arith.cmpi eq, %jit3A_425, %eq3A_426 : i32
      %jit3A_428 = arith.constant 1 : i32
      %select_n3A_429 = arith.select %eq3A_427, %jit3A_428, %jit3A_425 : i32
      %rem3A_430 = arith.remsi %mul3A_424, %select_n3A_429 : i32
      %ne3A_431 = arith.constant 0 : i32
      %ne3A_432 = arith.cmpi ne, %rem3A_430, %ne3A_431 : i32
      %lt3A_433 = arith.constant 0 : i32
      %lt3A_434 = arith.cmpi slt, %rem3A_430, %lt3A_433 : i32
      %lt3A_435 = arith.constant 0 : i32
      %lt3A_436 = arith.cmpi slt, %select_n3A_429, %lt3A_435 : i32
      %ne3A_437 = arith.xori %lt3A_434, %lt3A_436 : i1
      %and3A_438 = arith.andi %ne3A_437, %ne3A_432 : i1
      %add3A_439 = arith.addi %rem3A_430, %select_n3A_429 : i32
      %select_n3A_440 = arith.select %and3A_438, %add3A_439, %rem3A_430 : i32
      %parallel_loop3A_441 = arith.constant 0 : i32
      %parallel_loop3A_442 = arith.constant 32 : i32
      %parallel_loop3A_443 = arith.constant 1 : i32
      scf.for %parallel_loop3A_518 = %parallel_loop3A_441 to %parallel_loop3A_442 step %parallel_loop3A_443  : i32 {
        %parallel_loop3A_519 = arith.index_cast %parallel_loop3A_518 : i32 to index
        %parallel_loop3A_520 = arith.constant 0 : index
        %parallel_loop3A_521 = tpu.vector_load %arg27[%parallel_loop3A_519, %parallel_loop3A_520] {strides = array<i32>} : memref<32x16xf32, #tpu.memory_space<vmem>>, vector<1x16xf32>,
        %parallel_loop3A_522 = vector.shape_cast %parallel_loop3A_521 : vector<1x16xf32> to vector<16xf32>
        %parallel_loop3A_523 = arith.index_cast %parallel_loop3A_518 : i32 to index
        %parallel_loop3A_524 = arith.constant 0 : index
        %parallel_loop3A_525 = tpu.vector_load %arg12[%parallel_loop3A_523, %parallel_loop3A_524] {strides = array<i32>} : memref<32x128xf32, #tpu.memory_space<vmem>>, vector<1x16xf32>,
        %parallel_loop3A_526 = vector.shape_cast %parallel_loop3A_525 : vector<1x16xf32> to vector<16xf32>
        %parallel_loop3A_527 = arith.index_cast %parallel_loop3A_518 : i32 to index
        %parallel_loop3A_528 = arith.constant 64 : index
        %parallel_loop3A_529 = tpu.vector_load %arg12[%parallel_loop3A_527, %parallel_loop3A_528] {strides = array<i32>} : memref<32x128xf32, #tpu.memory_space<vmem>>, vector<1x16xf32>,
        %parallel_loop3A_530 = vector.shape_cast %parallel_loop3A_529 : vector<1x16xf32> to vector<16xf32>
        %parallel_loop3A_531 = arith.subf %parallel_loop3A_530, %parallel_loop3A_526 : vector<16xf32>
        %parallel_loop3A_532 = arith.mulf %parallel_loop3A_531, %parallel_loop3A_522 : vector<16xf32>
        %parallel_loop3A_533 = arith.addf %parallel_loop3A_526, %parallel_loop3A_532 : vector<16xf32>
        %parallel_loop3A_534 = arith.constant 8.000000e+00 : f32
        %parallel_loop3A_535 = vector.broadcast %parallel_loop3A_534 : f32 to vector<16xf32>
        %parallel_loop3A_536 = arith.mulf %parallel_loop3A_533, %parallel_loop3A_535 : vector<16xf32>
        %parallel_loop3A_537 = arith.addi %select_n3A_440, %parallel_loop3A_518 : i32
        %parallel_loop3A_538 = arith.index_cast %parallel_loop3A_537 : i32 to index
        %parallel_loop3A_539 = arith.constant 0 : index
        %parallel_loop3A_540 = tpu.vector_load %arg8[%parallel_loop3A_538, %parallel_loop3A_539] {strides = array<i32>} : memref<224x64xf32, #tpu.memory_space<vmem>>, vector<1x16xf32>,
        %parallel_loop3A_541 = vector.shape_cast %parallel_loop3A_540 : vector<1x16xf32> to vector<16xf32>
        %parallel_loop3A_542 = arith.addf %parallel_loop3A_536, %parallel_loop3A_541 : vector<16xf32>
        %parallel_loop3A_543 = arith.index_cast %parallel_loop3A_518 : i32 to index
        %parallel_loop3A_544 = arith.constant 0 : index
        %parallel_loop3A_545 = tpu.vector_load %arg17[%parallel_loop3A_543, %parallel_loop3A_544] {strides = array<i32>} : memref<32x64xf32, #tpu.memory_space<vmem>>, vector<1x16xf32>,
        %parallel_loop3A_546 = vector.shape_cast %parallel_loop3A_545 : vector<1x16xf32> to vector<16xf32>
        %parallel_loop3A_547 = vector.shape_cast %parallel_loop3A_542 : vector<16xf32> to vector<1x16xf32>
        tpu.vector_store %arg17[%parallel_loop3A_543, %parallel_loop3A_544], %parallel_loop3A_547 {strides = array<i32>} : memref<32x64xf32, #tpu.memory_space<vmem>>, vector<1x16xf32>,
        %parallel_loop3A_548 = arith.index_cast %parallel_loop3A_518 : i32 to index
        %parallel_loop3A_549 = arith.constant 16 : index
        %parallel_loop3A_550 = tpu.vector_load %arg12[%parallel_loop3A_548, %parallel_loop3A_549] {strides = array<i32>} : memref<32x128xf32, #tpu.memory_space<vmem>>, vector<1x16xf32>,
        %parallel_loop3A_551 = vector.shape_cast %parallel_loop3A_550 : vector<1x16xf32> to vector<16xf32>
        %parallel_loop3A_552 = arith.index_cast %parallel_loop3A_518 : i32 to index
        %parallel_loop3A_553 = arith.constant 80 : index
        %parallel_loop3A_554 = tpu.vector_load %arg12[%parallel_loop3A_552, %parallel_loop3A_553] {strides = array<i32>} : memref<32x128xf32, #tpu.memory_space<vmem>>, vector<1x16xf32>,
        %parallel_loop3A_555 = vector.shape_cast %parallel_loop3A_554 : vector<1x16xf32> to vector<16xf32>
        %parallel_loop3A_556 = arith.subf %parallel_loop3A_555, %parallel_loop3A_551 : vector<16xf32>
        %parallel_loop3A_557 = arith.mulf %parallel_loop3A_556, %parallel_loop3A_522 : vector<16xf32>
        %parallel_loop3A_558 = arith.addf %parallel_loop3A_551, %parallel_loop3A_557 : vector<16xf32>
        %parallel_loop3A_559 = arith.constant 8.000000e+00 : f32
        %parallel_loop3A_560 = vector.broadcast %parallel_loop3A_559 : f32 to vector<16xf32>
        %parallel_loop3A_561 = arith.mulf %parallel_loop3A_558, %parallel_loop3A_560 : vector<16xf32>
        %parallel_loop3A_562 = arith.addi %select_n3A_440, %parallel_loop3A_518 : i32
        %parallel_loop3A_563 = arith.index_cast %parallel_loop3A_562 : i32 to index
        %parallel_loop3A_564 = arith.constant 16 : index
        %parallel_loop3A_565 = tpu.vector_load %arg8[%parallel_loop3A_563, %parallel_loop3A_564] {strides = array<i32>} : memref<224x64xf32, #tpu.memory_space<vmem>>, vector<1x16xf32>,
        %parallel_loop3A_566 = vector.shape_cast %parallel_loop3A_565 : vector<1x16xf32> to vector<16xf32>
        %parallel_loop3A_567 = arith.addf %parallel_loop3A_561, %parallel_loop3A_566 : vector<16xf32>
        %parallel_loop3A_568 = arith.index_cast %parallel_loop3A_518 : i32 to index
        %parallel_loop3A_569 = arith.constant 16 : index
        %parallel_loop3A_570 = tpu.vector_load %arg17[%parallel_loop3A_568, %parallel_loop3A_569] {strides = array<i32>} : memref<32x64xf32, #tpu.memory_space<vmem>>, vector<1x16xf32>,
        %parallel_loop3A_571 = vector.shape_cast %parallel_loop3A_570 : vector<1x16xf32> to vector<16xf32>
        %parallel_loop3A_572 = vector.shape_cast %parallel_loop3A_567 : vector<16xf32> to vector<1x16xf32>
        tpu.vector_store %arg17[%parallel_loop3A_568, %parallel_loop3A_569], %parallel_loop3A_572 {strides = array<i32>} : memref<32x64xf32, #tpu.memory_space<vmem>>, vector<1x16xf32>,
        %parallel_loop3A_573 = arith.index_cast %parallel_loop3A_518 : i32 to index
        %parallel_loop3A_574 = arith.constant 32 : index
        %parallel_loop3A_575 = tpu.vector_load %arg12[%parallel_loop3A_573, %parallel_loop3A_574] {strides = array<i32>} : memref<32x128xf32, #tpu.memory_space<vmem>>, vector<1x16xf32>,
        %parallel_loop3A_576 = vector.shape_cast %parallel_loop3A_575 : vector<1x16xf32> to vector<16xf32>
        %parallel_loop3A_577 = arith.index_cast %parallel_loop3A_518 : i32 to index
        %parallel_loop3A_578 = arith.constant 96 : index
        %parallel_loop3A_579 = tpu.vector_load %arg12[%parallel_loop3A_577, %parallel_loop3A_578] {strides = array<i32>} : memref<32x128xf32, #tpu.memory_space<vmem>>, vector<1x16xf32>,
        %parallel_loop3A_580 = vector.shape_cast %parallel_loop3A_579 : vector<1x16xf32> to vector<16xf32>
        %parallel_loop3A_581 = arith.subf %parallel_loop3A_580, %parallel_loop3A_576 : vector<16xf32>
        %parallel_loop3A_582 = arith.mulf %parallel_loop3A_581, %parallel_loop3A_522 : vector<16xf32>
        %parallel_loop3A_583 = arith.addf %parallel_loop3A_576, %parallel_loop3A_582 : vector<16xf32>
        %parallel_loop3A_584 = arith.constant 8.000000e+00 : f32
        %parallel_loop3A_585 = vector.broadcast %parallel_loop3A_584 : f32 to vector<16xf32>
        %parallel_loop3A_586 = arith.mulf %parallel_loop3A_583, %parallel_loop3A_585 : vector<16xf32>
        %parallel_loop3A_587 = arith.addi %select_n3A_440, %parallel_loop3A_518 : i32
        %parallel_loop3A_588 = arith.index_cast %parallel_loop3A_587 : i32 to index
        %parallel_loop3A_589 = arith.constant 32 : index
        %parallel_loop3A_590 = tpu.vector_load %arg8[%parallel_loop3A_588, %parallel_loop3A_589] {strides = array<i32>} : memref<224x64xf32, #tpu.memory_space<vmem>>, vector<1x16xf32>,
        %parallel_loop3A_591 = vector.shape_cast %parallel_loop3A_590 : vector<1x16xf32> to vector<16xf32>
        %parallel_loop3A_592 = arith.addf %parallel_loop3A_586, %parallel_loop3A_591 : vector<16xf32>
        %parallel_loop3A_593 = arith.index_cast %parallel_loop3A_518 : i32 to index
        %parallel_loop3A_594 = arith.constant 32 : index
        %parallel_loop3A_595 = tpu.vector_load %arg17[%parallel_loop3A_593, %parallel_loop3A_594] {strides = array<i32>} : memref<32x64xf32, #tpu.memory_space<vmem>>, vector<1x16xf32>,
        %parallel_loop3A_596 = vector.shape_cast %parallel_loop3A_595 : vector<1x16xf32> to vector<16xf32>
        %parallel_loop3A_597 = vector.shape_cast %parallel_loop3A_592 : vector<16xf32> to vector<1x16xf32>
        tpu.vector_store %arg17[%parallel_loop3A_593, %parallel_loop3A_594], %parallel_loop3A_597 {strides = array<i32>} : memref<32x64xf32, #tpu.memory_space<vmem>>, vector<1x16xf32>,
        %parallel_loop3A_598 = arith.index_cast %parallel_loop3A_518 : i32 to index
        %parallel_loop3A_599 = arith.constant 48 : index
        %parallel_loop3A_600 = tpu.vector_load %arg12[%parallel_loop3A_598, %parallel_loop3A_599] {strides = array<i32>} : memref<32x128xf32, #tpu.memory_space<vmem>>, vector<1x16xf32>,
        %parallel_loop3A_601 = vector.shape_cast %parallel_loop3A_600 : vector<1x16xf32> to vector<16xf32>
        %parallel_loop3A_602 = arith.index_cast %parallel_loop3A_518 : i32 to index
        %parallel_loop3A_603 = arith.constant 112 : index
        %parallel_loop3A_604 = tpu.vector_load %arg12[%parallel_loop3A_602, %parallel_loop3A_603] {strides = array<i32>} : memref<32x128xf32, #tpu.memory_space<vmem>>, vector<1x16xf32>,
        %parallel_loop3A_605 = vector.shape_cast %parallel_loop3A_604 : vector<1x16xf32> to vector<16xf32>
        %parallel_loop3A_606 = arith.subf %parallel_loop3A_605, %parallel_loop3A_601 : vector<16xf32>
        %parallel_loop3A_607 = arith.mulf %parallel_loop3A_606, %parallel_loop3A_522 : vector<16xf32>
        %parallel_loop3A_608 = arith.addf %parallel_loop3A_601, %parallel_loop3A_607 : vector<16xf32>
        %parallel_loop3A_609 = arith.constant 8.000000e+00 : f32
        %parallel_loop3A_610 = vector.broadcast %parallel_loop3A_609 : f32 to vector<16xf32>
        %parallel_loop3A_611 = arith.mulf %parallel_loop3A_608, %parallel_loop3A_610 : vector<16xf32>
        %parallel_loop3A_612 = arith.addi %select_n3A_440, %parallel_loop3A_518 : i32
        %parallel_loop3A_613 = arith.index_cast %parallel_loop3A_612 : i32 to index
        %parallel_loop3A_614 = arith.constant 48 : index
        %parallel_loop3A_615 = tpu.vector_load %arg8[%parallel_loop3A_613, %parallel_loop3A_614] {strides = array<i32>} : memref<224x64xf32, #tpu.memory_space<vmem>>, vector<1x16xf32>,
        %parallel_loop3A_616 = vector.shape_cast %parallel_loop3A_615 : vector<1x16xf32> to vector<16xf32>
        %parallel_loop3A_617 = arith.addf %parallel_loop3A_611, %parallel_loop3A_616 : vector<16xf32>
        %parallel_loop3A_618 = arith.index_cast %parallel_loop3A_518 : i32 to index
        %parallel_loop3A_619 = arith.constant 48 : index
        %parallel_loop3A_620 = tpu.vector_load %arg17[%parallel_loop3A_618, %parallel_loop3A_619] {strides = array<i32>} : memref<32x64xf32, #tpu.memory_space<vmem>>, vector<1x16xf32>,
        %parallel_loop3A_621 = vector.shape_cast %parallel_loop3A_620 : vector<1x16xf32> to vector<16xf32>
        %parallel_loop3A_622 = vector.shape_cast %parallel_loop3A_617 : vector<16xf32> to vector<1x16xf32>
        tpu.vector_store %arg17[%parallel_loop3A_618, %parallel_loop3A_619], %parallel_loop3A_622 {strides = array<i32>} : memref<32x64xf32, #tpu.memory_space<vmem>>, vector<1x16xf32>,
      } {sc.loop_unroll_factor = 4 : i64, sc.parallel_access}
      %mul3A_444 = arith.constant 32 : i32
      %mul3A_445 = arith.muli %add3A_387, %mul3A_444 : i32
      %add3A_446 = arith.addi %mul3A_2, %mul3A_445 : i32
      %dma_start3A_447 = arith.constant 0 : i32
      %dma_start3A_448 = tpu.memref_slice %arg6[%add3A_446, %dma_start3A_447] : memref<204800x64xf32, #tpu.memory_space<hbm>> -> memref<32x64xf32, #tpu.memory_space<hbm>>
      %dma_start3A_449 = arith.constant 0 : i32
      %dma_start3A_450 = tpu.memref_slice %arg6[%add3A_446, %dma_start3A_449] : memref<204800x64xf32, #tpu.memory_space<hbm>> -> memref<32x64xf32, #tpu.memory_space<hbm>>
      tpu.enqueue_dma source(%arg17 : memref<32x64xf32, #tpu.memory_space<vmem>>) target(%dma_start3A_450 : memref<32x64xf32, #tpu.memory_space<hbm>>) target_semaphore(%arg42 : memref<!tpu.dma_semaphore, #tpu.memory_space<semaphore_mem>>)
      %mul3A_451 = arith.constant 5 : i32
      %mul3A_452 = arith.muli %scan3A_194, %mul3A_451 : i32
      %add3A_453 = arith.constant 4 : i32
      %add3A_454 = arith.addi %mul3A_452, %add3A_453 : i32
      %dma_wait3A_455 = arith.constant 0 : i32
      %dma_wait3A_456 = arith.constant 0 : i32
      %dma_wait3A_457 = tpu.memref_slice %arg5[%dma_wait3A_455, %dma_wait3A_456] : memref<500000x128xf32, #tpu.memory_space<hbm>> -> memref<500000x128xf32, #tpu.memory_space<hbm>>
      tpu.wait_indirect_dma semaphore(%arg33 : memref<!tpu.dma_semaphore, #tpu.memory_space<semaphore_mem>>) src(%dma_wait3A_457 : memref<500000x128xf32, #tpu.memory_space<hbm>>) dst(%arg13 : memref<32x128xf32, #tpu.memory_space<vmem>>)
      %dma_wait3A_458 = arith.constant 0 : i32
      %dma_wait3A_459 = arith.constant 0 : i32
      %dma_wait3A_460 = arith.constant 0 : i32
      %dma_wait3A_461 = tpu.memref_slice %arg4[%add3A, %dma_wait3A_458, %dma_wait3A_459, %dma_wait3A_460] : memref<32x200x32x16xf32, #tpu.memory_space<hbm>> -> memref<1x200x32x16xf32, #tpu.memory_space<hbm>>
      %dma_wait3A_462 = tpu.memref_squeeze %dma_wait3A_461 : memref<1x200x32x16xf32, #tpu.memory_space<hbm>> -> memref<200x32x16xf32, #tpu.memory_space<hbm>>
      %dma_wait3A_463 = arith.constant 0 : i32
      %dma_wait3A_464 = arith.constant 0 : i32
      %dma_wait3A_465 = tpu.memref_slice %dma_wait3A_462[%add3A_454, %dma_wait3A_463, %dma_wait3A_464] : memref<200x32x16xf32, #tpu.memory_space<hbm>> -> memref<1x32x16xf32, #tpu.memory_space<hbm>>
      %dma_wait3A_466 = tpu.memref_squeeze %dma_wait3A_465 : memref<1x32x16xf32, #tpu.memory_space<hbm>> -> memref<32x16xf32, #tpu.memory_space<hbm>>
      %dma_wait3A_467 = arith.constant 0 : i32
      %dma_wait3A_468 = arith.constant 0 : i32
      %dma_wait3A_469 = arith.constant 0 : i32
      %dma_wait3A_470 = tpu.memref_slice %arg4[%add3A, %dma_wait3A_467, %dma_wait3A_468, %dma_wait3A_469] : memref<32x200x32x16xf32, #tpu.memory_space<hbm>> -> memref<1x200x32x16xf32, #tpu.memory_space<hbm>>
      %dma_wait3A_471 = tpu.memref_squeeze %dma_wait3A_470 : memref<1x200x32x16xf32, #tpu.memory_space<hbm>> -> memref<200x32x16xf32, #tpu.memory_space<hbm>>
      %dma_wait3A_472 = arith.constant 0 : i32
      %dma_wait3A_473 = arith.constant 0 : i32
      %dma_wait3A_474 = tpu.memref_slice %dma_wait3A_471[%add3A_454, %dma_wait3A_472, %dma_wait3A_473] : memref<200x32x16xf32, #tpu.memory_space<hbm>> -> memref<1x32x16xf32, #tpu.memory_space<hbm>>
      %dma_wait3A_475 = tpu.memref_squeeze %dma_wait3A_474 : memref<1x32x16xf32, #tpu.memory_space<hbm>> -> memref<32x16xf32, #tpu.memory_space<hbm>>
      tpu.wait_dma2 semaphore(%arg38 : memref<!tpu.dma_semaphore, #tpu.memory_space<semaphore_mem>>) src(%dma_wait3A_475 : memref<32x16xf32, #tpu.memory_space<hbm>>) dst(%arg28 : memref<32x16xf32, #tpu.memory_space<vmem>>)
      %add3A_476 = arith.constant 5 : i32
      %add3A_477 = arith.addi %add3A_454, %add3A_476 : i32
      %sub3A_478 = arith.constant 1 : i32
      %sub3A_479 = arith.subi %add3A_477, %sub3A_478 : i32
      %lt3A_480 = arith.constant 200 : i32
      %lt3A_481 = arith.cmpi slt, %sub3A_479, %lt3A_480 : i32
      %convert_element_type3A_482 = arith.extui %lt3A_481 : i1 to i32
      %cond3A_483 = arith.constant 0 : i32
      %cond3A_484 = arith.cmpi ne, %convert_element_type3A_482, %cond3A_483 : i32
      scf.if %cond3A_484 {
        %add3A_518 = arith.constant 5 : i32
        %add3A_519 = arith.addi %add3A_454, %add3A_518 : i32
        %sub3A_520 = arith.constant 1 : i32
        %sub3A_521 = arith.subi %add3A_519, %sub3A_520 : i32
        %get3A_522 = arith.index_cast %sub3A_521 : i32 to index
        %get3A_523 = arith.constant 0 : index
        %get3A_524 = tpu.vector_load %arg7[%get3A_522, %get3A_523] {strides = array<i32>} : memref<200x32xi32, #tpu.memory_space<vmem>>, vector<1x16xi32>,
        %get3A_525 = vector.shape_cast %get3A_524 : vector<1x16xi32> to vector<16xi32>
        %swap3A_526 = arith.constant 0 : index
        %swap3A_527 = tpu.vector_load %arg22[%swap3A_526] {strides = array<i32>} : memref<32xi32, #tpu.memory_space<vmem>>, vector<16xi32>,
        %swap3A_528 = vector.shape_cast %swap3A_527 : vector<16xi32> to vector<16xi32>
        %swap3A_529 = vector.shape_cast %get3A_525 : vector<16xi32> to vector<16xi32>
        tpu.vector_store %arg22[%swap3A_526], %swap3A_529 {strides = array<i32>} : memref<32xi32, #tpu.memory_space<vmem>>, vector<16xi32>,
        %get3A_530 = arith.index_cast %sub3A_521 : i32 to index
        %get3A_531 = arith.constant 16 : index
        %get3A_532 = tpu.vector_load %arg7[%get3A_530, %get3A_531] {strides = array<i32>} : memref<200x32xi32, #tpu.memory_space<vmem>>, vector<1x16xi32>,
        %get3A_533 = vector.shape_cast %get3A_532 : vector<1x16xi32> to vector<16xi32>
        %swap3A_534 = arith.constant 16 : index
        %swap3A_535 = tpu.vector_load %arg22[%swap3A_534] {strides = array<i32>} : memref<32xi32, #tpu.memory_space<vmem>>, vector<16xi32>,
        %swap3A_536 = vector.shape_cast %swap3A_535 : vector<16xi32> to vector<16xi32>
        %swap3A_537 = vector.shape_cast %get3A_533 : vector<16xi32> to vector<16xi32>
        tpu.vector_store %arg22[%swap3A_534], %swap3A_537 {strides = array<i32>} : memref<32xi32, #tpu.memory_space<vmem>>, vector<16xi32>,
        %dma_start3A_538 = arith.constant 0 : i32
        %dma_start3A_539 = arith.constant 0 : i32
        %dma_start3A_540 = tpu.memref_slice %arg5[%dma_start3A_538, %dma_start3A_539] : memref<500000x128xf32, #tpu.memory_space<hbm>> -> memref<500000x128xf32, #tpu.memory_space<hbm>>
        tpu.enqueue_indirect_dma source(%dma_start3A_540 : memref<500000x128xf32, #tpu.memory_space<hbm>>) target(%arg12 : memref<32x128xf32, #tpu.memory_space<vmem>>) offsets(%arg22 : memref<32xi32, #tpu.memory_space<vmem>>) semaphore(%arg32 : memref<!tpu.dma_semaphore, #tpu.memory_space<semaphore_mem>>)
        %dma_start3A_541 = arith.constant 0 : i32
        %dma_start3A_542 = arith.constant 0 : i32
        %dma_start3A_543 = arith.constant 0 : i32
        %dma_start3A_544 = tpu.memref_slice %arg4[%add3A, %dma_start3A_541, %dma_start3A_542, %dma_start3A_543] : memref<32x200x32x16xf32, #tpu.memory_space<hbm>> -> memref<1x200x32x16xf32, #tpu.memory_space<hbm>>
        %dma_start3A_545 = tpu.memref_squeeze %dma_start3A_544 : memref<1x200x32x16xf32, #tpu.memory_space<hbm>> -> memref<200x32x16xf32, #tpu.memory_space<hbm>>
        %dma_start3A_546 = arith.constant 0 : i32
        %dma_start3A_547 = arith.constant 0 : i32
        %dma_start3A_548 = tpu.memref_slice %dma_start3A_545[%sub3A_521, %dma_start3A_546, %dma_start3A_547] : memref<200x32x16xf32, #tpu.memory_space<hbm>> -> memref<1x32x16xf32, #tpu.memory_space<hbm>>
        %dma_start3A_549 = tpu.memref_squeeze %dma_start3A_548 : memref<1x32x16xf32, #tpu.memory_space<hbm>> -> memref<32x16xf32, #tpu.memory_space<hbm>>
        %dma_start3A_550 = arith.constant 0 : i32
        %dma_start3A_551 = arith.constant 0 : i32
        %dma_start3A_552 = arith.constant 0 : i32
        %dma_start3A_553 = tpu.memref_slice %arg4[%add3A, %dma_start3A_550, %dma_start3A_551, %dma_start3A_552] : memref<32x200x32x16xf32, #tpu.memory_space<hbm>> -> memref<1x200x32x16xf32, #tpu.memory_space<hbm>>
        %dma_start3A_554 = tpu.memref_squeeze %dma_start3A_553 : memref<1x200x32x16xf32, #tpu.memory_space<hbm>> -> memref<200x32x16xf32, #tpu.memory_space<hbm>>
        %dma_start3A_555 = arith.constant 0 : i32
        %dma_start3A_556 = arith.constant 0 : i32
        %dma_start3A_557 = tpu.memref_slice %dma_start3A_554[%sub3A_521, %dma_start3A_555, %dma_start3A_556] : memref<200x32x16xf32, #tpu.memory_space<hbm>> -> memref<1x32x16xf32, #tpu.memory_space<hbm>>
        %dma_start3A_558 = tpu.memref_squeeze %dma_start3A_557 : memref<1x32x16xf32, #tpu.memory_space<hbm>> -> memref<32x16xf32, #tpu.memory_space<hbm>>
        tpu.enqueue_dma source(%dma_start3A_558 : memref<32x16xf32, #tpu.memory_space<hbm>>) target(%arg27 : memref<32x16xf32, #tpu.memory_space<vmem>>) target_semaphore(%arg37 : memref<!tpu.dma_semaphore, #tpu.memory_space<semaphore_mem>>)
      } else {
      }
      %ge3A_485 = arith.constant 1 : i32
      %ge3A_486 = arith.cmpi sge, %scan3A_194, %ge3A_485 : i32
      %convert_element_type3A_487 = arith.extui %ge3A_486 : i1 to i32
      %cond3A_488 = arith.constant 0 : i32
      %cond3A_489 = arith.cmpi ne, %convert_element_type3A_487, %cond3A_488 : i32
      scf.if %cond3A_489 {
        %dma_wait3A_518 = arith.constant 0 : i32
        %dma_wait3A_519 = arith.constant 0 : i32
        %dma_wait3A_520 = tpu.memref_slice %arg6[%dma_wait3A_518, %dma_wait3A_519] : memref<204800x64xf32, #tpu.memory_space<hbm>> -> memref<32x64xf32, #tpu.memory_space<hbm>>
        %dma_wait3A_521 = arith.constant 0 : i32
        %dma_wait3A_522 = arith.constant 0 : i32
        %dma_wait3A_523 = tpu.memref_slice %arg6[%dma_wait3A_521, %dma_wait3A_522] : memref<204800x64xf32, #tpu.memory_space<hbm>> -> memref<32x64xf32, #tpu.memory_space<hbm>>
        tpu.wait_dma2 semaphore(%arg43 : memref<!tpu.dma_semaphore, #tpu.memory_space<semaphore_mem>>) src(%arg18 : memref<32x64xf32, #tpu.memory_space<vmem>>) dst(%dma_wait3A_523 : memref<32x64xf32, #tpu.memory_space<hbm>>)
      } else {
      }
      %mul3A_490 = arith.constant 32 : i32
      %mul3A_491 = arith.muli %add3A_454, %mul3A_490 : i32
      %jit3A_492 = arith.constant 200 : i32
      %eq3A_493 = arith.constant 0 : i32
      %eq3A_494 = arith.cmpi eq, %jit3A_492, %eq3A_493 : i32
      %jit3A_495 = arith.constant 1 : i32
      %select_n3A_496 = arith.select %eq3A_494, %jit3A_495, %jit3A_492 : i32
      %rem3A_497 = arith.remsi %mul3A_491, %select_n3A_496 : i32
      %ne3A_498 = arith.constant 0 : i32
      %ne3A_499 = arith.cmpi ne, %rem3A_497, %ne3A_498 : i32
      %lt3A_500 = arith.constant 0 : i32
      %lt3A_501 = arith.cmpi slt, %rem3A_497, %lt3A_500 : i32
      %lt3A_502 = arith.constant 0 : i32
      %lt3A_503 = arith.cmpi slt, %select_n3A_496, %lt3A_502 : i32
      %ne3A_504 = arith.xori %lt3A_501, %lt3A_503 : i1
      %and3A_505 = arith.andi %ne3A_504, %ne3A_499 : i1
      %add3A_506 = arith.addi %rem3A_497, %select_n3A_496 : i32
      %select_n3A_507 = arith.select %and3A_505, %add3A_506, %rem3A_497 : i32
      %parallel_loop3A_508 = arith.constant 0 : i32
      %parallel_loop3A_509 = arith.constant 32 : i32
      %parallel_loop3A_510 = arith.constant 1 : i32
      scf.for %parallel_loop3A_518 = %parallel_loop3A_508 to %parallel_loop3A_509 step %parallel_loop3A_510  : i32 {
        %parallel_loop3A_519 = arith.index_cast %parallel_loop3A_518 : i32 to index
        %parallel_loop3A_520 = arith.constant 0 : index
        %parallel_loop3A_521 = tpu.vector_load %arg28[%parallel_loop3A_519, %parallel_loop3A_520] {strides = array<i32>} : memref<32x16xf32, #tpu.memory_space<vmem>>, vector<1x16xf32>,
        %parallel_loop3A_522 = vector.shape_cast %parallel_loop3A_521 : vector<1x16xf32> to vector<16xf32>
        %parallel_loop3A_523 = arith.index_cast %parallel_loop3A_518 : i32 to index
        %parallel_loop3A_524 = arith.constant 0 : index
        %parallel_loop3A_525 = tpu.vector_load %arg13[%parallel_loop3A_523, %parallel_loop3A_524] {strides = array<i32>} : memref<32x128xf32, #tpu.memory_space<vmem>>, vector<1x16xf32>,
        %parallel_loop3A_526 = vector.shape_cast %parallel_loop3A_525 : vector<1x16xf32> to vector<16xf32>
        %parallel_loop3A_527 = arith.index_cast %parallel_loop3A_518 : i32 to index
        %parallel_loop3A_528 = arith.constant 64 : index
        %parallel_loop3A_529 = tpu.vector_load %arg13[%parallel_loop3A_527, %parallel_loop3A_528] {strides = array<i32>} : memref<32x128xf32, #tpu.memory_space<vmem>>, vector<1x16xf32>,
        %parallel_loop3A_530 = vector.shape_cast %parallel_loop3A_529 : vector<1x16xf32> to vector<16xf32>
        %parallel_loop3A_531 = arith.subf %parallel_loop3A_530, %parallel_loop3A_526 : vector<16xf32>
        %parallel_loop3A_532 = arith.mulf %parallel_loop3A_531, %parallel_loop3A_522 : vector<16xf32>
        %parallel_loop3A_533 = arith.addf %parallel_loop3A_526, %parallel_loop3A_532 : vector<16xf32>
        %parallel_loop3A_534 = arith.constant 8.000000e+00 : f32
        %parallel_loop3A_535 = vector.broadcast %parallel_loop3A_534 : f32 to vector<16xf32>
        %parallel_loop3A_536 = arith.mulf %parallel_loop3A_533, %parallel_loop3A_535 : vector<16xf32>
        %parallel_loop3A_537 = arith.addi %select_n3A_507, %parallel_loop3A_518 : i32
        %parallel_loop3A_538 = arith.index_cast %parallel_loop3A_537 : i32 to index
        %parallel_loop3A_539 = arith.constant 0 : index
        %parallel_loop3A_540 = tpu.vector_load %arg8[%parallel_loop3A_538, %parallel_loop3A_539] {strides = array<i32>} : memref<224x64xf32, #tpu.memory_space<vmem>>, vector<1x16xf32>,
        %parallel_loop3A_541 = vector.shape_cast %parallel_loop3A_540 : vector<1x16xf32> to vector<16xf32>
        %parallel_loop3A_542 = arith.addf %parallel_loop3A_536, %parallel_loop3A_541 : vector<16xf32>
        %parallel_loop3A_543 = arith.index_cast %parallel_loop3A_518 : i32 to index
        %parallel_loop3A_544 = arith.constant 0 : index
        %parallel_loop3A_545 = tpu.vector_load %arg18[%parallel_loop3A_543, %parallel_loop3A_544] {strides = array<i32>} : memref<32x64xf32, #tpu.memory_space<vmem>>, vector<1x16xf32>,
        %parallel_loop3A_546 = vector.shape_cast %parallel_loop3A_545 : vector<1x16xf32> to vector<16xf32>
        %parallel_loop3A_547 = vector.shape_cast %parallel_loop3A_542 : vector<16xf32> to vector<1x16xf32>
        tpu.vector_store %arg18[%parallel_loop3A_543, %parallel_loop3A_544], %parallel_loop3A_547 {strides = array<i32>} : memref<32x64xf32, #tpu.memory_space<vmem>>, vector<1x16xf32>,
        %parallel_loop3A_548 = arith.index_cast %parallel_loop3A_518 : i32 to index
        %parallel_loop3A_549 = arith.constant 16 : index
        %parallel_loop3A_550 = tpu.vector_load %arg13[%parallel_loop3A_548, %parallel_loop3A_549] {strides = array<i32>} : memref<32x128xf32, #tpu.memory_space<vmem>>, vector<1x16xf32>,
        %parallel_loop3A_551 = vector.shape_cast %parallel_loop3A_550 : vector<1x16xf32> to vector<16xf32>
        %parallel_loop3A_552 = arith.index_cast %parallel_loop3A_518 : i32 to index
        %parallel_loop3A_553 = arith.constant 80 : index
        %parallel_loop3A_554 = tpu.vector_load %arg13[%parallel_loop3A_552, %parallel_loop3A_553] {strides = array<i32>} : memref<32x128xf32, #tpu.memory_space<vmem>>, vector<1x16xf32>,
        %parallel_loop3A_555 = vector.shape_cast %parallel_loop3A_554 : vector<1x16xf32> to vector<16xf32>
        %parallel_loop3A_556 = arith.subf %parallel_loop3A_555, %parallel_loop3A_551 : vector<16xf32>
        %parallel_loop3A_557 = arith.mulf %parallel_loop3A_556, %parallel_loop3A_522 : vector<16xf32>
        %parallel_loop3A_558 = arith.addf %parallel_loop3A_551, %parallel_loop3A_557 : vector<16xf32>
        %parallel_loop3A_559 = arith.constant 8.000000e+00 : f32
        %parallel_loop3A_560 = vector.broadcast %parallel_loop3A_559 : f32 to vector<16xf32>
        %parallel_loop3A_561 = arith.mulf %parallel_loop3A_558, %parallel_loop3A_560 : vector<16xf32>
        %parallel_loop3A_562 = arith.addi %select_n3A_507, %parallel_loop3A_518 : i32
        %parallel_loop3A_563 = arith.index_cast %parallel_loop3A_562 : i32 to index
        %parallel_loop3A_564 = arith.constant 16 : index
        %parallel_loop3A_565 = tpu.vector_load %arg8[%parallel_loop3A_563, %parallel_loop3A_564] {strides = array<i32>} : memref<224x64xf32, #tpu.memory_space<vmem>>, vector<1x16xf32>,
        %parallel_loop3A_566 = vector.shape_cast %parallel_loop3A_565 : vector<1x16xf32> to vector<16xf32>
        %parallel_loop3A_567 = arith.addf %parallel_loop3A_561, %parallel_loop3A_566 : vector<16xf32>
        %parallel_loop3A_568 = arith.index_cast %parallel_loop3A_518 : i32 to index
        %parallel_loop3A_569 = arith.constant 16 : index
        %parallel_loop3A_570 = tpu.vector_load %arg18[%parallel_loop3A_568, %parallel_loop3A_569] {strides = array<i32>} : memref<32x64xf32, #tpu.memory_space<vmem>>, vector<1x16xf32>,
        %parallel_loop3A_571 = vector.shape_cast %parallel_loop3A_570 : vector<1x16xf32> to vector<16xf32>
        %parallel_loop3A_572 = vector.shape_cast %parallel_loop3A_567 : vector<16xf32> to vector<1x16xf32>
        tpu.vector_store %arg18[%parallel_loop3A_568, %parallel_loop3A_569], %parallel_loop3A_572 {strides = array<i32>} : memref<32x64xf32, #tpu.memory_space<vmem>>, vector<1x16xf32>,
        %parallel_loop3A_573 = arith.index_cast %parallel_loop3A_518 : i32 to index
        %parallel_loop3A_574 = arith.constant 32 : index
        %parallel_loop3A_575 = tpu.vector_load %arg13[%parallel_loop3A_573, %parallel_loop3A_574] {strides = array<i32>} : memref<32x128xf32, #tpu.memory_space<vmem>>, vector<1x16xf32>,
        %parallel_loop3A_576 = vector.shape_cast %parallel_loop3A_575 : vector<1x16xf32> to vector<16xf32>
        %parallel_loop3A_577 = arith.index_cast %parallel_loop3A_518 : i32 to index
        %parallel_loop3A_578 = arith.constant 96 : index
        %parallel_loop3A_579 = tpu.vector_load %arg13[%parallel_loop3A_577, %parallel_loop3A_578] {strides = array<i32>} : memref<32x128xf32, #tpu.memory_space<vmem>>, vector<1x16xf32>,
        %parallel_loop3A_580 = vector.shape_cast %parallel_loop3A_579 : vector<1x16xf32> to vector<16xf32>
        %parallel_loop3A_581 = arith.subf %parallel_loop3A_580, %parallel_loop3A_576 : vector<16xf32>
        %parallel_loop3A_582 = arith.mulf %parallel_loop3A_581, %parallel_loop3A_522 : vector<16xf32>
        %parallel_loop3A_583 = arith.addf %parallel_loop3A_576, %parallel_loop3A_582 : vector<16xf32>
        %parallel_loop3A_584 = arith.constant 8.000000e+00 : f32
        %parallel_loop3A_585 = vector.broadcast %parallel_loop3A_584 : f32 to vector<16xf32>
        %parallel_loop3A_586 = arith.mulf %parallel_loop3A_583, %parallel_loop3A_585 : vector<16xf32>
        %parallel_loop3A_587 = arith.addi %select_n3A_507, %parallel_loop3A_518 : i32
        %parallel_loop3A_588 = arith.index_cast %parallel_loop3A_587 : i32 to index
        %parallel_loop3A_589 = arith.constant 32 : index
        %parallel_loop3A_590 = tpu.vector_load %arg8[%parallel_loop3A_588, %parallel_loop3A_589] {strides = array<i32>} : memref<224x64xf32, #tpu.memory_space<vmem>>, vector<1x16xf32>,
        %parallel_loop3A_591 = vector.shape_cast %parallel_loop3A_590 : vector<1x16xf32> to vector<16xf32>
        %parallel_loop3A_592 = arith.addf %parallel_loop3A_586, %parallel_loop3A_591 : vector<16xf32>
        %parallel_loop3A_593 = arith.index_cast %parallel_loop3A_518 : i32 to index
        %parallel_loop3A_594 = arith.constant 32 : index
        %parallel_loop3A_595 = tpu.vector_load %arg18[%parallel_loop3A_593, %parallel_loop3A_594] {strides = array<i32>} : memref<32x64xf32, #tpu.memory_space<vmem>>, vector<1x16xf32>,
        %parallel_loop3A_596 = vector.shape_cast %parallel_loop3A_595 : vector<1x16xf32> to vector<16xf32>
        %parallel_loop3A_597 = vector.shape_cast %parallel_loop3A_592 : vector<16xf32> to vector<1x16xf32>
        tpu.vector_store %arg18[%parallel_loop3A_593, %parallel_loop3A_594], %parallel_loop3A_597 {strides = array<i32>} : memref<32x64xf32, #tpu.memory_space<vmem>>, vector<1x16xf32>,
        %parallel_loop3A_598 = arith.index_cast %parallel_loop3A_518 : i32 to index
        %parallel_loop3A_599 = arith.constant 48 : index
        %parallel_loop3A_600 = tpu.vector_load %arg13[%parallel_loop3A_598, %parallel_loop3A_599] {strides = array<i32>} : memref<32x128xf32, #tpu.memory_space<vmem>>, vector<1x16xf32>,
        %parallel_loop3A_601 = vector.shape_cast %parallel_loop3A_600 : vector<1x16xf32> to vector<16xf32>
        %parallel_loop3A_602 = arith.index_cast %parallel_loop3A_518 : i32 to index
        %parallel_loop3A_603 = arith.constant 112 : index
        %parallel_loop3A_604 = tpu.vector_load %arg13[%parallel_loop3A_602, %parallel_loop3A_603] {strides = array<i32>} : memref<32x128xf32, #tpu.memory_space<vmem>>, vector<1x16xf32>,
        %parallel_loop3A_605 = vector.shape_cast %parallel_loop3A_604 : vector<1x16xf32> to vector<16xf32>
        %parallel_loop3A_606 = arith.subf %parallel_loop3A_605, %parallel_loop3A_601 : vector<16xf32>
        %parallel_loop3A_607 = arith.mulf %parallel_loop3A_606, %parallel_loop3A_522 : vector<16xf32>
        %parallel_loop3A_608 = arith.addf %parallel_loop3A_601, %parallel_loop3A_607 : vector<16xf32>
        %parallel_loop3A_609 = arith.constant 8.000000e+00 : f32
        %parallel_loop3A_610 = vector.broadcast %parallel_loop3A_609 : f32 to vector<16xf32>
        %parallel_loop3A_611 = arith.mulf %parallel_loop3A_608, %parallel_loop3A_610 : vector<16xf32>
        %parallel_loop3A_612 = arith.addi %select_n3A_507, %parallel_loop3A_518 : i32
        %parallel_loop3A_613 = arith.index_cast %parallel_loop3A_612 : i32 to index
        %parallel_loop3A_614 = arith.constant 48 : index
        %parallel_loop3A_615 = tpu.vector_load %arg8[%parallel_loop3A_613, %parallel_loop3A_614] {strides = array<i32>} : memref<224x64xf32, #tpu.memory_space<vmem>>, vector<1x16xf32>,
        %parallel_loop3A_616 = vector.shape_cast %parallel_loop3A_615 : vector<1x16xf32> to vector<16xf32>
        %parallel_loop3A_617 = arith.addf %parallel_loop3A_611, %parallel_loop3A_616 : vector<16xf32>
        %parallel_loop3A_618 = arith.index_cast %parallel_loop3A_518 : i32 to index
        %parallel_loop3A_619 = arith.constant 48 : index
        %parallel_loop3A_620 = tpu.vector_load %arg18[%parallel_loop3A_618, %parallel_loop3A_619] {strides = array<i32>} : memref<32x64xf32, #tpu.memory_space<vmem>>, vector<1x16xf32>,
        %parallel_loop3A_621 = vector.shape_cast %parallel_loop3A_620 : vector<1x16xf32> to vector<16xf32>
        %parallel_loop3A_622 = vector.shape_cast %parallel_loop3A_617 : vector<16xf32> to vector<1x16xf32>
        tpu.vector_store %arg18[%parallel_loop3A_618, %parallel_loop3A_619], %parallel_loop3A_622 {strides = array<i32>} : memref<32x64xf32, #tpu.memory_space<vmem>>, vector<1x16xf32>,
      } {sc.loop_unroll_factor = 4 : i64, sc.parallel_access}
      %mul3A_511 = arith.constant 32 : i32
      %mul3A_512 = arith.muli %add3A_454, %mul3A_511 : i32
      %add3A_513 = arith.addi %mul3A_2, %mul3A_512 : i32
      %dma_start3A_514 = arith.constant 0 : i32
      %dma_start3A_515 = tpu.memref_slice %arg6[%add3A_513, %dma_start3A_514] : memref<204800x64xf32, #tpu.memory_space<hbm>> -> memref<32x64xf32, #tpu.memory_space<hbm>>
      %dma_start3A_516 = arith.constant 0 : i32
      %dma_start3A_517 = tpu.memref_slice %arg6[%add3A_513, %dma_start3A_516] : memref<204800x64xf32, #tpu.memory_space<hbm>> -> memref<32x64xf32, #tpu.memory_space<hbm>>
      tpu.enqueue_dma source(%arg18 : memref<32x64xf32, #tpu.memory_space<vmem>>) target(%dma_start3A_517 : memref<32x64xf32, #tpu.memory_space<hbm>>) target_semaphore(%arg43 : memref<!tpu.dma_semaphore, #tpu.memory_space<semaphore_mem>>)
    }
    %scan3A_164 = arith.constant 40 : i32
    %dma_wait3A = arith.constant 0 : i32
    %dma_wait3A_165 = arith.constant 0 : i32
    %dma_wait3A_166 = tpu.memref_slice %arg6[%dma_wait3A, %dma_wait3A_165] : memref<204800x64xf32, #tpu.memory_space<hbm>> -> memref<32x64xf32, #tpu.memory_space<hbm>>
    %dma_wait3A_167 = arith.constant 0 : i32
    %dma_wait3A_168 = arith.constant 0 : i32
    %dma_wait3A_169 = tpu.memref_slice %arg6[%dma_wait3A_167, %dma_wait3A_168] : memref<204800x64xf32, #tpu.memory_space<hbm>> -> memref<32x64xf32, #tpu.memory_space<hbm>>
    tpu.wait_dma2 semaphore(%arg39 : memref<!tpu.dma_semaphore, #tpu.memory_space<semaphore_mem>>) src(%arg14 : memref<32x64xf32, #tpu.memory_space<vmem>>) dst(%dma_wait3A_169 : memref<32x64xf32, #tpu.memory_space<hbm>>)
    %dma_wait3A_170 = arith.constant 0 : i32
    %dma_wait3A_171 = arith.constant 0 : i32
    %dma_wait3A_172 = tpu.memref_slice %arg6[%dma_wait3A_170, %dma_wait3A_171] : memref<204800x64xf32, #tpu.memory_space<hbm>> -> memref<32x64xf32, #tpu.memory_space<hbm>>
    %dma_wait3A_173 = arith.constant 0 : i32
    %dma_wait3A_174 = arith.constant 0 : i32
    %dma_wait3A_175 = tpu.memref_slice %arg6[%dma_wait3A_173, %dma_wait3A_174] : memref<204800x64xf32, #tpu.memory_space<hbm>> -> memref<32x64xf32, #tpu.memory_space<hbm>>
    tpu.wait_dma2 semaphore(%arg40 : memref<!tpu.dma_semaphore, #tpu.memory_space<semaphore_mem>>) src(%arg15 : memref<32x64xf32, #tpu.memory_space<vmem>>) dst(%dma_wait3A_175 : memref<32x64xf32, #tpu.memory_space<hbm>>)
    %dma_wait3A_176 = arith.constant 0 : i32
    %dma_wait3A_177 = arith.constant 0 : i32
    %dma_wait3A_178 = tpu.memref_slice %arg6[%dma_wait3A_176, %dma_wait3A_177] : memref<204800x64xf32, #tpu.memory_space<hbm>> -> memref<32x64xf32, #tpu.memory_space<hbm>>
    %dma_wait3A_179 = arith.constant 0 : i32
    %dma_wait3A_180 = arith.constant 0 : i32
    %dma_wait3A_181 = tpu.memref_slice %arg6[%dma_wait3A_179, %dma_wait3A_180] : memref<204800x64xf32, #tpu.memory_space<hbm>> -> memref<32x64xf32, #tpu.memory_space<hbm>>
    tpu.wait_dma2 semaphore(%arg41 : memref<!tpu.dma_semaphore, #tpu.memory_space<semaphore_mem>>) src(%arg16 : memref<32x64xf32, #tpu.memory_space<vmem>>) dst(%dma_wait3A_181 : memref<32x64xf32, #tpu.memory_space<hbm>>)
    %dma_wait3A_182 = arith.constant 0 : i32
    %dma_wait3A_183 = arith.constant 0 : i32
    %dma_wait3A_184 = tpu.memref_slice %arg6[%dma_wait3A_182, %dma_wait3A_183] : memref<204800x64xf32, #tpu.memory_space<hbm>> -> memref<32x64xf32, #tpu.memory_space<hbm>>
    %dma_wait3A_185 = arith.constant 0 : i32
    %dma_wait3A_186 = arith.constant 0 : i32
    %dma_wait3A_187 = tpu.memref_slice %arg6[%dma_wait3A_185, %dma_wait3A_186] : memref<204800x64xf32, #tpu.memory_space<hbm>> -> memref<32x64xf32, #tpu.memory_space<hbm>>
    tpu.wait_dma2 semaphore(%arg42 : memref<!tpu.dma_semaphore, #tpu.memory_space<semaphore_mem>>) src(%arg17 : memref<32x64xf32, #tpu.memory_space<vmem>>) dst(%dma_wait3A_187 : memref<32x64xf32, #tpu.memory_space<hbm>>)
    %dma_wait3A_188 = arith.constant 0 : i32
    %dma_wait3A_189 = arith.constant 0 : i32
    %dma_wait3A_190 = tpu.memref_slice %arg6[%dma_wait3A_188, %dma_wait3A_189] : memref<204800x64xf32, #tpu.memory_space<hbm>> -> memref<32x64xf32, #tpu.memory_space<hbm>>
    %dma_wait3A_191 = arith.constant 0 : i32
    %dma_wait3A_192 = arith.constant 0 : i32
    %dma_wait3A_193 = tpu.memref_slice %arg6[%dma_wait3A_191, %dma_wait3A_192] : memref<204800x64xf32, #tpu.memory_space<hbm>> -> memref<32x64xf32, #tpu.memory_space<hbm>>
    tpu.wait_dma2 semaphore(%arg43 : memref<!tpu.dma_semaphore, #tpu.memory_space<semaphore_mem>>) src(%arg18 : memref<32x64xf32, #tpu.memory_space<vmem>>) dst(%dma_wait3A_193 : memref<32x64xf32, #tpu.memory_space<hbm>>)
    return
  }
}

</mosaic_0001>

<sc_bundles>
// kernel: kernel.3.cloned.1.call-start
scs
__scs_entry_jumppad:
0x0: {  	(pc) =	sbr.rel $0x88, $3  }
0x1: {  	(tag) =	ssettag $0x0;
	lr =	simm.s32 $0x1  }
0x2: {  	[smem:$0x3F9F] =	sst lr;
	_ =	strace $0xD0000000  }
0x3: {  	_ = 	snop  }
0x4: {  	_ = 	snop  }
0x5: {  	_ = 	snop  }
0x6: {  	_ = 	snop  }
0x7: {  	_ = 	snop  }
__scs_overlays_trampoline_lowered:
0x8: {  	[smem:$0x3FAE] =	sst s0  }
0x9: {  	[smem:$0x3FAF] =	sst s1  }
0xa: {  	[smem:$0x3FB0] =	sst s2  }
0xb: {  	[smem:$0x3FB1] =	sst s3  }
0xc: {  	[smem:$0x3FB2] =	sst s4  }
0xd: {  	[smem:$0x3FB3] =	sst s5  }
0xe: {  	[smem:$0x3FB4] =	sst s6  }
0xf: {  	[smem:$0x3FB5] =	sst s7  }
0x10: {  	[smem:$0x3FB6] =	sst s8  }
0x11: {  	[smem:$0x3FB7] =	sst s9;
	s0 =	simm.s32 @!p0 $0x0  }
0x12: {  	s1 =	sld [smem:$0x3F9D];
	s0 =	simm.s32 @p0 $0x1  }
0x13: {  	[smem:$0x3FB8] =	sst s0;
	s0 =	simm.s32 @!p1 $0x0  }
0x14: {  	s2 =	sld [smem:$0x3F9C];
	s0 =	simm.s32 @p1 $0x1  }
0x15: {  	[smem:$0x3FB9] =	sst s0;
	s0 =	simm.s32 @!p2 $0x0  }
0x16: {  	s3 =	sld [smem:$0x3FDB];
	s0 =	simm.s32 @p2 $0x1  }
0x17: {  	s4 =	simm.s32 $0x1BF5;
	[smem:$0x3FBB] =	sst s0  }
0x18: {  	s0 =	sld [smem:$0x3F9E];
	_ =	swait.ge [sflag:s4], $0x0  }
0x19: {  	s7 =	sld [smem:$0x3F9F]  }
0x1a: {  	s8 =	sadd.s32 $0xFFFFE003, lr  }
0x1b: {  	s9 =	sadd.s32 $0xFFFFFEF7, lr;
	s5 =	simm.s32 $0xFFFFFFFF;
	p2 =	slt.u32 s8, $0xFFFFF086  }
0x1c: {  	p1 =	slt.u32 s9, $0xF7A;
	s5 =	simm.s32 @!p2 $0x0  }
0x1d: {  	s5 =	simm.s32 @p1 $0x1;
	p0 =	seq.s32 s7, s2  }
0x1e: {  	s7 =	smul.u32 @!p0 $0xF7A, s2;
	p2 =	seq.s32 @!p0 s5, $0x0  }
0x1f: {  	s9 =	smul.u32 $0xF7A, s1;
	s8 =	simm.s32 @!p0 $0x1BF5;
	p2 =	por !p2, p0  }
0x20: {  	[sflag:s8] =	ssyncset.s32 @!p0 $0xFFFFF086;
	s6 =	sadd.s32 @!p0 s3, s7;
	s7 =	simm.s32 @!p0 $0x108  }
0x21: {  	s3 =	sadd.s32 s3, s9;
	s6 =	sadd.s32 @!p0 $0x88, s6;
	s7 =	simm.s32 @p2 $0x1082  }
0x22: {  	[simem:s7], [sflag:s8] =	dma.local @!p0 [hbm:s6], $0xF7A  }
0x23: {  	s9 =	sor.u32 $0xD0000000, s2;
	s6 =	simm.s32 $0x108;
	_ =	swait.ge @!p0 [sflag:s8], $0x0  }
0x24: {  	s3 =	sadd.s32 $0x88, s3;
	s6 =	simm.s32 @!p1 $0x1082;
	[sflag:s4] =	ssyncset.s32 $0xFFFFF086  }
0x25: {  	[simem:s6], [sflag:s4] =	dma.local [hbm:s3], $0xF7A  }
0x26: {  	[smem:$0x3F9F] =	sst s1;
	(tag) =	ssettag s2;
	_ =	strace s9  }
0x27: {  	s1 =	sld [smem:$0x3FAF]  }
0x28: {  	s2 =	sld [smem:$0x3FB0]  }
0x29: {  	s4 =	sld [smem:$0x3FB2]  }
0x2a: {  	p0 =	seq.s32 s5, $0x0;
	s5 =	sld [smem:$0x3FB3]  }
0x2b: {  	s6 =	sld [smem:$0x3FB4]  }
0x2c: {  	s7 =	sld [smem:$0x3FB5]  }
0x2d: {  	s3 =	simm.s32 $0x108;
	s8 =	sld [smem:$0x3FB6]  }
0x2e: {  	s3 =	simm.s32 @!p0 $0x1082;
	s9 =	sld [smem:$0x3FB7]  }
0x2f: {  	lr =	sadd.s32 s0, s3;
	s0 =	sld [smem:$0x3FAE]  }
0x30: {  	s3 =	sld [smem:$0x3FB1]  }
0x31: {  	[smem:$0x3FBA] =	sst s10  }
0x32: {  	s10 =	sld [smem:$0x3FB8];
	_ =	sdelay $0x3  }
0x33: {  	p0 =	seq.s32 s10, $0x1;
	s10 =	sld [smem:$0x3FBA];
	_ =	sdelay $0x3  }
0x34: {  	[smem:$0x3FBA] =	sst s10  }
0x35: {  	s10 =	sld [smem:$0x3FB9];
	_ =	sdelay $0x3  }
0x36: {  	p1 =	seq.s32 s10, $0x1;
	s10 =	sld [smem:$0x3FBA];
	_ =	sdelay $0x3  }
0x37: {  	[smem:$0x3FBA] =	sst s10  }
0x38: {  	s10 =	sld [smem:$0x3FBB]  }
0x39: {  	_ = 	snop;
	(pc) =	sbr.ind lr, $3  }
0x3a: {  	_ = 	snop  }
0x3b: {  	_ = 	snop  }
0x3c: {  	p2 =	seq.s32 s10, $0x1;
	s10 =	sld [smem:$0x3FBA]  }
0x3d: {  	_ =	shalt  }
0x3e: {  	_ =	shalt  }
0x3f: {  	_ =	shalt  }
0x40: {  	_ =	shalt  }
0x41: {  	_ =	shalt  }
0x42: {  	_ =	shalt  }
0x43: {  	_ =	shalt  }
0x44: {  	_ =	shalt  }
0x45: {  	_ =	shalt  }
0x46: {  	_ =	shalt  }
0x47: {  	_ =	shalt  }
0x48: {  	_ =	shalt  }
0x49: {  	_ =	shalt  }
0x4a: {  	_ =	shalt  }
0x4b: {  	_ =	shalt  }
0x4c: {  	_ =	shalt  }
0x4d: {  	_ =	shalt  }
0x4e: {  	_ =	shalt  }
0x4f: {  	_ =	shalt  }
0x50: {  	_ =	shalt  }
0x51: {  	_ =	shalt  }
0x52: {  	_ =	shalt  }
0x53: {  	_ =	shalt  }
0x54: {  	_ =	shalt  }
0x55: {  	_ =	shalt  }
0x56: {  	_ =	shalt  }
0x57: {  	_ =	shalt  }
0x58: {  	_ =	shalt  }
0x59: {  	_ =	shalt  }
0x5a: {  	_ =	shalt  }
0x5b: {  	_ =	shalt  }
0x5c: {  	_ =	shalt  }
0x5d: {  	_ =	shalt  }
0x5e: {  	_ =	shalt  }
0x5f: {  	_ =	shalt  }
0x60: {  	_ =	shalt  }
0x61: {  	_ =	shalt  }
0x62: {  	_ =	shalt  }
0x63: {  	_ =	shalt  }
0x64: {  	_ =	shalt  }
0x65: {  	_ =	shalt  }
0x66: {  	_ =	shalt  }
0x67: {  	_ =	shalt  }
0x68: {  	_ =	shalt  }
0x69: {  	_ =	shalt  }
0x6a: {  	_ =	shalt  }
0x6b: {  	_ =	shalt  }
0x6c: {  	_ =	shalt  }
0x6d: {  	_ =	shalt  }
0x6e: {  	_ =	shalt  }
0x6f: {  	_ =	shalt  }
0x70: {  	_ =	shalt  }
0x71: {  	_ =	shalt  }
0x72: {  	_ =	shalt  }
0x73: {  	_ =	shalt  }
0x74: {  	_ =	shalt  }
0x75: {  	_ =	shalt  }
0x76: {  	_ =	shalt  }
0x77: {  	_ =	shalt  }
0x78: {  	_ =	shalt  }
0x79: {  	_ =	shalt  }
0x7a: {  	_ =	shalt  }
0x7b: {  	_ =	shalt  }
0x7c: {  	_ =	shalt  }
0x7d: {  	_ =	shalt  }
0x7e: {  	_ =	shalt  }
0x7f: {  	_ =	shalt  }
0x80: {  	_ =	shalt  }
0x81: {  	_ =	shalt  }
0x82: {  	_ =	shalt  }
0x83: {  	_ =	shalt  }
0x84: {  	_ =	shalt  }
0x85: {  	_ =	shalt  }
0x86: {  	_ =	shalt  }
0x87: {  	_ =	shalt  }
.Lfunc_end0:
.L_simem_size_0:
called_computation.1_lowered:
.L_overlay_start_0:
0x88: {  	s2 =	sld [smem:$0x3FD9]  }
0x89: {  	s3 =	sld [smem:$0x3FFE];
	_ =	sdelay $0x1  }
0x8a: {  	s1 =	srdreg.scid  }
0x8b: {  	s0 =	sand.u32 $0x1, s1  }
0x8c: {  	s17 =	sshll.u32 s0, $0xA;
	s2 =	sadd.s32 s3, s2  }
0x8d: {  	s2 =	sadd.s32 s2, s17  }
0x8e: {  	[smem:$0x3FC6] =	sst s2  }
0x8f: {  	_ = 	snop  }
0x90: {  	s2 =	sld [smem:$0x3FD0];
	(tm) =	ssettm $0x1  }
0x91: {  	s18 =	sld [smem:$0x3FFB];
	_ =	sdelay $0x3  }
0x92: {  	_ =	strace s18  }
0x93: {  	s3 =	sld [smem:$0x3FFC];
	_ =	sdelay $0x3  }
0x94: {  	_ =	strace s3  }
0x95: {  	s3 =	sld [smem:$0x3FFD];
	_ =	sdelay $0x3  }
0x96: {  	_ =	strace s3  }
0x97: {  	_ =	strace $0x8FFFFFFF  }
0x98: {  	s19 =	sld [smem:$0x3FDB];
	_ =	sdelay $0x1  }
0x99: {  	s4 =	simm.s32 $_scs_section_size  }
0x9a: {  	s5 =	simm.s32 $_size__tile_overlayer_lowered;
	s6 =	simm.s32 $_tile_overlayer_lowered  }
0x9b: {  	s22 =	simm.s32 $0x1BFF;
	s21 =	sshll.u32 s6, $0x1;
	s3 =	sadd.s32 s4, s19  }
0x9c: {  	s7 =	simm.s32 $0x0;
	s20 =	sshll.u32 s5, $0x1;
	s5 =	sadd.s32 s21, s3  }
0x9d: {  	[timem:s7], [sflag:s22] =	dma.local [hbm:s5], s20  }
0x9e: {  	_ =	swait.ge [sflag:s22], s20  }
0x9f: {  	s4 =	ssub.s32 $0x0, s20;
	[sflag:s22] =	ssyncset.done $0x0  }
0xa0: {  	[sflag:s22] =	ssyncadd.s32 s4;
	_ =	sdelay $0x1  }
0xa1: {  	s23 =	simm.s32 $0x1B8B  }
0xa2: {  	_ =	swait.ge [sflag:s23], $0x1  }
0xa3: {  	[sflag:s23] =	ssyncset.done $0x0  }
0xa4: {  	s25 =	simm.s32 $0x1B8E;
	s24 =	sld [smem:$0x3FFE];
	[sflag:s23] =	ssyncadd.s32 $0xFFFFFFFF  }
0xa5: {  	s26 =	simm.s32 $execute0_lowered;
	[smem:$0x3FD2] =	sst s25  }
0xa6: {  	s5 =	sshll.u32 s26, $0x1;
	_ =	strace $0x80000046;
	[dreg:$0x1] =	wrdreg $0xFFFFFFFF  }
0xa7: {  	s28 =	simm.s32 $_size_execute0_lowered;
	s3 =	sadd.s32 s3, s5;
	[dreg:$0x0] =	wrdreg $0x0  }
0xa8: {  	s5 =	sshll.u32 s28, $0x1;
	[dreg:$0x2] =	wrdreg s3  }
0xa9: {  	[dreg:$0x3] =	wrdreg s5  }
0xaa: {  	[dreg:$0x4] =	wrdreg $0xC0  }
0xab: {  	_ =	task [dreg:s7], $0x5FFFF  }
0xac: {  	[dreg:$0x1] =	wrdreg $0xFFFFFFFF  }
0xad: {  	[dreg:$0x0] =	wrdreg $0x60  }
0xae: {  	[dreg:$0x2] =	wrdreg s2  }
0xaf: {  	[dreg:$0x3] =	wrdreg s24  }
0xb0: {  	[dreg:$0x4] =	wrdreg $0x9  }
0xb1: {  	_ =	task.clear_ibuf [dreg:s7], $0x5FFFF;
	_ =	strace $0x90000046  }
0xb2: {  	s29 =	simm.s32 $0x9;
	_ =	strace $0x80000048  }
0xb3: {  	_ =	swait.ge [sflag:s29], $0x1  }
0xb4: {  	[sflag:s29] =	ssyncadd.s32 $0xFFFFFFFF  }
0xb5: {  	_ =	strace $0x90000048  }
0xb6: {  	_ =	sfence  }
0xb7: {  	s30 =	sld [smem:$0x0];
	_ =	sdelay $0x2  }
0xb8: {  	s31 =	sshll.u32 s1, $0xD;
	s1 =	sshrl.u32 s1, $0x2  }
0xb9: {  	s3 =	sand.u32 $0x4000, s31;
	s1 =	sadd.s32 s1, s30  }
0xba: {  	s0 =	sor.u32 s3, s0;
	s1 =	sshll.u32 s1, $0x11  }
0xbb: {  	s0 =	sor.u32 s1, s0  }
0xbc: {  	s0 =	sadd.s32 $0x8F2B, s0  }
0xbd: {  	[sflag:s0] =	ssyncadd.remote.s32 $0x1  }
0xbe: {  	_ =	sfence.sel $0xFFFF  }
0xbf: {  	[dreg:$0x0] =	wrdreg $0xFFFFFFFF;
	(pc) =	sbr.abs _section_cstart, $3  }
0xc0: {  	[dreg:$0x1] =	wrdreg $0xFFFFFFFF  }
0xc1: {  	_ =	task.clear_ibuf [dreg:s7], $0x2FFFF;
	_ =	strace $0x9FFFFFFF  }
0xc2: {  	(tm) =	ssettm $0x7FFFFFFF  }
0xc3: {  	_ =	shalt  }
tec
execute0_lowered:
.L_overlay_start_1:
0x0: {  	(tag) =	ssettag $0x1  }
0x1: {  	s1 =	srdreg.scid;
	s3 =	stileid.u32  }
0x2: {  	s0 =	rddreg [dreg:$0x0];
	s1 =	sand.u32 $0x1, s1;
	s3 =	sshll.u32 s3, $0x1  }
0x3: {  	s2 =	rddreg [dreg:$0x1];
	s29 =	simm.s32 $0x0;
	s3 =	sor.u32 s1, s3  }
0x4: {  	[smem:$0x7FF] =	sst s29;
	s4 =	smul.u32 $0x19000, s3  }
0x5: {  	s5 =	sadd.s32 $0xA00, s2;
	s1 =	ssub.s32 $0x2, s1;
	s8 =	smul.u32 $0xC80, s3  }
0x6: {  	_ =	strace $0x80000047;
	[dreg:$0x3] =	wrdreg s5;
	s6 =	sshrl.u32 s1, $0x1  }
0x7: {  	s1 =	ssub.s32 s1, s6;
	s7 =	sadd.s32 s4, s2;
	s0 =	sadd.s32 s0, s8  }
0x8: {  	s26 =	smax.u32 s1, $0x1;
	[dreg:$0x4] =	wrdreg s0;
	s4 =	sadd.s32 $0x1800, s7  }
0x9: {  	s25 =	sadd.s32 $0xF5CE00, s2;
	[dreg:$0x5] =	wrdreg s26;
	s28 =	sadd.s32 $0x200, s4  }
0xa: {  	s5 =	sadd.s32 $0x321800, s2;
	s30 =	sadd.s32 $0x400, s4;
	[dreg:$0x6] =	wrdreg s28  }
0xb: {  	s6 =	smul.u32 $0x1900, s3;
	s31 =	sadd.s32 $0x600, s4;
	[dreg:$0x7] =	wrdreg s30  }
0xc: {  	s8 =	smov.u32 s25;
	s2 =	simm.s32 $0x0;
	[dreg:$0x8] =	wrdreg s31  }
.LBB2_1:
0xd: {  	[dreg:$0x9] =	wrdreg s2  }
0xe: {  	s0 =	rddreg [dreg:$0x4];
	s1 =	simm.s32 $0x10  }
0xf: {  	[tilespmem:s29], [sflag:$0x10] =	stream.linear.gather [hbm4b:s0+s29], $0x6400, $0x38;
	[tilespmem:$0x1C680] =	vst v63  }
0x10: {  	_ =	swait.ge [sflag:s1], $0x6400  }
0x11: {  	[sflag:s1] =	ssyncset.done $0x0  }
0x12: {  	s12 =	simm.s32 $0x6400;
	s11 =	rddreg [dreg:$0x3];
	[sflag:s1] =	ssyncadd.s32 $0xFFFF9C00  }
0x13: {  	[tilespmem:s12], [sflag:$0x10] =	stream.linear.gather [hbm4b:s11+s29], $0x7000, $0x38;
	[tilespmem:$0x1C680] =	vst v63  }
0x14: {  	_ =	swait.ge [sflag:s1], $0x7000  }
0x15: {  	[sflag:s1] =	ssyncset.done $0x0  }
0x16: {  	[sflag:s1] =	ssyncadd.s32 $0xFFFF9000  }
0x17: {  	v0 =	vld [tilespmem:$0x0]  }
0x18: {  	v1 =	vld [tilespmem:$0x10];
	_ =	sdelay $0x3  }
0x19: {  	[tilespmem:$0x17400] =	vst v0  }
0x1a: {  	s13 =	simm.s32 $0x17400;
	s14 =	simm.s32 $0xD400;
	s15 =	simm.s32 $0x20;
	[tilespmem:$0x17410] =	vst v1  }
0x1b: {  	[tilespmem:s14], [sflag:$0x1] =	stream.indirect.gather [hbm4b:s8+s15], $0x80, s13, s15, $0xb8;
	[tilespmem:$0x1C680] =	vst v63  }
0x1c: {  	s16 =	simm.s32 $0x17680  }
0x1d: {  	[tilespmem:s16], [sflag:$0x6] =	stream.linear.gather [hbm4b:s4+s29], $0x1000, $0x38;
	[tilespmem:$0x1C680] =	vst v63  }
0x1e: {  	v58 =	vld [tilespmem:$0x80]  }
0x1f: {  	v59 =	vld [tilespmem:$0x90];
	_ =	sdelay $0x3  }
0x20: {  	[tilespmem:$0x17480] =	vst v58  }
0x21: {  	s17 =	simm.s32 $0x17480;
	s18 =	simm.s32 $0xE400;
	[tilespmem:$0x17490] =	vst v59  }
0x22: {  	[tilespmem:s18], [sflag:$0x2] =	stream.indirect.gather [hbm4b:s8+s15], $0x80, s17, s15, $0xb8;
	[tilespmem:$0x1C680] =	vst v63  }
0x23: {  	s20 =	simm.s32 $0x18680;
	s19 =	rddreg [dreg:$0x6]  }
0x24: {  	[tilespmem:s20], [sflag:$0x7] =	stream.linear.gather [hbm4b:s19+s29], $0x1000, $0x38;
	[tilespmem:$0x1C680] =	vst v63  }
0x25: {  	v60 =	vld [tilespmem:$0x100]  }
0x26: {  	v61 =	vld [tilespmem:$0x110];
	_ =	sdelay $0x3  }
0x27: {  	[tilespmem:$0x17500] =	vst v60  }
0x28: {  	s21 =	simm.s32 $0x17500;
	s22 =	simm.s32 $0xF400;
	[tilespmem:$0x17510] =	vst v61  }
0x29: {  	[tilespmem:s22], [sflag:$0x3] =	stream.indirect.gather [hbm4b:s8+s15], $0x80, s21, s15, $0xb8;
	[tilespmem:$0x1C680] =	vst v63  }
0x2a: {  	s24 =	simm.s32 $0x19680;
	s23 =	rddreg [dreg:$0x7]  }
0x2b: {  	[tilespmem:s24], [sflag:$0x8] =	stream.linear.gather [hbm4b:s23+s29], $0x1000, $0x38;
	[tilespmem:$0x1C680] =	vst v63  }
0x2c: {  	v62 =	vld [tilespmem:$0x180]  }
0x2d: {  	v63 =	vld [tilespmem:$0x190];
	_ =	sdelay $0x1  }
0x2e: {  	s25 =	simm.s32 $0x17580;
	s26 =	simm.s32 $0x10400;
	s30 =	simm.s32 $0x1A680  }
0x2f: {  	s10 =	simm.s32 $0x75B0;
	s31 =	simm.s32 $0x40;
	s0 =	simm.s32 $0x60  }
0x30: {  	s11 =	simm.s32 $0xA5B0;
	s28 =	rddreg [dreg:$0x8];
	s1 =	simm.s32 $0x95B0;
	[tilespmem:$0x17580] =	vst v62  }
0x31: {  	s13 =	simm.s32 $0x6500;
	s14 =	simm.s32 $0x80;
	s18 =	simm.s32 $0x20;
	[tilespmem:$0x17590] =	vst v63  }
0x32: {  	[tilespmem:s26], [sflag:$0x4] =	stream.indirect.gather [hbm4b:s8+s15], $0x80, s25, s15, $0xb8;
	[tilespmem:$0x1C680] =	vst v63  }
0x33: {  	s22 =	simm.s32 $0x0;
	s25 =	simm.s32 $0x85B0;
	s26 =	simm.s32 $0x0  }
0x34: {  	[tilespmem:s30], [sflag:$0x9] =	stream.linear.gather [hbm4b:s28+s29], $0x1000, $0x38;
	[tilespmem:$0x1C680] =	vst v63  }
.LBB2_2:
0x35: {  	s3 =	simm.s32 $0x1  }
0x36: {  	_ =	swait.ge [sflag:s3], $0x1000  }
0x37: {  	s2 =	smul.u32 $0x5, s26;
	[sflag:s3] =	ssyncset.done $0x0  }
0x38: {  	s20 =	simm.s32 $0x6;
	[sflag:s3] =	ssyncadd.s32 $0xFFFFF000  }
0x39: {  	s2 =	sadd.s32 $0x4, s2;
	_ =	swait.ge [sflag:s20], $0x1000  }
0x3a: {  	[dreg:$0xb] =	wrdreg s2;
	s2 =	sshll.u32 s2, $0x9;
	[sflag:s20] =	ssyncset.done $0x0  }
0x3b: {  	s7 =	sshrl.u32 s2, $0x2;
	[sflag:s20] =	ssyncadd.s32 $0xFFFFF000  }
0x3c: {  	v0 =	vld [tilespmem:s7+$0x0];
	_ =	sdelay $0x4  }
0x3d: {  	[tilespmem:$0x17600] =	vst v0  }
0x3e: {  	v0 =	vld [tilespmem:s7+$0x10];
	_ =	sdelay $0x4  }
0x3f: {  	s21 =	simm.s32 $0x20;
	s9 =	simm.s32 $0x17600;
	s12 =	simm.s32 $0x11400;
	[tilespmem:$0x17610] =	vst v0  }
0x40: {  	[tilespmem:s12], [sflag:$0x5] =	stream.indirect.gather [hbm4b:s8+s21], $0x80, s9, s21, $0xb8;
	[tilespmem:$0x1C680] =	vst v63  }
0x41: {  	s23 =	simm.s32 $0x1B680;
	p0 =	seq.s32 s26, $0x0;
	s2 =	sadd.s32 s4, s2  }
0x42: {  	[tilespmem:s23], [sflag:$0xA] =	stream.linear.gather [hbm4b:s2+s29], $0x1000, $0x38;
	[tilespmem:$0x1C680] =	vst v63  }
0x43: {  	s2 =	simm.s32 @!p0 $0xB  }
0x44: {  	_ =	swait.ge @!p0 [sflag:s2], $0x1000  }
0x45: {  	[sflag:s2] =	ssyncset.done @!p0 $0x0  }
0x46: {  	s24 =	simm.s32 $0xD500;
	[sflag:s2] =	ssyncadd.s32 @!p0 $0xFFFFF000  }
0x47: {  	v0 =	vld [tilespmem:s24+$0x80]  }
0x48: {  	v1 =	vld [tilespmem:s24+$0xC0]  }
0x49: {  	s19 =	smulhi.u32 $0x51EB851F, s22;
	s20 =	simm.s32 $0x17780  }
0x4a: {  	v7 =	vld [tilespmem:s20+$0x80]  }
0x4b: {  	s7 =	sshrl.u32 s19, $0x6  }
0x4c: {  	s7 =	smul.u32 $0xFFFE7000, s7;
	v2 =	vld [tilespmem:s24+$0xFFFFFF00]  }
0x4d: {  	v3 =	vld [tilespmem:s24+$0xFFFFFF40];
	v1 =	vsub.f32 v1, v0  }
0x4e: {  	s7 =	sshra.s32 s7, $0x2;
	v8 =	vld [tilespmem:s24+$0xFFFFFF80];
	[dreg:$0xa] =	wrdreg s13  }
0x4f: {  	s12 =	sadd.s32 s7, s13;
	v9 =	vld [tilespmem:s24+$0xFFFFFFC0];
	v1 =	vmul.f32 v1, v7  }
0x50: {  	v4 =	vld [tilespmem:s12+$0x80]  }
0x51: {  	v10 =	vld [tilespmem:s24+$0x0];
	v0 =	vadd.f32 v1, v0  }
0x52: {  	v6 =	vld [tilespmem:s20+$0xFFFFFF00]  }
0x53: {  	v5 =	vld [tilespmem:s20+$0xFFFFFF80];
	v0 =	vmul.f32 $8.000000000e+00, v0  }
0x54: {  	v1 =	vld [tilespmem:s24+$0x40]  }
0x55: {  	v3 =	vsub.f32 v3, v2;
	v0 =	vadd.f32 v0, v4  }
0x56: {  	s17 =	simm.s32 $0x12500;
	v4 =	vld [tilespmem:s20+$0x0]  }
0x57: {  	v11 =	vld [tilespmem:s12+$0xFFFFFF00];
	v9 =	vsub.f32 v9, v8;
	[tilespmem:s17+$0x80] =	vst v0;
	v0 =	vmul.f32 v3, v6  }
0x58: {  	v3 =	vld [tilespmem:s24+$0x90]  }
0x59: {  	v9 =	vmul.f32 v9, v5;
	v1 =	vsub.f32 v1, v10;
	v12 =	vld [tilespmem:s24+$0xD0];
	v0 =	vadd.f32 v0, v2  }
0x5a: {  	v2 =	vld [tilespmem:s12+$0xFFFFFF80]  }
0x5b: {  	v8 =	vadd.f32 v9, v8;
	v1 =	vmul.f32 v1, v4;
	v0 =	vmul.f32 $8.000000000e+00, v0  }
0x5c: {  	v9 =	vld [tilespmem:s12+$0x0]  }
0x5d: {  	v8 =	vmul.f32 $8.000000000e+00, v8;
	v1 =	vadd.f32 v1, v10;
	v0 =	vadd.f32 v0, v11  }
0x5e: {  	v10 =	vsub.f32 v12, v3  }
0x5f: {  	v1 =	vmul.f32 $8.000000000e+00, v1;
	v2 =	vadd.f32 v8, v2;
	[tilespmem:s17+$0xFFFFFF00] =	vst v0;
	v0 =	vld [tilespmem:s12+$0x90]  }
0x60: {  	v8 =	vmul.f32 v10, v7;
	v10 =	vld [tilespmem:s24+$0xFFFFFF10]  }
0x61: {  	v1 =	vadd.f32 v1, v9;
	[tilespmem:s17+$0xFFFFFF80] =	vst v2;
	v2 =	vld [tilespmem:s24+$0xFFFFFF50]  }
0x62: {  	v9 =	vld [tilespmem:s24+$0xFFFFFF90];
	v3 =	vadd.f32 v8, v3  }
0x63: {  	[tilespmem:s17+$0x0] =	vst v1;
	v1 =	vld [tilespmem:s24+$0xFFFFFFD0]  }
0x64: {  	v3 =	vmul.f32 $8.000000000e+00, v3;
	v8 =	vld [tilespmem:s24+$0x10]  }
0x65: {  	v11 =	vld [tilespmem:s24+$0x50]  }
0x66: {  	v0 =	vadd.f32 v3, v0  }
0x67: {  	v2 =	vsub.f32 v2, v10  }
0x68: {  	v3 =	vld [tilespmem:s12+$0xFFFFFF10];
	[tilespmem:s17+$0x90] =	vst v0;
	v0 =	vsub.f32 v1, v9  }
0x69: {  	v1 =	vmul.f32 v2, v6;
	v2 =	vld [tilespmem:s24+$0xA0]  }
0x6a: {  	v12 =	vld [tilespmem:s24+$0xE0];
	v11 =	vsub.f32 v11, v8;
	v0 =	vmul.f32 v0, v5  }
0x6b: {  	v1 =	vadd.f32 v1, v10  }
0x6c: {  	v10 =	vld [tilespmem:s12+$0xFFFFFF90];
	v0 =	vadd.f32 v0, v9;
	v9 =	vmul.f32 v11, v4  }
0x6d: {  	v1 =	vmul.f32 $8.000000000e+00, v1  }
0x6e: {  	v11 =	vld [tilespmem:s12+$0x10];
	v8 =	vadd.f32 v9, v8  }
0x6f: {  	s15 =	simm.s32 $0xD700;
	v0 =	vmul.f32 $8.000000000e+00, v0;
	v1 =	vadd.f32 v1, v3;
	v3 =	vsub.f32 v12, v2  }
0x70: {  	v16 =	vld [tilespmem:s15+$0xFFFFFF00]  }
0x71: {  	v17 =	vld [tilespmem:s15+$0xFFFFFF80];
	v0 =	vadd.f32 v0, v10;
	v8 =	vmul.f32 $8.000000000e+00, v8;
	v3 =	vmul.f32 v3, v7  }
0x72: {  	s13 =	sadd.s32 $0x200, s12;
	[tilespmem:s17+$0xFFFFFF10] =	vst v1;
	v1 =	vld [tilespmem:s12+$0xA0]  }
0x73: {  	v18 =	vld [tilespmem:s13+$0x80];
	[tilespmem:s17+$0xFFFFFF90] =	vst v0;
	v0 =	vadd.f32 v8, v11;
	v2 =	vadd.f32 v3, v2  }
0x74: {  	v19 =	vld [tilespmem:s15+$0xFFFFFF40]  }
0x75: {  	v20 =	vld [tilespmem:s15+$0x0];
	[tilespmem:s17+$0x10] =	vst v0;
	v0 =	vmul.f32 $8.000000000e+00, v2  }
0x76: {  	v3 =	vld [tilespmem:s15+$0x80]  }
0x77: {  	v0 =	vadd.f32 v0, v1;
	v1 =	vld [tilespmem:s15+$0xC0]  }
0x78: {  	s16 =	simm.s32 $0x17980;
	v22 =	vld [tilespmem:s15+$0x40]  }
0x79: {  	v2 =	vld [tilespmem:s16+$0x80]  }
0x7a: {  	v47 =	vld [tilespmem:s13+$0xFFFFFF80]  }
0x7b: {  	v24 =	vld [tilespmem:s13+$0xFFFFFF00]  }
0x7c: {  	v49 =	vld [tilespmem:s13+$0x0];
	[tilespmem:s17+$0xA0] =	vst v0;
	v0 =	vsub.f32 v1, v3  }
0x7d: {  	v9 =	vld [tilespmem:s24+$0xFFFFFF20]  }
0x7e: {  	v50 =	vld [tilespmem:s12+$0xFFFFFF20];
	v0 =	vmul.f32 v0, v2  }
0x7f: {  	v8 =	vld [tilespmem:s24+$0xFFFFFF60]  }
0x80: {  	v1 =	vld [tilespmem:s15+$0xFFFFFFC0];
	v3 =	vadd.f32 v0, v3  }
0x81: {  	v10 =	vld [tilespmem:s24+$0xFFFFFFA0]  }
0x82: {  	v0 =	vld [tilespmem:s16+$0xFFFFFF80];
	v21 =	vmul.f32 $8.000000000e+00, v3  }
0x83: {  	v3 =	vld [tilespmem:s16+$0xFFFFFF00]  }
0x84: {  	v11 =	vld [tilespmem:s24+$0xFFFFFFE0];
	v8 =	vsub.f32 v8, v9;
	v18 =	vadd.f32 v21, v18  }
0x85: {  	s19 =	simm.s32 $0x12700;
	v51 =	vld [tilespmem:s12+$0xFFFFFFA0];
	v23 =	vsub.f32 v1, v17  }
0x86: {  	v19 =	vsub.f32 v19, v16;
	v8 =	vmul.f32 v8, v6;
	v1 =	vld [tilespmem:s16+$0x0];
	[tilespmem:s19+$0x80] =	vst v18  }
0x87: {  	v23 =	vmul.f32 v23, v0;
	v18 =	vld [tilespmem:s15+$0x90]  }
0x88: {  	v8 =	vadd.f32 v8, v9;
	v19 =	vmul.f32 v19, v3;
	v48 =	vld [tilespmem:s15+$0xD0]  }
0x89: {  	v12 =	vld [tilespmem:s24+$0x20];
	v17 =	vadd.f32 v23, v17  }
0x8a: {  	v22 =	vsub.f32 v22, v20;
	v13 =	vld [tilespmem:s24+$0x60];
	v8 =	vmul.f32 $8.000000000e+00, v8;
	v16 =	vadd.f32 v19, v16  }
0x8b: {  	v52 =	vld [tilespmem:s12+$0x20];
	v11 =	vsub.f32 v11, v10;
	v17 =	vmul.f32 $8.000000000e+00, v17  }
0x8c: {  	v14 =	vld [tilespmem:s24+$0xB0];
	v8 =	vadd.f32 v8, v50;
	v22 =	vmul.f32 v22, v1;
	v16 =	vmul.f32 $8.000000000e+00, v16  }
0x8d: {  	v15 =	vld [tilespmem:s24+$0xF0];
	v17 =	vadd.f32 v17, v47;
	v23 =	vsub.f32 v48, v18  }
0x8e: {  	v25 =	vld [tilespmem:s12+$0xB0];
	v9 =	vmul.f32 v11, v5;
	[tilespmem:s17+$0xFFFFFF20] =	vst v8;
	v20 =	vadd.f32 v22, v20;
	v16 =	vadd.f32 v16, v24  }
0x8f: {  	v59 =	vld [tilespmem:s24+$0xFFFFFF30];
	[tilespmem:s19+$0xFFFFFF80] =	vst v17;
	v23 =	vmul.f32 v23, v2  }
0x90: {  	v9 =	vadd.f32 v9, v10;
	v17 =	vmul.f32 $8.000000000e+00, v20;
	[tilespmem:s19+$0xFFFFFF00] =	vst v16;
	v16 =	vld [tilespmem:s13+$0x90]  }
0x91: {  	v54 =	vld [tilespmem:s15+$0xFFFFFF10];
	v18 =	vadd.f32 v23, v18  }
0x92: {  	v9 =	vmul.f32 $8.000000000e+00, v9;
	v17 =	vadd.f32 v17, v49;
	v55 =	vld [tilespmem:s15+$0xFFFFFF50]  }
0x93: {  	v53 =	vld [tilespmem:s15+$0xFFFFFF90];
	v18 =	vmul.f32 $8.000000000e+00, v18  }
0x94: {  	v11 =	vsub.f32 v13, v12;
	v9 =	vadd.f32 v9, v51;
	[tilespmem:s19+$0x0] =	vst v17;
	v17 =	vld [tilespmem:s15+$0xFFFFFFD0]  }
0x95: {  	v13 =	vld [tilespmem:s15+$0x10];
	v16 =	vadd.f32 v18, v16  }
0x96: {  	v10 =	vmul.f32 v11, v4;
	[tilespmem:s17+$0xFFFFFFA0] =	vst v9;
	v56 =	vld [tilespmem:s15+$0x50]  }
0x97: {  	v9 =	vld [tilespmem:s24+$0xFFFFFF70];
	v23 =	vsub.f32 v55, v54;
	[tilespmem:s19+$0x90] =	vst v16  }
0x98: {  	v10 =	vadd.f32 v10, v12;
	v12 =	vld [tilespmem:s15+$0xA0]  }
0x99: {  	v17 =	vsub.f32 v17, v53;
	v57 =	vmul.f32 v23, v3;
	v58 =	vld [tilespmem:s15+$0xE0]  }
0x9a: {  	v10 =	vmul.f32 $8.000000000e+00, v10;
	v11 =	vld [tilespmem:s13+$0xFFFFFF10]  }
0x9b: {  	v60 =	vld [tilespmem:s24+$0xFFFFFFB0];
	v18 =	vsub.f32 v56, v13;
	v17 =	vmul.f32 v17, v0;
	v19 =	vadd.f32 v57, v54  }
0x9c: {  	s21 =	smulhi.u32 $0x51EB851F, s14;
	v15 =	vsub.f32 v15, v14;
	v10 =	vadd.f32 v10, v52;
	v16 =	vld [tilespmem:s13+$0xFFFFFF90]  }
0x9d: {  	s23 =	smulhi.u32 $0x51EB851F, s0;
	v61 =	vld [tilespmem:s24+$0xFFFFFFF0];
	v18 =	vmul.f32 v18, v1;
	v17 =	vadd.f32 v17, v53;
	v19 =	vmul.f32 $8.000000000e+00, v19  }
0x9e: {  	s7 =	sshrl.u32 s21, $0x6;
	s21 =	smulhi.u32 $0x51EB851F, s18;
	v15 =	vmul.f32 v15, v7;
	[tilespmem:s17+$0x20] =	vst v10;
	v8 =	vld [tilespmem:s13+$0x10];
	v10 =	vsub.f32 v58, v12  }
0x9f: {  	s20 =	smulhi.u32 $0x51EB851F, s31;
	v7 =	vld [tilespmem:s24+$0x30];
	v13 =	vadd.f32 v18, v13;
	v17 =	vmul.f32 $8.000000000e+00, v17;
	v11 =	vadd.f32 v19, v11  }
0xa0: {  	s7 =	smul.u32 $0xFFFE7000, s7;
	s21 =	sshrl.u32 s21, $0x6;
	v14 =	vadd.f32 v15, v14;
	v15 =	vld [tilespmem:s24+$0x70];
	v10 =	vmul.f32 v10, v2  }
0xa1: {  	s3 =	smov.u32 s8;
	s21 =	smul.u32 $0xFFFE7000, s21;
	s20 =	sshrl.u32 s20, $0x6;
	v62 =	vsub.f32 v9, v59;
	v13 =	vmul.f32 $8.000000000e+00, v13;
	v16 =	vadd.f32 v17, v16;
	v17 =	vld [tilespmem:s13+$0xA0];
	[tilespmem:s19+$0xFFFFFF10] =	vst v11  }
0xa2: {  	s8 =	smov.u32 s4;
	s9 =	sshrl.u32 s23, $0x6;
	s20 =	smul.u32 $0xFFFE7000, s20;
	v14 =	vmul.f32 $8.000000000e+00, v14;
	v10 =	vadd.f32 v10, v12;
	v9 =	vld [tilespmem:s15+$0xFFFFFF20]  }
0xa3: {  	s4 =	simm.s32 $0x0;
	s7 =	sshra.s32 s7, $0x2;
	s24 =	smul.u32 $0xFFFE7000, s9;
	v6 =	vmul.f32 v62, v6;
	[tilespmem:s19+$0xFFFFFF90] =	vst v16;
	v12 =	vadd.f32 v13, v8;
	v11 =	vld [tilespmem:s15+$0xFFFFFF60];
	v16 =	vsub.f32 v61, v60  }
0xa4: {  	s30 =	sadd.s32 s7, s11;
	s23 =	sshra.s32 s20, $0x2;
	s20 =	simm.s32 $0x12700;
	v14 =	vadd.f32 v14, v25;
	v8 =	vld [tilespmem:s15+$0xFFFFFFA0];
	v10 =	vmul.f32 $8.000000000e+00, v10  }
0xa5: {  	s28 =	sadd.s32 s23, s25;
	s23 =	simm.s32 $0x4;
	s2 =	sshra.s32 s24, $0x2;
	v63 =	vsub.f32 v15, v7;
	v13 =	vld [tilespmem:s15+$0xFFFFFFE0];
	[tilespmem:s19+$0x10] =	vst v12;
	v12 =	vadd.f32 v6, v59;
	v16 =	vmul.f32 v16, v5  }
0xa6: {  	s24 =	sshra.s32 s21, $0x2;
	s21 =	smul.u32 $0xA0, s26;
	s9 =	sadd.s32 s2, s1;
	v6 =	vld [tilespmem:s15+$0x20];
	v15 =	vadd.f32 v10, v17  }
0xa7: {  	[tilespmem:s17+$0xB0] =	vst v14;
	s29 =	sadd.s32 s24, s10;
	s24 =	simm.s32 $0xD900;
	s2 =	smov.u32 s13;
	v14 =	vld [tilespmem:s15+$0x60];
	v5 =	vmul.f32 $8.000000000e+00, v12;
	v10 =	vadd.f32 v16, v60;
	v12 =	vmul.f32 v63, v4  }
.LBB2_3:
0xa8: {  	v4 =	vld [tilespmem:s24+$0x80];
	v11 =	vsub.f32 v11, v9;
	[tilespmem:s19+$0xA0] =	vst v15  }
0xa9: {  	v15 =	vld [tilespmem:s15+$0xB0];
	v10 =	vmul.f32 $8.000000000e+00, v10;
	v7 =	vadd.f32 v12, v7  }
0xaa: {  	v11 =	vmul.f32 v11, v3;
	v12 =	vsub.f32 v13, v8;
	v13 =	vld [tilespmem:s15+$0xF0]  }
0xab: {  	v16 =	vld [tilespmem:s24+$0xC0];
	v7 =	vmul.f32 $8.000000000e+00, v7  }
0xac: {  	s16 =	sadd.s32 $0x200, s16;
	v17 =	vld [tilespmem:s24+$0xFFFFFF00];
	v9 =	vadd.f32 v11, v9;
	v11 =	vmul.f32 v12, v0;
	v12 =	vsub.f32 v14, v6  }
0xad: {  	v14 =	vld [tilespmem:s16+$0x80]  }
0xae: {  	s23 =	sadd.s32 $0x4, s23;
	v18 =	vld [tilespmem:s24+$0xFFFFFF40];
	v9 =	vmul.f32 $8.000000000e+00, v9;
	v8 =	vadd.f32 v11, v8;
	v11 =	vmul.f32 v12, v1  }
0xaf: {  	p0 =	slt.u32 s23, $0x1C;
	v12 =	vld [tilespmem:s24+$0xFFFFFF80];
	v13 =	vsub.f32 v13, v15  }
0xb0: {  	v19 =	vld [tilespmem:s24+$0xFFFFFFC0];
	v16 =	vsub.f32 v16, v4;
	v20 =	vmul.f32 $8.000000000e+00, v8;
	v6 =	vadd.f32 v11, v6  }
0xb1: {  	v11 =	vld [tilespmem:s24+$0x0];
	v8 =	vmul.f32 v13, v2  }
0xb2: {  	s2 =	sadd.s32 $0x200, s2;
	v13 =	vmul.f32 v16, v14;
	v16 =	vmul.f32 $8.000000000e+00, v6;
	v21 =	vld [tilespmem:s13+$0xB0];
	v2 =	vmov v14  }
0xb3: {  	v14 =	vsub.f32 v18, v17;
	v18 =	vld [tilespmem:s2+$0x80];
	v8 =	vadd.f32 v8, v15  }
0xb4: {  	v15 =	vld [tilespmem:s24+$0x40];
	v13 =	vadd.f32 v13, v4  }
0xb5: {  	v6 =	vld [tilespmem:s16+$0xFFFFFF80];
	v19 =	vsub.f32 v19, v12;
	v22 =	vmul.f32 $8.000000000e+00, v8  }
0xb6: {  	v4 =	vld [tilespmem:s16+$0x0];
	v13 =	vmul.f32 $8.000000000e+00, v13  }
0xb7: {  	v8 =	vld [tilespmem:s16+$0xFFFFFF00];
	v21 =	vadd.f32 v22, v21  }
0xb8: {  	v22 =	vld [tilespmem:s2+$0xFFFFFF00];
	v13 =	vadd.f32 v13, v18  }
0xb9: {  	s19 =	sadd.s32 $0x200, s19;
	v18 =	vld [tilespmem:s2+$0xFFFFFF80];
	v15 =	vsub.f32 v15, v11;
	[tilespmem:s20+$0xB0] =	vst v21  }
0xba: {  	v19 =	vmul.f32 v19, v6;
	v21 =	vld [tilespmem:s2+$0x0];
	[tilespmem:s19+$0x80] =	vst v13  }
0xbb: {  	v13 =	vmul.f32 v15, v4;
	v15 =	vld [tilespmem:s24+$0x90]  }
0xbc: {  	v14 =	vmul.f32 v14, v8;
	v12 =	vadd.f32 v19, v12;
	v19 =	vld [tilespmem:s24+$0xD0]  }
0xbd: {  	v11 =	vadd.f32 v13, v11;
	v13 =	vld [tilespmem:s13+$0xFFFFFF20]  }
0xbe: {  	v14 =	vadd.f32 v14, v17;
	v12 =	vmul.f32 $8.000000000e+00, v12;
	v17 =	vld [tilespmem:s13+$0xFFFFFFA0]  }
0xbf: {  	v11 =	vmul.f32 $8.000000000e+00, v11;
	v23 =	vld [tilespmem:s13+$0x20]  }
0xc0: {  	v14 =	vmul.f32 $8.000000000e+00, v14;
	v12 =	vadd.f32 v12, v18;
	v18 =	vld [tilespmem:s12+$0xFFFFFF30]  }
0xc1: {  	v11 =	vadd.f32 v11, v21;
	v19 =	vsub.f32 v19, v15;
	v21 =	vld [tilespmem:s12+$0xFFFFFFB0]  }
0xc2: {  	v14 =	vadd.f32 v14, v22;
	[tilespmem:s19+$0xFFFFFF80] =	vst v12;
	v9 =	vadd.f32 v9, v13;
	v12 =	vld [tilespmem:s12+$0x30];
	s12 =	smov.u32 s13;
	s13 =	smov.u32 s2  }
0xc3: {  	v13 =	vld [tilespmem:s24+$0xFFFFFF90];
	[tilespmem:s19+$0x0] =	vst v11;
	v11 =	vmul.f32 v19, v2;
	v17 =	vadd.f32 v20, v17  }
0xc4: {  	[tilespmem:s19+$0xFFFFFF00] =	vst v14;
	v14 =	vld [tilespmem:s2+$0x90];
	v16 =	vadd.f32 v16, v23  }
0xc5: {  	v19 =	vld [tilespmem:s24+$0xFFFFFF10];
	v11 =	vadd.f32 v11, v15;
	[tilespmem:s20+$0xFFFFFF20] =	vst v9;
	v5 =	vadd.f32 v5, v18  }
0xc6: {  	v9 =	vld [tilespmem:s24+$0xFFFFFF50];
	[tilespmem:s20+$0xFFFFFFA0] =	vst v17;
	v10 =	vadd.f32 v10, v21  }
0xc7: {  	v15 =	vld [tilespmem:s24+$0xFFFFFFD0];
	v11 =	vmul.f32 $8.000000000e+00, v11;
	[tilespmem:s20+$0x20] =	vst v16;
	v7 =	vadd.f32 v7, v12  }
0xc8: {  	v12 =	vld [tilespmem:s24+$0x10];
	[tilespmem:s17+$0xFFFFFF30] =	vst v5  }
0xc9: {  	v5 =	vld [tilespmem:s24+$0x50];
	v11 =	vadd.f32 v11, v14;
	[tilespmem:s17+$0xFFFFFFB0] =	vst v10  }
0xca: {  	v10 =	vld [tilespmem:s2+$0xFFFFFF10];
	[tilespmem:s17+$0x30] =	vst v7;
	s17 =	smov.u32 s20;
	s20 =	smov.u32 s19  }
0xcb: {  	v7 =	vsub.f32 v9, v19;
	v9 =	vld [tilespmem:s2+$0xFFFFFF90];
	[tilespmem:s19+$0x90] =	vst v11  }
0xcc: {  	v11 =	vsub.f32 v15, v13;
	v14 =	vld [tilespmem:s24+$0xA0]  }
0xcd: {  	v7 =	vmul.f32 v7, v8;
	v15 =	vld [tilespmem:s24+$0xE0]  }
0xce: {  	v11 =	vmul.f32 v11, v6;
	v5 =	vsub.f32 v5, v12;
	v16 =	vld [tilespmem:s2+$0x10]  }
0xcf: {  	v7 =	vadd.f32 v7, v19;
	v17 =	vld [tilespmem:s15+$0xFFFFFF30]  }
0xd0: {  	v11 =	vadd.f32 v11, v13;
	v5 =	vmul.f32 v5, v4;
	v13 =	vld [tilespmem:s15+$0xFFFFFF70]  }
0xd1: {  	v7 =	vmul.f32 $8.000000000e+00, v7;
	v18 =	vld [tilespmem:s15+$0xFFFFFFB0]  }
0xd2: {  	v11 =	vmul.f32 $8.000000000e+00, v11;
	v5 =	vadd.f32 v5, v12;
	v12 =	vsub.f32 v15, v14;
	v15 =	vld [tilespmem:s15+$0xFFFFFFF0]  }
0xd3: {  	v10 =	vadd.f32 v7, v10;
	v7 =	vld [tilespmem:s15+$0x30]  }
0xd4: {  	v11 =	vadd.f32 v11, v9;
	v5 =	vmul.f32 $8.000000000e+00, v5;
	v12 =	vmul.f32 v12, v2;
	v19 =	vld [tilespmem:s15+$0x70];
	s15 =	smov.u32 s24  }
0xd5: {  	[tilespmem:s19+$0xFFFFFF10] =	vst v10;
	v10 =	vld [tilespmem:s2+$0xA0];
	v13 =	vsub.f32 v13, v17  }
0xd6: {  	v9 =	vld [tilespmem:s24+$0xFFFFFF20];
	[tilespmem:s19+$0xFFFFFF90] =	vst v11;
	v5 =	vadd.f32 v5, v16;
	v12 =	vadd.f32 v12, v14  }
.Ltmp0:
0xd7: {  	v11 =	vld [tilespmem:s24+$0xFFFFFF60];
	v14 =	vmul.f32 v13, v3;
	v15 =	vsub.f32 v15, v18;
	v3 =	vmov v8;
	(pc) =	sbr.rel @p0 .LBB2_3-.Ltmp0, $4  }
0xd8: {  	v8 =	vld [tilespmem:s24+$0xFFFFFFA0];
	[tilespmem:s19+$0x10] =	vst v5;
	v5 =	vmul.f32 $8.000000000e+00, v12  }
0xd9: {  	v13 =	vld [tilespmem:s24+$0xFFFFFFE0];
	v12 =	vadd.f32 v14, v17;
	v16 =	vmul.f32 v15, v0;
	v17 =	vsub.f32 v19, v7;
	v0 =	vmovc v6  }
0xda: {  	v6 =	vld [tilespmem:s24+$0x20];
	v15 =	vadd.f32 v5, v10  }
0xdb: {  	s24 =	sadd.s32 $0x200, s24;
	v14 =	vld [tilespmem:s15+$0x60];
	v5 =	vmul.f32 $8.000000000e+00, v12;
	v10 =	vadd.f32 v16, v18;
	v12 =	vmul.f32 v17, v1;
	v1 =	vmovc v4  }
0xdc: {  	v4 =	vsub.f32 v11, v9;
	_ =	sdelay $0x1  }
0xdd: {  	v4 =	vmul.f32 v4, v3;
	v11 =	vsub.f32 v13, v8  }
0xde: {  	v13 =	vld [tilespmem:s13+$0xFFFFFF20]  }
0xdf: {  	v4 =	vadd.f32 v4, v9;
	v9 =	vmul.f32 v11, v0;
	v11 =	vsub.f32 v14, v6  }
0xe0: {  	v14 =	vld [tilespmem:s13+$0xFFFFFFA0]  }
0xe1: {  	v4 =	vmul.f32 $8.000000000e+00, v4;
	v8 =	vadd.f32 v9, v8;
	v9 =	vmul.f32 v11, v1  }
0xe2: {  	[tilespmem:s19+$0xA0] =	vst v15;
	v11 =	vld [tilespmem:s13+$0x20]  }
0xe3: {  	v15 =	vld [tilespmem:s15+$0xB0];
	v8 =	vmul.f32 $8.000000000e+00, v8;
	v6 =	vadd.f32 v9, v6;
	v4 =	vadd.f32 v4, v13  }
0xe4: {  	v9 =	vld [tilespmem:s15+$0xF0]  }
0xe5: {  	v6 =	vmul.f32 $8.000000000e+00, v6;
	v8 =	vadd.f32 v8, v14;
	[tilespmem:s20+$0xFFFFFF20] =	vst v4  }
0xe6: {  	v4 =	vld [tilespmem:s15+$0xFFFFFF30]  }
0xe7: {  	v6 =	vadd.f32 v6, v11;
	[tilespmem:s20+$0xFFFFFFA0] =	vst v8;
	v8 =	vld [tilespmem:s15+$0xFFFFFF70]  }
0xe8: {  	v11 =	vld [tilespmem:s15+$0xFFFFFFB0]  }
0xe9: {  	v9 =	vsub.f32 v9, v15;
	[tilespmem:s20+$0x20] =	vst v6;
	v6 =	vld [tilespmem:s15+$0xFFFFFFF0]  }
0xea: {  	v13 =	vld [tilespmem:s15+$0x30]  }
0xeb: {  	v2 =	vmul.f32 v9, v2;
	v9 =	vld [tilespmem:s15+$0x70];
	_ =	sdelay $0x1  }
0xec: {  	v14 =	vld [tilespmem:s13+$0xB0]  }
0xed: {  	v2 =	vadd.f32 v2, v15;
	v15 =	vld [tilespmem:s12+$0xFFFFFF30];
	v8 =	vsub.f32 v8, v4  }
0xee: {  	v16 =	vld [tilespmem:s12+$0xFFFFFFB0];
	v6 =	vsub.f32 v6, v11  }
0xef: {  	v2 =	vmul.f32 $8.000000000e+00, v2;
	v3 =	vmul.f32 v8, v3;
	v8 =	vld [tilespmem:s12+$0x30];
	v9 =	vsub.f32 v9, v13  }
0xf0: {  	v7 =	vadd.f32 v12, v7;
	v10 =	vmul.f32 $8.000000000e+00, v10;
	v0 =	vmul.f32 v6, v0;
	v6 =	vld [tilespmem:s13+$0xFFFFFF30]  }
0xf1: {  	v2 =	vadd.f32 v2, v14;
	v3 =	vadd.f32 v3, v4;
	v4 =	vld [tilespmem:s13+$0xFFFFFFB0];
	v1 =	vmul.f32 v9, v1  }
0xf2: {  	v7 =	vmul.f32 $8.000000000e+00, v7;
	v5 =	vadd.f32 v5, v15;
	v9 =	vld [tilespmem:s13+$0x30];
	v0 =	vadd.f32 v0, v11  }
0xf3: {  	[tilespmem:s20+$0xB0] =	vst v2;
	v2 =	vadd.f32 v10, v16;
	v3 =	vmul.f32 $8.000000000e+00, v3;
	v1 =	vadd.f32 v1, v13  }
0xf4: {  	v7 =	vadd.f32 v7, v8;
	[tilespmem:s17+$0xFFFFFF30] =	vst v5;
	v0 =	vmul.f32 $8.000000000e+00, v0  }
0xf5: {  	[tilespmem:s17+$0xFFFFFFB0] =	vst v2;
	v1 =	vmul.f32 $8.000000000e+00, v1;
	v2 =	vadd.f32 v3, v6  }
0xf6: {  	[tilespmem:s17+$0x30] =	vst v7;
	v0 =	vadd.f32 v0, v4  }
0xf7: {  	s2 =	sadd.s32 s6, s21;
	v1 =	vadd.f32 v1, v9;
	[tilespmem:s20+$0xFFFFFF30] =	vst v2  }
0xf8: {  	s2 =	sshll.u32 s2, $0x4;
	[tilespmem:s20+$0xFFFFFFB0] =	vst v0  }
0xf9: {  	s7 =	simm.s32 $0x12400;
	s19 =	simm.s32 $0x2;
	s2 =	sadd.s32 s5, s2;
	[tilespmem:s20+$0x30] =	vst v1  }
0xfa: {  	[hbm4b:s2+s4] =	stream.linear.scatter [tilespmem:s7], [sflag:$0xB], $0x1000, $0x38;
	[tilespmem:$0x1C680] =	vst v63  }
0xfb: {  	_ =	swait.ge [sflag:s19], $0x1000  }
0xfc: {  	p0 =	seq.s32 s26, $0x27;
	[sflag:s19] =	ssyncset.done $0x0  }
0xfd: {  	s17 =	smul.u32 @!p0 $0xA00, s26;
	s20 =	simm.s32 $0x7;
	[sflag:s19] =	ssyncadd.s32 $0xFFFFF000  }
0xfe: {  	_ =	swait.ge [sflag:s20], $0x1000  }
0xff: {  	s2 =	sadd.s32 @!p0 $0xA00, s17;
	[sflag:s20] =	ssyncset.done $0x0  }
0x100: {  	s7 =	sshra.s32 @!p0 s2, $0x2;
	[sflag:s20] =	ssyncadd.s32 $0xFFFFF000  }
0x101: {  	v0 =	vld @!p0 [tilespmem:s7+$0x0];
	_ =	sdelay $0x4  }
0x102: {  	[tilespmem:$0x17400] =	vst @!p0 v0  }
0x103: {  	v0 =	vld @!p0 [tilespmem:s7+$0x10];
	_ =	sdelay $0x2  }
0x104: {  	p1 =	seq.s32 @!p0 s26, $0x0  }
0x105: {  	p1 =	por p0, !p1  }
0x106: {  	s12 =	simm.s32 @!p0 $0x17400;
	s13 =	simm.s32 @!p0 $0xD400;
	s7 =	simm.s32 @!p0 $0x20;
	[tilespmem:$0x17410] =	vst @!p0 v0  }
0x107: {  	[tilespmem:s13], [sflag:$0x1] =	stream.indirect.gather @!p0 [hbm4b:s3+s7], $0x80, s12, s7, $0xb8;
	[tilespmem:$0x1C680] =	vst v63  }
0x108: {  	s2 =	sadd.s32 @!p0 s8, s2;
	s7 =	simm.s32 @!p0 $0x0;
	s12 =	simm.s32 @!p0 $0x17680  }
0x109: {  	[tilespmem:s12], [sflag:$0x6] =	stream.linear.gather @!p0 [hbm4b:s2+s7], $0x1000, $0x38;
	[tilespmem:$0x1C680] =	vst v63  }
0x10a: {  	s2 =	simm.s32 @p1 $0xC  }
0x10b: {  	_ =	swait.ge @p1 [sflag:s2], $0x1000  }
0x10c: {  	[sflag:s2] =	ssyncset.done @p1 $0x0  }
0x10d: {  	s23 =	simm.s32 $0xE500;
	[sflag:s2] =	ssyncadd.s32 @p1 $0xFFFFF000  }
0x10e: {  	v0 =	vld [tilespmem:s23+$0x80]  }
0x10f: {  	v1 =	vld [tilespmem:s23+$0xC0]  }
0x110: {  	s24 =	simm.s32 $0x18780  }
0x111: {  	v7 =	vld [tilespmem:s24+$0x80];
	_ =	sdelay $0x1  }
0x112: {  	v2 =	vld [tilespmem:s23+$0xFFFFFF00]  }
0x113: {  	v3 =	vld [tilespmem:s23+$0xFFFFFF40];
	v1 =	vsub.f32 v1, v0  }
0x114: {  	v8 =	vld [tilespmem:s23+$0xFFFFFF80]  }
0x115: {  	v9 =	vld [tilespmem:s23+$0xFFFFFFC0];
	v1 =	vmul.f32 v1, v7  }
0x116: {  	v4 =	vld [tilespmem:s29+$0xFFFFFFD0]  }
0x117: {  	v10 =	vld [tilespmem:s23+$0x0];
	v0 =	vadd.f32 v1, v0  }
0x118: {  	v6 =	vld [tilespmem:s24+$0xFFFFFF00]  }
0x119: {  	v5 =	vld [tilespmem:s24+$0xFFFFFF80];
	v0 =	vmul.f32 $8.000000000e+00, v0  }
0x11a: {  	v1 =	vld [tilespmem:s23+$0x40]  }
0x11b: {  	v3 =	vsub.f32 v3, v2;
	v0 =	vadd.f32 v0, v4  }
0x11c: {  	s12 =	simm.s32 $0x13500;
	v4 =	vld [tilespmem:s24+$0x0]  }
0x11d: {  	v11 =	vld [tilespmem:s29+$0xFFFFFE50];
	v9 =	vsub.f32 v9, v8;
	[tilespmem:s12+$0x80] =	vst v0;
	v0 =	vmul.f32 v3, v6  }
0x11e: {  	v3 =	vld [tilespmem:s23+$0x90]  }
0x11f: {  	v9 =	vmul.f32 v9, v5;
	v1 =	vsub.f32 v1, v10;
	v12 =	vld [tilespmem:s23+$0xD0];
	v0 =	vadd.f32 v0, v2  }
0x120: {  	v2 =	vld [tilespmem:s29+$0xFFFFFED0]  }
0x121: {  	v8 =	vadd.f32 v9, v8;
	v1 =	vmul.f32 v1, v4;
	v0 =	vmul.f32 $8.000000000e+00, v0  }
0x122: {  	v9 =	vld [tilespmem:s29+$0xFFFFFF50]  }
0x123: {  	v8 =	vmul.f32 $8.000000000e+00, v8;
	v1 =	vadd.f32 v1, v10;
	v0 =	vadd.f32 v0, v11  }
0x124: {  	v10 =	vsub.f32 v12, v3  }
0x125: {  	v1 =	vmul.f32 $8.000000000e+00, v1;
	v2 =	vadd.f32 v8, v2;
	[tilespmem:s12+$0xFFFFFF00] =	vst v0;
	v0 =	vld [tilespmem:s29+$0xFFFFFFE0]  }
0x126: {  	v8 =	vmul.f32 v10, v7;
	v10 =	vld [tilespmem:s23+$0xFFFFFF10]  }
0x127: {  	v1 =	vadd.f32 v1, v9;
	[tilespmem:s12+$0xFFFFFF80] =	vst v2;
	v2 =	vld [tilespmem:s23+$0xFFFFFF50]  }
0x128: {  	v9 =	vld [tilespmem:s23+$0xFFFFFF90];
	v3 =	vadd.f32 v8, v3  }
0x129: {  	[tilespmem:s12+$0x0] =	vst v1;
	v1 =	vld [tilespmem:s23+$0xFFFFFFD0]  }
0x12a: {  	v3 =	vmul.f32 $8.000000000e+00, v3;
	v8 =	vld [tilespmem:s23+$0x10]  }
0x12b: {  	v11 =	vld [tilespmem:s23+$0x50]  }
0x12c: {  	v0 =	vadd.f32 v3, v0  }
0x12d: {  	v2 =	vsub.f32 v2, v10  }
0x12e: {  	v3 =	vld [tilespmem:s29+$0xFFFFFE60];
	[tilespmem:s12+$0x90] =	vst v0;
	v0 =	vsub.f32 v1, v9  }
0x12f: {  	v1 =	vmul.f32 v2, v6;
	v2 =	vld [tilespmem:s23+$0xA0]  }
0x130: {  	v12 =	vld [tilespmem:s23+$0xE0];
	v11 =	vsub.f32 v11, v8;
	v0 =	vmul.f32 v0, v5  }
0x131: {  	v1 =	vadd.f32 v1, v10  }
0x132: {  	v10 =	vld [tilespmem:s29+$0xFFFFFEE0];
	v0 =	vadd.f32 v0, v9;
	v9 =	vmul.f32 v11, v4  }
0x133: {  	v1 =	vmul.f32 $8.000000000e+00, v1  }
0x134: {  	v11 =	vld [tilespmem:s29+$0xFFFFFF60];
	v8 =	vadd.f32 v9, v8  }
0x135: {  	s15 =	simm.s32 $0xE700;
	v0 =	vmul.f32 $8.000000000e+00, v0;
	v1 =	vadd.f32 v1, v3;
	v3 =	vsub.f32 v12, v2  }
0x136: {  	v16 =	vld [tilespmem:s15+$0xFFFFFF00]  }
0x137: {  	v17 =	vld [tilespmem:s15+$0xFFFFFF80];
	v0 =	vadd.f32 v0, v10;
	v8 =	vmul.f32 $8.000000000e+00, v8;
	v3 =	vmul.f32 v3, v7  }
0x138: {  	s7 =	sadd.s32 $0x200, s29;
	[tilespmem:s12+$0xFFFFFF10] =	vst v1;
	v1 =	vld [tilespmem:s29+$0xFFFFFFF0]  }
0x139: {  	v18 =	vld [tilespmem:s7+$0xFFFFFFD0];
	[tilespmem:s12+$0xFFFFFF90] =	vst v0;
	v0 =	vadd.f32 v8, v11;
	v2 =	vadd.f32 v3, v2  }
0x13a: {  	v19 =	vld [tilespmem:s15+$0xFFFFFF40]  }
0x13b: {  	v20 =	vld [tilespmem:s15+$0x0];
	[tilespmem:s12+$0x10] =	vst v0;
	v0 =	vmul.f32 $8.000000000e+00, v2  }
0x13c: {  	v3 =	vld [tilespmem:s15+$0x80]  }
0x13d: {  	v0 =	vadd.f32 v0, v1;
	v1 =	vld [tilespmem:s15+$0xC0]  }
0x13e: {  	s16 =	simm.s32 $0x18980;
	v22 =	vld [tilespmem:s15+$0x40]  }
0x13f: {  	v2 =	vld [tilespmem:s16+$0x80]  }
0x140: {  	v46 =	vld [tilespmem:s7+$0xFFFFFED0]  }
0x141: {  	v24 =	vld [tilespmem:s7+$0xFFFFFE50]  }
0x142: {  	v48 =	vld [tilespmem:s7+$0xFFFFFF50];
	[tilespmem:s12+$0xA0] =	vst v0;
	v0 =	vsub.f32 v1, v3  }
0x143: {  	v9 =	vld [tilespmem:s23+$0xFFFFFF20]  }
0x144: {  	v49 =	vld [tilespmem:s29+$0xFFFFFE70];
	v0 =	vmul.f32 v0, v2  }
0x145: {  	v8 =	vld [tilespmem:s23+$0xFFFFFF60]  }
0x146: {  	v1 =	vld [tilespmem:s15+$0xFFFFFFC0];
	v3 =	vadd.f32 v0, v3  }
0x147: {  	v10 =	vld [tilespmem:s23+$0xFFFFFFA0]  }
0x148: {  	v0 =	vld [tilespmem:s16+$0xFFFFFF80];
	v21 =	vmul.f32 $8.000000000e+00, v3  }
0x149: {  	v3 =	vld [tilespmem:s16+$0xFFFFFF00]  }
0x14a: {  	v11 =	vld [tilespmem:s23+$0xFFFFFFE0];
	v8 =	vsub.f32 v8, v9;
	v18 =	vadd.f32 v21, v18  }
0x14b: {  	s19 =	simm.s32 $0x13700;
	v50 =	vld [tilespmem:s29+$0xFFFFFEF0];
	v23 =	vsub.f32 v1, v17  }
0x14c: {  	v19 =	vsub.f32 v19, v16;
	v8 =	vmul.f32 v8, v6;
	v1 =	vld [tilespmem:s16+$0x0];
	[tilespmem:s19+$0x80] =	vst v18  }
0x14d: {  	v23 =	vmul.f32 v23, v0;
	v18 =	vld [tilespmem:s15+$0x90]  }
0x14e: {  	v8 =	vadd.f32 v8, v9;
	v19 =	vmul.f32 v19, v3;
	v47 =	vld [tilespmem:s15+$0xD0]  }
0x14f: {  	v12 =	vld [tilespmem:s23+$0x20];
	v17 =	vadd.f32 v23, v17  }
0x150: {  	v22 =	vsub.f32 v22, v20;
	v13 =	vld [tilespmem:s23+$0x60];
	v8 =	vmul.f32 $8.000000000e+00, v8;
	v16 =	vadd.f32 v19, v16  }
0x151: {  	v51 =	vld [tilespmem:s29+$0xFFFFFF70];
	v11 =	vsub.f32 v11, v10;
	v17 =	vmul.f32 $8.000000000e+00, v17  }
0x152: {  	v14 =	vld [tilespmem:s23+$0xB0];
	v8 =	vadd.f32 v8, v49;
	v22 =	vmul.f32 v22, v1;
	v16 =	vmul.f32 $8.000000000e+00, v16  }
0x153: {  	v15 =	vld [tilespmem:s23+$0xF0];
	v17 =	vadd.f32 v17, v46;
	v23 =	vsub.f32 v47, v18  }
0x154: {  	v25 =	vld [tilespmem:s29+$0x0];
	v9 =	vmul.f32 v11, v5;
	[tilespmem:s12+$0xFFFFFF20] =	vst v8;
	v20 =	vadd.f32 v22, v20;
	v16 =	vadd.f32 v16, v24  }
0x155: {  	v60 =	vld [tilespmem:s23+$0xFFFFFF30];
	[tilespmem:s19+$0xFFFFFF80] =	vst v17;
	v23 =	vmul.f32 v23, v2  }
0x156: {  	v9 =	vadd.f32 v9, v10;
	v17 =	vmul.f32 $8.000000000e+00, v20;
	[tilespmem:s19+$0xFFFFFF00] =	vst v16;
	v16 =	vld [tilespmem:s7+$0xFFFFFFE0]  }
0x157: {  	v53 =	vld [tilespmem:s15+$0xFFFFFF10];
	v18 =	vadd.f32 v23, v18  }
0x158: {  	v9 =	vmul.f32 $8.000000000e+00, v9;
	v17 =	vadd.f32 v17, v48;
	v54 =	vld [tilespmem:s15+$0xFFFFFF50]  }
0x159: {  	v52 =	vld [tilespmem:s15+$0xFFFFFF90];
	v18 =	vmul.f32 $8.000000000e+00, v18  }
0x15a: {  	v11 =	vsub.f32 v13, v12;
	v9 =	vadd.f32 v9, v50;
	[tilespmem:s19+$0x0] =	vst v17;
	v17 =	vld [tilespmem:s15+$0xFFFFFFD0]  }
0x15b: {  	v13 =	vld [tilespmem:s15+$0x10];
	v16 =	vadd.f32 v18, v16  }
0x15c: {  	v10 =	vmul.f32 v11, v4;
	[tilespmem:s12+$0xFFFFFFA0] =	vst v9;
	v55 =	vld [tilespmem:s15+$0x50]  }
0x15d: {  	v9 =	vld [tilespmem:s23+$0xFFFFFF70];
	v23 =	vsub.f32 v54, v53;
	[tilespmem:s19+$0x90] =	vst v16  }
0x15e: {  	v10 =	vadd.f32 v10, v12;
	v12 =	vld [tilespmem:s15+$0xA0]  }
0x15f: {  	v17 =	vsub.f32 v17, v52;
	v56 =	vmul.f32 v23, v3;
	v57 =	vld [tilespmem:s15+$0xE0]  }
0x160: {  	v15 =	vsub.f32 v15, v14;
	v10 =	vmul.f32 $8.000000000e+00, v10;
	v11 =	vld [tilespmem:s7+$0xFFFFFE60]  }
0x161: {  	v61 =	vld [tilespmem:s23+$0xFFFFFFB0];
	v8 =	vmul.f32 v17, v0;
	v17 =	vsub.f32 v55, v13;
	v59 =	vadd.f32 v56, v53  }
0x162: {  	v7 =	vmul.f32 v15, v7;
	v10 =	vadd.f32 v10, v51;
	v16 =	vld [tilespmem:s7+$0xFFFFFEE0]  }
0x163: {  	v15 =	vld [tilespmem:s23+$0xFFFFFFF0];
	v8 =	vadd.f32 v8, v52;
	v17 =	vmul.f32 v17, v1;
	v18 =	vmul.f32 $8.000000000e+00, v59  }
0x164: {  	v7 =	vadd.f32 v7, v14;
	[tilespmem:s12+$0x20] =	vst v10;
	v58 =	vld [tilespmem:s7+$0xFFFFFF60];
	v10 =	vsub.f32 v57, v12  }
0x165: {  	v14 =	vld [tilespmem:s23+$0x70];
	v13 =	vadd.f32 v17, v13;
	v17 =	vmul.f32 $8.000000000e+00, v8;
	v11 =	vadd.f32 v18, v11  }
0x166: {  	v8 =	vld [tilespmem:s23+$0x30];
	v10 =	vmul.f32 v10, v2  }
0x167: {  	v16 =	vadd.f32 v17, v16;
	v13 =	vmul.f32 $8.000000000e+00, v13;
	v17 =	vsub.f32 v9, v60;
	[tilespmem:s19+$0xFFFFFF10] =	vst v11;
	v11 =	vld [tilespmem:s7+$0xFFFFFFF0]  }
0x168: {  	v7 =	vmul.f32 $8.000000000e+00, v7;
	v10 =	vadd.f32 v10, v12;
	v9 =	vld [tilespmem:s15+$0xFFFFFF20]  }
0x169: {  	v15 =	vsub.f32 v15, v61;
	[tilespmem:s19+$0xFFFFFF90] =	vst v16;
	v13 =	vadd.f32 v13, v58;
	v12 =	vld [tilespmem:s15+$0xFFFFFF60];
	v6 =	vmul.f32 v17, v6  }
0x16a: {  	v16 =	vadd.f32 v7, v25;
	v7 =	vld [tilespmem:s15+$0xFFFFFFA0];
	v10 =	vmul.f32 $8.000000000e+00, v10  }
0x16b: {  	v62 =	vmul.f32 v15, v5;
	v63 =	vsub.f32 v14, v8;
	[tilespmem:s19+$0x10] =	vst v13;
	v13 =	vld [tilespmem:s15+$0xFFFFFFE0];
	v17 =	vadd.f32 v6, v60  }
0x16c: {  	s4 =	smov.u32 s8;
	s20 =	sadd.s32 $0x20, s21;
	s13 =	smov.u32 s7;
	v6 =	vld [tilespmem:s15+$0x20];
	v15 =	vadd.f32 v10, v11  }
0x16d: {  	s2 =	simm.s32 $0xE900;
	s24 =	simm.s32 $0x4;
	s23 =	simm.s32 $0x13700;
	[tilespmem:s12+$0xB0] =	vst v16;
	v14 =	vld [tilespmem:s15+$0x60];
	v5 =	vmul.f32 $8.000000000e+00, v17;
	v10 =	vadd.f32 v62, v61;
	v11 =	vmul.f32 v63, v4  }
.LBB2_5:
0x16e: {  	v4 =	vld [tilespmem:s2+$0x80];
	v12 =	vsub.f32 v12, v9;
	[tilespmem:s19+$0xA0] =	vst v15  }
0x16f: {  	v15 =	vld [tilespmem:s15+$0xB0];
	v10 =	vmul.f32 $8.000000000e+00, v10;
	v8 =	vadd.f32 v11, v8  }
0x170: {  	v11 =	vmul.f32 v12, v3;
	v12 =	vsub.f32 v13, v7;
	v13 =	vld [tilespmem:s15+$0xF0]  }
0x171: {  	v16 =	vld [tilespmem:s2+$0xC0];
	v8 =	vmul.f32 $8.000000000e+00, v8  }
0x172: {  	s16 =	sadd.s32 $0x200, s16;
	v17 =	vld [tilespmem:s2+$0xFFFFFF00];
	v9 =	vadd.f32 v11, v9;
	v11 =	vmul.f32 v12, v0;
	v12 =	vsub.f32 v14, v6  }
0x173: {  	v14 =	vld [tilespmem:s16+$0x80]  }
0x174: {  	s24 =	sadd.s32 $0x4, s24;
	v18 =	vld [tilespmem:s2+$0xFFFFFF40];
	v9 =	vmul.f32 $8.000000000e+00, v9;
	v7 =	vadd.f32 v11, v7;
	v11 =	vmul.f32 v12, v1  }
0x175: {  	p2 =	slt.u32 s24, $0x1C;
	v12 =	vld [tilespmem:s2+$0xFFFFFF80];
	v13 =	vsub.f32 v13, v15  }
0x176: {  	v19 =	vld [tilespmem:s2+$0xFFFFFFC0];
	v16 =	vsub.f32 v16, v4;
	v20 =	vmul.f32 $8.000000000e+00, v7;
	v6 =	vadd.f32 v11, v6  }
0x177: {  	v11 =	vld [tilespmem:s2+$0x0];
	v7 =	vmul.f32 v13, v2  }
0x178: {  	s13 =	sadd.s32 $0x200, s13;
	v13 =	vmul.f32 v16, v14;
	v16 =	vmul.f32 $8.000000000e+00, v6;
	v21 =	vld [tilespmem:s7+$0x0];
	v2 =	vmov v14  }
0x179: {  	v14 =	vsub.f32 v18, v17;
	v18 =	vld [tilespmem:s13+$0xFFFFFFD0];
	v7 =	vadd.f32 v7, v15  }
0x17a: {  	v15 =	vld [tilespmem:s2+$0x40];
	v13 =	vadd.f32 v13, v4  }
0x17b: {  	v6 =	vld [tilespmem:s16+$0xFFFFFF80];
	v19 =	vsub.f32 v19, v12;
	v22 =	vmul.f32 $8.000000000e+00, v7  }
0x17c: {  	v4 =	vld [tilespmem:s16+$0x0];
	v13 =	vmul.f32 $8.000000000e+00, v13  }
0x17d: {  	v7 =	vld [tilespmem:s16+$0xFFFFFF00];
	v21 =	vadd.f32 v22, v21  }
0x17e: {  	v22 =	vld [tilespmem:s13+$0xFFFFFE50];
	v13 =	vadd.f32 v13, v18  }
0x17f: {  	s19 =	sadd.s32 $0x200, s19;
	v18 =	vld [tilespmem:s13+$0xFFFFFED0];
	v15 =	vsub.f32 v15, v11;
	[tilespmem:s23+$0xB0] =	vst v21  }
0x180: {  	v19 =	vmul.f32 v19, v6;
	v21 =	vld [tilespmem:s13+$0xFFFFFF50];
	[tilespmem:s19+$0x80] =	vst v13  }
0x181: {  	v13 =	vmul.f32 v15, v4;
	v15 =	vld [tilespmem:s2+$0x90]  }
0x182: {  	v14 =	vmul.f32 v14, v7;
	v12 =	vadd.f32 v19, v12;
	v19 =	vld [tilespmem:s2+$0xD0]  }
0x183: {  	v11 =	vadd.f32 v13, v11;
	v13 =	vld [tilespmem:s7+$0xFFFFFE70]  }
0x184: {  	v14 =	vadd.f32 v14, v17;
	v12 =	vmul.f32 $8.000000000e+00, v12;
	v17 =	vld [tilespmem:s7+$0xFFFFFEF0]  }
0x185: {  	v11 =	vmul.f32 $8.000000000e+00, v11;
	v23 =	vld [tilespmem:s7+$0xFFFFFF70]  }
0x186: {  	v14 =	vmul.f32 $8.000000000e+00, v14;
	v12 =	vadd.f32 v12, v18;
	v18 =	vld [tilespmem:s29+$0xFFFFFE80]  }
0x187: {  	v11 =	vadd.f32 v11, v21;
	v19 =	vsub.f32 v19, v15;
	v21 =	vld [tilespmem:s29+$0xFFFFFF00]  }
0x188: {  	v14 =	vadd.f32 v14, v22;
	[tilespmem:s19+$0xFFFFFF80] =	vst v12;
	v9 =	vadd.f32 v9, v13;
	v12 =	vld [tilespmem:s29+$0xFFFFFF80];
	s29 =	smov.u32 s7;
	s7 =	smov.u32 s13  }
0x189: {  	v13 =	vld [tilespmem:s2+$0xFFFFFF90];
	[tilespmem:s19+$0x0] =	vst v11;
	v11 =	vmul.f32 v19, v2;
	v17 =	vadd.f32 v20, v17  }
0x18a: {  	[tilespmem:s19+$0xFFFFFF00] =	vst v14;
	v14 =	vld [tilespmem:s13+$0xFFFFFFE0];
	v16 =	vadd.f32 v16, v23  }
0x18b: {  	v19 =	vld [tilespmem:s2+$0xFFFFFF10];
	v11 =	vadd.f32 v11, v15;
	[tilespmem:s23+$0xFFFFFF20] =	vst v9;
	v5 =	vadd.f32 v5, v18  }
0x18c: {  	v9 =	vld [tilespmem:s2+$0xFFFFFF50];
	[tilespmem:s23+$0xFFFFFFA0] =	vst v17;
	v10 =	vadd.f32 v10, v21  }
0x18d: {  	v15 =	vld [tilespmem:s2+$0xFFFFFFD0];
	v11 =	vmul.f32 $8.000000000e+00, v11;
	[tilespmem:s23+$0x20] =	vst v16;
	v8 =	vadd.f32 v8, v12  }
0x18e: {  	v12 =	vld [tilespmem:s2+$0x10];
	[tilespmem:s12+$0xFFFFFF30] =	vst v5  }
0x18f: {  	v5 =	vld [tilespmem:s2+$0x50];
	v11 =	vadd.f32 v11, v14;
	[tilespmem:s12+$0xFFFFFFB0] =	vst v10  }
0x190: {  	v10 =	vld [tilespmem:s13+$0xFFFFFE60];
	[tilespmem:s12+$0x30] =	vst v8;
	s12 =	smov.u32 s23;
	s23 =	smov.u32 s19  }
0x191: {  	v8 =	vsub.f32 v9, v19;
	v9 =	vld [tilespmem:s13+$0xFFFFFEE0];
	[tilespmem:s19+$0x90] =	vst v11  }
0x192: {  	v11 =	vsub.f32 v15, v13;
	v14 =	vld [tilespmem:s2+$0xA0]  }
0x193: {  	v8 =	vmul.f32 v8, v7;
	v15 =	vld [tilespmem:s2+$0xE0]  }
0x194: {  	v11 =	vmul.f32 v11, v6;
	v5 =	vsub.f32 v5, v12;
	v16 =	vld [tilespmem:s13+$0xFFFFFF60]  }
0x195: {  	v8 =	vadd.f32 v8, v19;
	v17 =	vld [tilespmem:s15+$0xFFFFFF30]  }
0x196: {  	v11 =	vadd.f32 v11, v13;
	v5 =	vmul.f32 v5, v4;
	v13 =	vld [tilespmem:s15+$0xFFFFFF70]  }
0x197: {  	v8 =	vmul.f32 $8.000000000e+00, v8;
	v18 =	vld [tilespmem:s15+$0xFFFFFFB0]  }
0x198: {  	v11 =	vmul.f32 $8.000000000e+00, v11;
	v5 =	vadd.f32 v5, v12;
	v12 =	vsub.f32 v15, v14;
	v15 =	vld [tilespmem:s15+$0xFFFFFFF0]  }
0x199: {  	v10 =	vadd.f32 v8, v10;
	v8 =	vld [tilespmem:s15+$0x30]  }
0x19a: {  	v11 =	vadd.f32 v11, v9;
	v5 =	vmul.f32 $8.000000000e+00, v5;
	v12 =	vmul.f32 v12, v2;
	v19 =	vld [tilespmem:s15+$0x70];
	s15 =	smov.u32 s2  }
0x19b: {  	[tilespmem:s19+$0xFFFFFF10] =	vst v10;
	v10 =	vld [tilespmem:s13+$0xFFFFFFF0];
	v13 =	vsub.f32 v13, v17  }
0x19c: {  	v9 =	vld [tilespmem:s2+$0xFFFFFF20];
	[tilespmem:s19+$0xFFFFFF90] =	vst v11;
	v5 =	vadd.f32 v5, v16;
	v11 =	vadd.f32 v12, v14  }
.Ltmp1:
0x19d: {  	v12 =	vld [tilespmem:s2+$0xFFFFFF60];
	v14 =	vmul.f32 v13, v3;
	v15 =	vsub.f32 v15, v18;
	v3 =	vmov v7;
	(pc) =	sbr.rel @p2 .LBB2_5-.Ltmp1, $4  }
0x19e: {  	v7 =	vld [tilespmem:s2+$0xFFFFFFA0];
	[tilespmem:s19+$0x10] =	vst v5;
	v5 =	vmul.f32 $8.000000000e+00, v11  }
0x19f: {  	v13 =	vld [tilespmem:s2+$0xFFFFFFE0];
	v11 =	vadd.f32 v14, v17;
	v16 =	vmul.f32 v15, v0;
	v17 =	vsub.f32 v19, v8;
	v0 =	vmovc v6  }
0x1a0: {  	v6 =	vld [tilespmem:s2+$0x20];
	v15 =	vadd.f32 v5, v10  }
0x1a1: {  	s2 =	sadd.s32 $0x200, s2;
	v14 =	vld [tilespmem:s15+$0x60];
	v5 =	vmul.f32 $8.000000000e+00, v11;
	v10 =	vadd.f32 v16, v18;
	v11 =	vmul.f32 v17, v1;
	v1 =	vmovc v4  }
0x1a2: {  	v4 =	vsub.f32 v12, v9;
	_ =	sdelay $0x1  }
0x1a3: {  	v4 =	vmul.f32 v4, v3;
	v12 =	vsub.f32 v13, v7  }
0x1a4: {  	v13 =	vld [tilespmem:s7+$0xFFFFFE70]  }
0x1a5: {  	v4 =	vadd.f32 v4, v9;
	v9 =	vmul.f32 v12, v0;
	v12 =	vsub.f32 v14, v6  }
0x1a6: {  	v14 =	vld [tilespmem:s7+$0xFFFFFEF0]  }
0x1a7: {  	v4 =	vmul.f32 $8.000000000e+00, v4;
	v7 =	vadd.f32 v9, v7;
	v9 =	vmul.f32 v12, v1  }
0x1a8: {  	[tilespmem:s19+$0xA0] =	vst v15;
	v12 =	vld [tilespmem:s7+$0xFFFFFF70]  }
0x1a9: {  	v15 =	vld [tilespmem:s15+$0xB0];
	v7 =	vmul.f32 $8.000000000e+00, v7;
	v6 =	vadd.f32 v9, v6;
	v4 =	vadd.f32 v4, v13  }
0x1aa: {  	v9 =	vld [tilespmem:s15+$0xF0]  }
0x1ab: {  	v6 =	vmul.f32 $8.000000000e+00, v6;
	v7 =	vadd.f32 v7, v14;
	[tilespmem:s23+$0xFFFFFF20] =	vst v4  }
0x1ac: {  	v4 =	vld [tilespmem:s15+$0xFFFFFF30]  }
0x1ad: {  	v6 =	vadd.f32 v6, v12;
	[tilespmem:s23+$0xFFFFFFA0] =	vst v7;
	v7 =	vld [tilespmem:s15+$0xFFFFFF70]  }
0x1ae: {  	v12 =	vld [tilespmem:s15+$0xFFFFFFB0]  }
0x1af: {  	v9 =	vsub.f32 v9, v15;
	[tilespmem:s23+$0x20] =	vst v6;
	v6 =	vld [tilespmem:s15+$0xFFFFFFF0]  }
0x1b0: {  	v13 =	vld [tilespmem:s15+$0x30]  }
0x1b1: {  	v2 =	vmul.f32 v9, v2;
	v9 =	vld [tilespmem:s15+$0x70];
	_ =	sdelay $0x1  }
0x1b2: {  	v14 =	vld [tilespmem:s7+$0x0]  }
0x1b3: {  	v2 =	vadd.f32 v2, v15;
	v15 =	vld [tilespmem:s29+$0xFFFFFE80];
	v7 =	vsub.f32 v7, v4  }
0x1b4: {  	v16 =	vld [tilespmem:s29+$0xFFFFFF00];
	v6 =	vsub.f32 v6, v12  }
0x1b5: {  	v2 =	vmul.f32 $8.000000000e+00, v2;
	v3 =	vmul.f32 v7, v3;
	v7 =	vld [tilespmem:s29+$0xFFFFFF80];
	v9 =	vsub.f32 v9, v13  }
0x1b6: {  	v8 =	vadd.f32 v11, v8;
	v10 =	vmul.f32 $8.000000000e+00, v10;
	v0 =	vmul.f32 v6, v0;
	v6 =	vld [tilespmem:s7+$0xFFFFFE80]  }
0x1b7: {  	v2 =	vadd.f32 v2, v14;
	v3 =	vadd.f32 v3, v4;
	v4 =	vld [tilespmem:s7+$0xFFFFFF00];
	v1 =	vmul.f32 v9, v1  }
0x1b8: {  	v8 =	vmul.f32 $8.000000000e+00, v8;
	v5 =	vadd.f32 v5, v15;
	v9 =	vld [tilespmem:s7+$0xFFFFFF80];
	v0 =	vadd.f32 v0, v12  }
0x1b9: {  	[tilespmem:s23+$0xB0] =	vst v2;
	v2 =	vadd.f32 v10, v16;
	v3 =	vmul.f32 $8.000000000e+00, v3;
	v1 =	vadd.f32 v1, v13  }
0x1ba: {  	v7 =	vadd.f32 v8, v7;
	[tilespmem:s12+$0xFFFFFF30] =	vst v5;
	v0 =	vmul.f32 $8.000000000e+00, v0  }
0x1bb: {  	[tilespmem:s12+$0xFFFFFFB0] =	vst v2;
	v1 =	vmul.f32 $8.000000000e+00, v1;
	v2 =	vadd.f32 v3, v6  }
0x1bc: {  	[tilespmem:s12+$0x30] =	vst v7;
	v0 =	vadd.f32 v0, v4  }
0x1bd: {  	s2 =	sadd.s32 s6, s20;
	v1 =	vadd.f32 v1, v9;
	[tilespmem:s23+$0xFFFFFF30] =	vst v2  }
0x1be: {  	s16 =	simm.s32 $0x13400;
	s2 =	sshll.u32 s2, $0x4;
	[tilespmem:s23+$0xFFFFFFB0] =	vst v0  }
0x1bf: {  	s19 =	simm.s32 $0x3;
	s2 =	sadd.s32 s5, s2;
	s29 =	simm.s32 $0x0;
	[tilespmem:s23+$0x30] =	vst v1  }
0x1c0: {  	[hbm4b:s2+s29] =	stream.linear.scatter [tilespmem:s16], [sflag:$0xC], $0x1000, $0x38;
	[tilespmem:$0x1C680] =	vst v63  }
0x1c1: {  	_ =	swait.ge [sflag:s19], $0x1000  }
0x1c2: {  	[sflag:s19] =	ssyncset.done $0x0  }
0x1c3: {  	s20 =	simm.s32 $0x8;
	[sflag:s19] =	ssyncadd.s32 $0xFFFFF000  }
0x1c4: {  	_ =	swait.ge [sflag:s20], $0x1000  }
0x1c5: {  	s2 =	sadd.s32 @!p0 $0xC00, s17;
	[sflag:s20] =	ssyncset.done $0x0  }
0x1c6: {  	s7 =	sshra.s32 @!p0 s2, $0x2;
	[sflag:s20] =	ssyncadd.s32 $0xFFFFF000  }
0x1c7: {  	v0 =	vld @!p0 [tilespmem:s7+$0x0];
	_ =	sdelay $0x4  }
0x1c8: {  	[tilespmem:$0x17480] =	vst @!p0 v0  }
0x1c9: {  	v0 =	vld @!p0 [tilespmem:s7+$0x10];
	_ =	sdelay $0x4  }
0x1ca: {  	s13 =	simm.s32 @!p0 $0xE400;
	s12 =	simm.s32 @!p0 $0x17480;
	s7 =	simm.s32 @!p0 $0x20;
	[tilespmem:$0x17490] =	vst @!p0 v0  }
0x1cb: {  	[tilespmem:s13], [sflag:$0x2] =	stream.indirect.gather @!p0 [hbm4b:s3+s7], $0x80, s12, s7, $0xb8;
	[tilespmem:$0x1C680] =	vst v63  }
0x1cc: {  	s2 =	sadd.s32 @!p0 s4, s2;
	s7 =	simm.s32 @!p0 $0x0;
	s12 =	simm.s32 @!p0 $0x18680  }
0x1cd: {  	[tilespmem:s12], [sflag:$0x7] =	stream.linear.gather @!p0 [hbm4b:s2+s7], $0x1000, $0x38;
	[tilespmem:$0x1C680] =	vst v63  }
0x1ce: {  	s2 =	simm.s32 @p1 $0xD  }
0x1cf: {  	_ =	swait.ge @p1 [sflag:s2], $0x1000  }
0x1d0: {  	[sflag:s2] =	ssyncset.done @p1 $0x0  }
0x1d1: {  	s23 =	simm.s32 $0xF500;
	[sflag:s2] =	ssyncadd.s32 @p1 $0xFFFFF000  }
0x1d2: {  	v0 =	vld [tilespmem:s23+$0x80]  }
0x1d3: {  	v1 =	vld [tilespmem:s23+$0xC0]  }
0x1d4: {  	s24 =	simm.s32 $0x19780  }
0x1d5: {  	v7 =	vld [tilespmem:s24+$0x80];
	_ =	sdelay $0x1  }
0x1d6: {  	v2 =	vld [tilespmem:s23+$0xFFFFFF00]  }
0x1d7: {  	v3 =	vld [tilespmem:s23+$0xFFFFFF40];
	v1 =	vsub.f32 v1, v0  }
0x1d8: {  	v8 =	vld [tilespmem:s23+$0xFFFFFF80]  }
0x1d9: {  	v9 =	vld [tilespmem:s23+$0xFFFFFFC0];
	v1 =	vmul.f32 v1, v7  }
0x1da: {  	v4 =	vld [tilespmem:s28+$0xFFFFFFD0]  }
0x1db: {  	v10 =	vld [tilespmem:s23+$0x0];
	v0 =	vadd.f32 v1, v0  }
0x1dc: {  	v6 =	vld [tilespmem:s24+$0xFFFFFF00]  }
0x1dd: {  	v5 =	vld [tilespmem:s24+$0xFFFFFF80];
	v0 =	vmul.f32 $8.000000000e+00, v0  }
0x1de: {  	v1 =	vld [tilespmem:s23+$0x40]  }
0x1df: {  	v3 =	vsub.f32 v3, v2;
	v0 =	vadd.f32 v0, v4  }
0x1e0: {  	s12 =	simm.s32 $0x14500;
	v4 =	vld [tilespmem:s24+$0x0]  }
0x1e1: {  	v11 =	vld [tilespmem:s28+$0xFFFFFE50];
	v9 =	vsub.f32 v9, v8;
	[tilespmem:s12+$0x80] =	vst v0;
	v0 =	vmul.f32 v3, v6  }
0x1e2: {  	v3 =	vld [tilespmem:s23+$0x90]  }
0x1e3: {  	v9 =	vmul.f32 v9, v5;
	v1 =	vsub.f32 v1, v10;
	v12 =	vld [tilespmem:s23+$0xD0];
	v0 =	vadd.f32 v0, v2  }
0x1e4: {  	v2 =	vld [tilespmem:s28+$0xFFFFFED0]  }
0x1e5: {  	v8 =	vadd.f32 v9, v8;
	v1 =	vmul.f32 v1, v4;
	v0 =	vmul.f32 $8.000000000e+00, v0  }
0x1e6: {  	v9 =	vld [tilespmem:s28+$0xFFFFFF50]  }
0x1e7: {  	v8 =	vmul.f32 $8.000000000e+00, v8;
	v1 =	vadd.f32 v1, v10;
	v0 =	vadd.f32 v0, v11  }
0x1e8: {  	v10 =	vsub.f32 v12, v3  }
0x1e9: {  	v1 =	vmul.f32 $8.000000000e+00, v1;
	v2 =	vadd.f32 v8, v2;
	[tilespmem:s12+$0xFFFFFF00] =	vst v0;
	v0 =	vld [tilespmem:s28+$0xFFFFFFE0]  }
0x1ea: {  	v8 =	vmul.f32 v10, v7;
	v10 =	vld [tilespmem:s23+$0xFFFFFF10]  }
0x1eb: {  	v1 =	vadd.f32 v1, v9;
	[tilespmem:s12+$0xFFFFFF80] =	vst v2;
	v2 =	vld [tilespmem:s23+$0xFFFFFF50]  }
0x1ec: {  	v9 =	vld [tilespmem:s23+$0xFFFFFF90];
	v3 =	vadd.f32 v8, v3  }
0x1ed: {  	[tilespmem:s12+$0x0] =	vst v1;
	v1 =	vld [tilespmem:s23+$0xFFFFFFD0]  }
0x1ee: {  	v3 =	vmul.f32 $8.000000000e+00, v3;
	v8 =	vld [tilespmem:s23+$0x10]  }
0x1ef: {  	v11 =	vld [tilespmem:s23+$0x50]  }
0x1f0: {  	v0 =	vadd.f32 v3, v0  }
0x1f1: {  	v2 =	vsub.f32 v2, v10  }
0x1f2: {  	v3 =	vld [tilespmem:s28+$0xFFFFFE60];
	[tilespmem:s12+$0x90] =	vst v0;
	v0 =	vsub.f32 v1, v9  }
0x1f3: {  	v1 =	vmul.f32 v2, v6;
	v2 =	vld [tilespmem:s23+$0xA0]  }
0x1f4: {  	v12 =	vld [tilespmem:s23+$0xE0];
	v11 =	vsub.f32 v11, v8;
	v0 =	vmul.f32 v0, v5  }
0x1f5: {  	v1 =	vadd.f32 v1, v10  }
0x1f6: {  	v10 =	vld [tilespmem:s28+$0xFFFFFEE0];
	v0 =	vadd.f32 v0, v9;
	v9 =	vmul.f32 v11, v4  }
0x1f7: {  	v1 =	vmul.f32 $8.000000000e+00, v1  }
0x1f8: {  	v11 =	vld [tilespmem:s28+$0xFFFFFF60];
	v8 =	vadd.f32 v9, v8  }
0x1f9: {  	s15 =	simm.s32 $0xF700;
	v0 =	vmul.f32 $8.000000000e+00, v0;
	v1 =	vadd.f32 v1, v3;
	v3 =	vsub.f32 v12, v2  }
0x1fa: {  	v16 =	vld [tilespmem:s15+$0xFFFFFF00]  }
0x1fb: {  	v17 =	vld [tilespmem:s15+$0xFFFFFF80];
	v0 =	vadd.f32 v0, v10;
	v8 =	vmul.f32 $8.000000000e+00, v8;
	v3 =	vmul.f32 v3, v7  }
0x1fc: {  	s13 =	sadd.s32 $0x200, s28;
	[tilespmem:s12+$0xFFFFFF10] =	vst v1;
	v1 =	vld [tilespmem:s28+$0xFFFFFFF0]  }
0x1fd: {  	v18 =	vld [tilespmem:s13+$0xFFFFFFD0];
	[tilespmem:s12+$0xFFFFFF90] =	vst v0;
	v0 =	vadd.f32 v8, v11;
	v2 =	vadd.f32 v3, v2  }
0x1fe: {  	v19 =	vld [tilespmem:s15+$0xFFFFFF40]  }
0x1ff: {  	v20 =	vld [tilespmem:s15+$0x0];
	[tilespmem:s12+$0x10] =	vst v0;
	v0 =	vmul.f32 $8.000000000e+00, v2  }
0x200: {  	v3 =	vld [tilespmem:s15+$0x80]  }
0x201: {  	v0 =	vadd.f32 v0, v1;
	v1 =	vld [tilespmem:s15+$0xC0]  }
0x202: {  	s16 =	simm.s32 $0x19980;
	v22 =	vld [tilespmem:s15+$0x40]  }
0x203: {  	v2 =	vld [tilespmem:s16+$0x80]  }
0x204: {  	v46 =	vld [tilespmem:s13+$0xFFFFFED0]  }
0x205: {  	v24 =	vld [tilespmem:s13+$0xFFFFFE50]  }
0x206: {  	v48 =	vld [tilespmem:s13+$0xFFFFFF50];
	[tilespmem:s12+$0xA0] =	vst v0;
	v0 =	vsub.f32 v1, v3  }
0x207: {  	v9 =	vld [tilespmem:s23+$0xFFFFFF20]  }
0x208: {  	v49 =	vld [tilespmem:s28+$0xFFFFFE70];
	v0 =	vmul.f32 v0, v2  }
0x209: {  	v8 =	vld [tilespmem:s23+$0xFFFFFF60]  }
0x20a: {  	v1 =	vld [tilespmem:s15+$0xFFFFFFC0];
	v3 =	vadd.f32 v0, v3  }
0x20b: {  	v10 =	vld [tilespmem:s23+$0xFFFFFFA0]  }
0x20c: {  	v0 =	vld [tilespmem:s16+$0xFFFFFF80];
	v21 =	vmul.f32 $8.000000000e+00, v3  }
0x20d: {  	v3 =	vld [tilespmem:s16+$0xFFFFFF00]  }
0x20e: {  	v11 =	vld [tilespmem:s23+$0xFFFFFFE0];
	v8 =	vsub.f32 v8, v9;
	v18 =	vadd.f32 v21, v18  }
0x20f: {  	s19 =	simm.s32 $0x14700;
	v50 =	vld [tilespmem:s28+$0xFFFFFEF0];
	v23 =	vsub.f32 v1, v17  }
0x210: {  	v19 =	vsub.f32 v19, v16;
	v8 =	vmul.f32 v8, v6;
	v1 =	vld [tilespmem:s16+$0x0];
	[tilespmem:s19+$0x80] =	vst v18  }
0x211: {  	v23 =	vmul.f32 v23, v0;
	v18 =	vld [tilespmem:s15+$0x90]  }
0x212: {  	v8 =	vadd.f32 v8, v9;
	v19 =	vmul.f32 v19, v3;
	v47 =	vld [tilespmem:s15+$0xD0]  }
0x213: {  	v12 =	vld [tilespmem:s23+$0x20];
	v17 =	vadd.f32 v23, v17  }
0x214: {  	v22 =	vsub.f32 v22, v20;
	v13 =	vld [tilespmem:s23+$0x60];
	v8 =	vmul.f32 $8.000000000e+00, v8;
	v16 =	vadd.f32 v19, v16  }
0x215: {  	v51 =	vld [tilespmem:s28+$0xFFFFFF70];
	v11 =	vsub.f32 v11, v10;
	v17 =	vmul.f32 $8.000000000e+00, v17  }
0x216: {  	v14 =	vld [tilespmem:s23+$0xB0];
	v8 =	vadd.f32 v8, v49;
	v22 =	vmul.f32 v22, v1;
	v16 =	vmul.f32 $8.000000000e+00, v16  }
0x217: {  	v15 =	vld [tilespmem:s23+$0xF0];
	v17 =	vadd.f32 v17, v46;
	v23 =	vsub.f32 v47, v18  }
0x218: {  	v25 =	vld [tilespmem:s28+$0x0];
	v9 =	vmul.f32 v11, v5;
	[tilespmem:s12+$0xFFFFFF20] =	vst v8;
	v20 =	vadd.f32 v22, v20;
	v16 =	vadd.f32 v16, v24  }
0x219: {  	v60 =	vld [tilespmem:s23+$0xFFFFFF30];
	[tilespmem:s19+$0xFFFFFF80] =	vst v17;
	v23 =	vmul.f32 v23, v2  }
0x21a: {  	v9 =	vadd.f32 v9, v10;
	v17 =	vmul.f32 $8.000000000e+00, v20;
	[tilespmem:s19+$0xFFFFFF00] =	vst v16;
	v16 =	vld [tilespmem:s13+$0xFFFFFFE0]  }
0x21b: {  	v53 =	vld [tilespmem:s15+$0xFFFFFF10];
	v18 =	vadd.f32 v23, v18  }
0x21c: {  	v9 =	vmul.f32 $8.000000000e+00, v9;
	v17 =	vadd.f32 v17, v48;
	v54 =	vld [tilespmem:s15+$0xFFFFFF50]  }
0x21d: {  	v52 =	vld [tilespmem:s15+$0xFFFFFF90];
	v18 =	vmul.f32 $8.000000000e+00, v18  }
0x21e: {  	v11 =	vsub.f32 v13, v12;
	v9 =	vadd.f32 v9, v50;
	[tilespmem:s19+$0x0] =	vst v17;
	v17 =	vld [tilespmem:s15+$0xFFFFFFD0]  }
0x21f: {  	v13 =	vld [tilespmem:s15+$0x10];
	v16 =	vadd.f32 v18, v16  }
0x220: {  	v10 =	vmul.f32 v11, v4;
	[tilespmem:s12+$0xFFFFFFA0] =	vst v9;
	v55 =	vld [tilespmem:s15+$0x50]  }
0x221: {  	v9 =	vld [tilespmem:s23+$0xFFFFFF70];
	v23 =	vsub.f32 v54, v53;
	[tilespmem:s19+$0x90] =	vst v16  }
0x222: {  	v10 =	vadd.f32 v10, v12;
	v12 =	vld [tilespmem:s15+$0xA0]  }
0x223: {  	v17 =	vsub.f32 v17, v52;
	v56 =	vmul.f32 v23, v3;
	v57 =	vld [tilespmem:s15+$0xE0]  }
0x224: {  	v15 =	vsub.f32 v15, v14;
	v10 =	vmul.f32 $8.000000000e+00, v10;
	v11 =	vld [tilespmem:s13+$0xFFFFFE60]  }
0x225: {  	v61 =	vld [tilespmem:s23+$0xFFFFFFB0];
	v8 =	vmul.f32 v17, v0;
	v17 =	vsub.f32 v55, v13;
	v59 =	vadd.f32 v56, v53  }
0x226: {  	v7 =	vmul.f32 v15, v7;
	v10 =	vadd.f32 v10, v51;
	v16 =	vld [tilespmem:s13+$0xFFFFFEE0]  }
0x227: {  	v15 =	vld [tilespmem:s23+$0xFFFFFFF0];
	v8 =	vadd.f32 v8, v52;
	v17 =	vmul.f32 v17, v1;
	v18 =	vmul.f32 $8.000000000e+00, v59  }
0x228: {  	v7 =	vadd.f32 v7, v14;
	[tilespmem:s12+$0x20] =	vst v10;
	v58 =	vld [tilespmem:s13+$0xFFFFFF60];
	v10 =	vsub.f32 v57, v12  }
0x229: {  	v14 =	vld [tilespmem:s23+$0x70];
	v13 =	vadd.f32 v17, v13;
	v17 =	vmul.f32 $8.000000000e+00, v8;
	v11 =	vadd.f32 v18, v11  }
0x22a: {  	v8 =	vld [tilespmem:s23+$0x30];
	v10 =	vmul.f32 v10, v2  }
0x22b: {  	v16 =	vadd.f32 v17, v16;
	v13 =	vmul.f32 $8.000000000e+00, v13;
	v17 =	vsub.f32 v9, v60;
	[tilespmem:s19+$0xFFFFFF10] =	vst v11;
	v11 =	vld [tilespmem:s13+$0xFFFFFFF0]  }
0x22c: {  	v7 =	vmul.f32 $8.000000000e+00, v7;
	v10 =	vadd.f32 v10, v12;
	v9 =	vld [tilespmem:s15+$0xFFFFFF20]  }
0x22d: {  	v15 =	vsub.f32 v15, v61;
	[tilespmem:s19+$0xFFFFFF90] =	vst v16;
	v13 =	vadd.f32 v13, v58;
	v12 =	vld [tilespmem:s15+$0xFFFFFF60];
	v6 =	vmul.f32 v17, v6  }
0x22e: {  	v16 =	vadd.f32 v7, v25;
	v7 =	vld [tilespmem:s15+$0xFFFFFFA0];
	v10 =	vmul.f32 $8.000000000e+00, v10  }
0x22f: {  	v62 =	vmul.f32 v15, v5;
	v63 =	vsub.f32 v14, v8;
	[tilespmem:s19+$0x10] =	vst v13;
	v13 =	vld [tilespmem:s15+$0xFFFFFFE0];
	v17 =	vadd.f32 v6, v60  }
0x230: {  	s8 =	smov.u32 s3;
	s20 =	sadd.s32 $0x40, s21;
	s7 =	smov.u32 s13;
	v6 =	vld [tilespmem:s15+$0x20];
	v15 =	vadd.f32 v10, v11  }
0x231: {  	s2 =	simm.s32 $0xF900;
	s24 =	simm.s32 $0x4;
	s23 =	simm.s32 $0x14700;
	[tilespmem:s12+$0xB0] =	vst v16;
	v14 =	vld [tilespmem:s15+$0x60];
	v5 =	vmul.f32 $8.000000000e+00, v17;
	v10 =	vadd.f32 v62, v61;
	v11 =	vmul.f32 v63, v4  }
.LBB2_7:
0x232: {  	v4 =	vld [tilespmem:s2+$0x80];
	v12 =	vsub.f32 v12, v9;
	[tilespmem:s19+$0xA0] =	vst v15  }
0x233: {  	v15 =	vld [tilespmem:s15+$0xB0];
	v10 =	vmul.f32 $8.000000000e+00, v10;
	v8 =	vadd.f32 v11, v8  }
0x234: {  	v11 =	vmul.f32 v12, v3;
	v12 =	vsub.f32 v13, v7;
	v13 =	vld [tilespmem:s15+$0xF0]  }
0x235: {  	v16 =	vld [tilespmem:s2+$0xC0];
	v8 =	vmul.f32 $8.000000000e+00, v8  }
0x236: {  	s16 =	sadd.s32 $0x200, s16;
	v17 =	vld [tilespmem:s2+$0xFFFFFF00];
	v9 =	vadd.f32 v11, v9;
	v11 =	vmul.f32 v12, v0;
	v12 =	vsub.f32 v14, v6  }
0x237: {  	v14 =	vld [tilespmem:s16+$0x80]  }
0x238: {  	s24 =	sadd.s32 $0x4, s24;
	v18 =	vld [tilespmem:s2+$0xFFFFFF40];
	v9 =	vmul.f32 $8.000000000e+00, v9;
	v7 =	vadd.f32 v11, v7;
	v11 =	vmul.f32 v12, v1  }
0x239: {  	p2 =	slt.u32 s24, $0x1C;
	v12 =	vld [tilespmem:s2+$0xFFFFFF80];
	v13 =	vsub.f32 v13, v15  }
0x23a: {  	v19 =	vld [tilespmem:s2+$0xFFFFFFC0];
	v16 =	vsub.f32 v16, v4;
	v20 =	vmul.f32 $8.000000000e+00, v7;
	v6 =	vadd.f32 v11, v6  }
0x23b: {  	v11 =	vld [tilespmem:s2+$0x0];
	v7 =	vmul.f32 v13, v2  }
0x23c: {  	s7 =	sadd.s32 $0x200, s7;
	v13 =	vmul.f32 v16, v14;
	v16 =	vmul.f32 $8.000000000e+00, v6;
	v21 =	vld [tilespmem:s13+$0x0];
	v2 =	vmov v14  }
0x23d: {  	v14 =	vsub.f32 v18, v17;
	v18 =	vld [tilespmem:s7+$0xFFFFFFD0];
	v7 =	vadd.f32 v7, v15  }
0x23e: {  	v15 =	vld [tilespmem:s2+$0x40];
	v13 =	vadd.f32 v13, v4  }
0x23f: {  	v6 =	vld [tilespmem:s16+$0xFFFFFF80];
	v19 =	vsub.f32 v19, v12;
	v22 =	vmul.f32 $8.000000000e+00, v7  }
0x240: {  	v4 =	vld [tilespmem:s16+$0x0];
	v13 =	vmul.f32 $8.000000000e+00, v13  }
0x241: {  	v7 =	vld [tilespmem:s16+$0xFFFFFF00];
	v21 =	vadd.f32 v22, v21  }
0x242: {  	v22 =	vld [tilespmem:s7+$0xFFFFFE50];
	v13 =	vadd.f32 v13, v18  }
0x243: {  	s19 =	sadd.s32 $0x200, s19;
	v18 =	vld [tilespmem:s7+$0xFFFFFED0];
	v15 =	vsub.f32 v15, v11;
	[tilespmem:s23+$0xB0] =	vst v21  }
0x244: {  	v19 =	vmul.f32 v19, v6;
	v21 =	vld [tilespmem:s7+$0xFFFFFF50];
	[tilespmem:s19+$0x80] =	vst v13  }
0x245: {  	v13 =	vmul.f32 v15, v4;
	v15 =	vld [tilespmem:s2+$0x90]  }
0x246: {  	v14 =	vmul.f32 v14, v7;
	v12 =	vadd.f32 v19, v12;
	v19 =	vld [tilespmem:s2+$0xD0]  }
0x247: {  	v11 =	vadd.f32 v13, v11;
	v13 =	vld [tilespmem:s13+$0xFFFFFE70]  }
0x248: {  	v14 =	vadd.f32 v14, v17;
	v12 =	vmul.f32 $8.000000000e+00, v12;
	v17 =	vld [tilespmem:s13+$0xFFFFFEF0]  }
0x249: {  	v11 =	vmul.f32 $8.000000000e+00, v11;
	v23 =	vld [tilespmem:s13+$0xFFFFFF70]  }
0x24a: {  	v14 =	vmul.f32 $8.000000000e+00, v14;
	v12 =	vadd.f32 v12, v18;
	v18 =	vld [tilespmem:s28+$0xFFFFFE80]  }
0x24b: {  	v11 =	vadd.f32 v11, v21;
	v19 =	vsub.f32 v19, v15;
	v21 =	vld [tilespmem:s28+$0xFFFFFF00]  }
0x24c: {  	v14 =	vadd.f32 v14, v22;
	[tilespmem:s19+$0xFFFFFF80] =	vst v12;
	v9 =	vadd.f32 v9, v13;
	v12 =	vld [tilespmem:s28+$0xFFFFFF80];
	s28 =	smov.u32 s13;
	s13 =	smov.u32 s7  }
0x24d: {  	v13 =	vld [tilespmem:s2+$0xFFFFFF90];
	[tilespmem:s19+$0x0] =	vst v11;
	v11 =	vmul.f32 v19, v2;
	v17 =	vadd.f32 v20, v17  }
0x24e: {  	[tilespmem:s19+$0xFFFFFF00] =	vst v14;
	v14 =	vld [tilespmem:s7+$0xFFFFFFE0];
	v16 =	vadd.f32 v16, v23  }
0x24f: {  	v19 =	vld [tilespmem:s2+$0xFFFFFF10];
	v11 =	vadd.f32 v11, v15;
	[tilespmem:s23+$0xFFFFFF20] =	vst v9;
	v5 =	vadd.f32 v5, v18  }
0x250: {  	v9 =	vld [tilespmem:s2+$0xFFFFFF50];
	[tilespmem:s23+$0xFFFFFFA0] =	vst v17;
	v10 =	vadd.f32 v10, v21  }
0x251: {  	v15 =	vld [tilespmem:s2+$0xFFFFFFD0];
	v11 =	vmul.f32 $8.000000000e+00, v11;
	[tilespmem:s23+$0x20] =	vst v16;
	v8 =	vadd.f32 v8, v12  }
0x252: {  	v12 =	vld [tilespmem:s2+$0x10];
	[tilespmem:s12+$0xFFFFFF30] =	vst v5  }
0x253: {  	v5 =	vld [tilespmem:s2+$0x50];
	v11 =	vadd.f32 v11, v14;
	[tilespmem:s12+$0xFFFFFFB0] =	vst v10  }
0x254: {  	v10 =	vld [tilespmem:s7+$0xFFFFFE60];
	[tilespmem:s12+$0x30] =	vst v8;
	s12 =	smov.u32 s23;
	s23 =	smov.u32 s19  }
0x255: {  	v8 =	vsub.f32 v9, v19;
	v9 =	vld [tilespmem:s7+$0xFFFFFEE0];
	[tilespmem:s19+$0x90] =	vst v11  }
0x256: {  	v11 =	vsub.f32 v15, v13;
	v14 =	vld [tilespmem:s2+$0xA0]  }
0x257: {  	v8 =	vmul.f32 v8, v7;
	v15 =	vld [tilespmem:s2+$0xE0]  }
0x258: {  	v11 =	vmul.f32 v11, v6;
	v5 =	vsub.f32 v5, v12;
	v16 =	vld [tilespmem:s7+$0xFFFFFF60]  }
0x259: {  	v8 =	vadd.f32 v8, v19;
	v17 =	vld [tilespmem:s15+$0xFFFFFF30]  }
0x25a: {  	v11 =	vadd.f32 v11, v13;
	v5 =	vmul.f32 v5, v4;
	v13 =	vld [tilespmem:s15+$0xFFFFFF70]  }
0x25b: {  	v8 =	vmul.f32 $8.000000000e+00, v8;
	v18 =	vld [tilespmem:s15+$0xFFFFFFB0]  }
0x25c: {  	v11 =	vmul.f32 $8.000000000e+00, v11;
	v5 =	vadd.f32 v5, v12;
	v12 =	vsub.f32 v15, v14;
	v15 =	vld [tilespmem:s15+$0xFFFFFFF0]  }
0x25d: {  	v10 =	vadd.f32 v8, v10;
	v8 =	vld [tilespmem:s15+$0x30]  }
0x25e: {  	v11 =	vadd.f32 v11, v9;
	v5 =	vmul.f32 $8.000000000e+00, v5;
	v12 =	vmul.f32 v12, v2;
	v19 =	vld [tilespmem:s15+$0x70];
	s15 =	smov.u32 s2  }
0x25f: {  	[tilespmem:s19+$0xFFFFFF10] =	vst v10;
	v10 =	vld [tilespmem:s7+$0xFFFFFFF0];
	v13 =	vsub.f32 v13, v17  }
0x260: {  	v9 =	vld [tilespmem:s2+$0xFFFFFF20];
	[tilespmem:s19+$0xFFFFFF90] =	vst v11;
	v5 =	vadd.f32 v5, v16;
	v11 =	vadd.f32 v12, v14  }
.Ltmp2:
0x261: {  	v12 =	vld [tilespmem:s2+$0xFFFFFF60];
	v14 =	vmul.f32 v13, v3;
	v15 =	vsub.f32 v15, v18;
	v3 =	vmov v7;
	(pc) =	sbr.rel @p2 .LBB2_7-.Ltmp2, $4  }
0x262: {  	v7 =	vld [tilespmem:s2+$0xFFFFFFA0];
	[tilespmem:s19+$0x10] =	vst v5;
	v5 =	vmul.f32 $8.000000000e+00, v11  }
0x263: {  	v13 =	vld [tilespmem:s2+$0xFFFFFFE0];
	v11 =	vadd.f32 v14, v17;
	v16 =	vmul.f32 v15, v0;
	v17 =	vsub.f32 v19, v8;
	v0 =	vmovc v6  }
0x264: {  	v6 =	vld [tilespmem:s2+$0x20];
	v15 =	vadd.f32 v5, v10  }
0x265: {  	s2 =	sadd.s32 $0x200, s2;
	v14 =	vld [tilespmem:s15+$0x60];
	v5 =	vmul.f32 $8.000000000e+00, v11;
	v10 =	vadd.f32 v16, v18;
	v11 =	vmul.f32 v17, v1;
	v1 =	vmovc v4  }
0x266: {  	v4 =	vsub.f32 v12, v9;
	_ =	sdelay $0x1  }
0x267: {  	v4 =	vmul.f32 v4, v3;
	v12 =	vsub.f32 v13, v7  }
0x268: {  	v13 =	vld [tilespmem:s13+$0xFFFFFE70]  }
0x269: {  	v4 =	vadd.f32 v4, v9;
	v9 =	vmul.f32 v12, v0;
	v12 =	vsub.f32 v14, v6  }
0x26a: {  	v14 =	vld [tilespmem:s13+$0xFFFFFEF0]  }
0x26b: {  	v4 =	vmul.f32 $8.000000000e+00, v4;
	v7 =	vadd.f32 v9, v7;
	v9 =	vmul.f32 v12, v1  }
0x26c: {  	[tilespmem:s19+$0xA0] =	vst v15;
	v12 =	vld [tilespmem:s13+$0xFFFFFF70]  }
0x26d: {  	v15 =	vld [tilespmem:s15+$0xB0];
	v7 =	vmul.f32 $8.000000000e+00, v7;
	v6 =	vadd.f32 v9, v6;
	v4 =	vadd.f32 v4, v13  }
0x26e: {  	v9 =	vld [tilespmem:s15+$0xF0]  }
0x26f: {  	v6 =	vmul.f32 $8.000000000e+00, v6;
	v7 =	vadd.f32 v7, v14;
	[tilespmem:s23+$0xFFFFFF20] =	vst v4  }
0x270: {  	v4 =	vld [tilespmem:s15+$0xFFFFFF30]  }
0x271: {  	v6 =	vadd.f32 v6, v12;
	[tilespmem:s23+$0xFFFFFFA0] =	vst v7;
	v7 =	vld [tilespmem:s15+$0xFFFFFF70]  }
0x272: {  	v12 =	vld [tilespmem:s15+$0xFFFFFFB0]  }
0x273: {  	v9 =	vsub.f32 v9, v15;
	[tilespmem:s23+$0x20] =	vst v6;
	v6 =	vld [tilespmem:s15+$0xFFFFFFF0]  }
0x274: {  	v13 =	vld [tilespmem:s15+$0x30]  }
0x275: {  	v2 =	vmul.f32 v9, v2;
	v9 =	vld [tilespmem:s15+$0x70];
	_ =	sdelay $0x1  }
0x276: {  	v14 =	vld [tilespmem:s13+$0x0]  }
0x277: {  	v2 =	vadd.f32 v2, v15;
	v15 =	vld [tilespmem:s28+$0xFFFFFE80];
	v7 =	vsub.f32 v7, v4  }
0x278: {  	v16 =	vld [tilespmem:s28+$0xFFFFFF00];
	v6 =	vsub.f32 v6, v12  }
0x279: {  	v2 =	vmul.f32 $8.000000000e+00, v2;
	v3 =	vmul.f32 v7, v3;
	v7 =	vld [tilespmem:s28+$0xFFFFFF80];
	v9 =	vsub.f32 v9, v13  }
0x27a: {  	v8 =	vadd.f32 v11, v8;
	v10 =	vmul.f32 $8.000000000e+00, v10;
	v0 =	vmul.f32 v6, v0;
	v6 =	vld [tilespmem:s13+$0xFFFFFE80]  }
0x27b: {  	v2 =	vadd.f32 v2, v14;
	v3 =	vadd.f32 v3, v4;
	v4 =	vld [tilespmem:s13+$0xFFFFFF00];
	v1 =	vmul.f32 v9, v1  }
0x27c: {  	v8 =	vmul.f32 $8.000000000e+00, v8;
	v5 =	vadd.f32 v5, v15;
	v9 =	vld [tilespmem:s13+$0xFFFFFF80];
	v0 =	vadd.f32 v0, v12  }
0x27d: {  	[tilespmem:s23+$0xB0] =	vst v2;
	v2 =	vadd.f32 v10, v16;
	v3 =	vmul.f32 $8.000000000e+00, v3;
	v1 =	vadd.f32 v1, v13  }
0x27e: {  	v7 =	vadd.f32 v8, v7;
	[tilespmem:s12+$0xFFFFFF30] =	vst v5;
	v0 =	vmul.f32 $8.000000000e+00, v0  }
0x27f: {  	[tilespmem:s12+$0xFFFFFFB0] =	vst v2;
	v1 =	vmul.f32 $8.000000000e+00, v1;
	v2 =	vadd.f32 v3, v6  }
0x280: {  	[tilespmem:s12+$0x30] =	vst v7;
	v0 =	vadd.f32 v0, v4  }
0x281: {  	s2 =	sadd.s32 s6, s20;
	v1 =	vadd.f32 v1, v9;
	[tilespmem:s23+$0xFFFFFF30] =	vst v2  }
0x282: {  	s2 =	sshll.u32 s2, $0x4;
	[tilespmem:s23+$0xFFFFFFB0] =	vst v0  }
0x283: {  	s3 =	simm.s32 $0x14400;
	s20 =	simm.s32 $0x4;
	s2 =	sadd.s32 s5, s2;
	[tilespmem:s23+$0x30] =	vst v1  }
0x284: {  	[hbm4b:s2+s29] =	stream.linear.scatter [tilespmem:s3], [sflag:$0xD], $0x1000, $0x38;
	[tilespmem:$0x1C680] =	vst v63  }
0x285: {  	_ =	swait.ge [sflag:s20], $0x1000  }
0x286: {  	[sflag:s20] =	ssyncset.done $0x0  }
0x287: {  	s23 =	simm.s32 $0x9;
	[sflag:s20] =	ssyncadd.s32 $0xFFFFF000  }
0x288: {  	_ =	swait.ge [sflag:s23], $0x1000  }
0x289: {  	s2 =	sadd.s32 @!p0 $0xE00, s17;
	[sflag:s23] =	ssyncset.done $0x0  }
0x28a: {  	s7 =	sshra.s32 @!p0 s2, $0x2;
	[sflag:s23] =	ssyncadd.s32 $0xFFFFF000  }
0x28b: {  	v0 =	vld @!p0 [tilespmem:s7+$0x0];
	_ =	sdelay $0x4  }
0x28c: {  	[tilespmem:$0x17500] =	vst @!p0 v0  }
0x28d: {  	v0 =	vld @!p0 [tilespmem:s7+$0x10];
	_ =	sdelay $0x4  }
0x28e: {  	s13 =	simm.s32 @!p0 $0xF400;
	s12 =	simm.s32 @!p0 $0x17500;
	s7 =	simm.s32 @!p0 $0x20;
	[tilespmem:$0x17510] =	vst @!p0 v0  }
0x28f: {  	[tilespmem:s13], [sflag:$0x3] =	stream.indirect.gather @!p0 [hbm4b:s8+s7], $0x80, s12, s7, $0xb8;
	[tilespmem:$0x1C680] =	vst v63  }
0x290: {  	s2 =	sadd.s32 @!p0 s4, s2;
	s7 =	simm.s32 @!p0 $0x0;
	s12 =	simm.s32 @!p0 $0x19680  }
0x291: {  	[tilespmem:s12], [sflag:$0x8] =	stream.linear.gather @!p0 [hbm4b:s2+s7], $0x1000, $0x38;
	[tilespmem:$0x1C680] =	vst v63  }
0x292: {  	s2 =	simm.s32 @p1 $0xE  }
0x293: {  	_ =	swait.ge @p1 [sflag:s2], $0x1000  }
0x294: {  	[sflag:s2] =	ssyncset.done @p1 $0x0  }
0x295: {  	s24 =	simm.s32 $0x10500;
	[sflag:s2] =	ssyncadd.s32 @p1 $0xFFFFF000  }
0x296: {  	v0 =	vld [tilespmem:s24+$0x80]  }
0x297: {  	v1 =	vld [tilespmem:s24+$0xC0]  }
0x298: {  	s28 =	simm.s32 $0x1A780  }
0x299: {  	v7 =	vld [tilespmem:s28+$0x80];
	_ =	sdelay $0x1  }
0x29a: {  	v2 =	vld [tilespmem:s24+$0xFFFFFF00]  }
0x29b: {  	v3 =	vld [tilespmem:s24+$0xFFFFFF40];
	v1 =	vsub.f32 v1, v0  }
0x29c: {  	v8 =	vld [tilespmem:s24+$0xFFFFFF80]  }
0x29d: {  	v9 =	vld [tilespmem:s24+$0xFFFFFFC0];
	v1 =	vmul.f32 v1, v7  }
0x29e: {  	v4 =	vld [tilespmem:s9+$0xFFFFFFD0]  }
0x29f: {  	v10 =	vld [tilespmem:s24+$0x0];
	v0 =	vadd.f32 v1, v0  }
0x2a0: {  	v6 =	vld [tilespmem:s28+$0xFFFFFF00]  }
0x2a1: {  	v5 =	vld [tilespmem:s28+$0xFFFFFF80];
	v0 =	vmul.f32 $8.000000000e+00, v0  }
0x2a2: {  	v1 =	vld [tilespmem:s24+$0x40]  }
0x2a3: {  	v3 =	vsub.f32 v3, v2;
	v0 =	vadd.f32 v0, v4  }
0x2a4: {  	s12 =	simm.s32 $0x15500;
	v4 =	vld [tilespmem:s28+$0x0]  }
0x2a5: {  	v11 =	vld [tilespmem:s9+$0xFFFFFE50];
	v9 =	vsub.f32 v9, v8;
	[tilespmem:s12+$0x80] =	vst v0;
	v0 =	vmul.f32 v3, v6  }
0x2a6: {  	v3 =	vld [tilespmem:s24+$0x90]  }
0x2a7: {  	v9 =	vmul.f32 v9, v5;
	v1 =	vsub.f32 v1, v10;
	v12 =	vld [tilespmem:s24+$0xD0];
	v0 =	vadd.f32 v0, v2  }
0x2a8: {  	v2 =	vld [tilespmem:s9+$0xFFFFFED0]  }
0x2a9: {  	v8 =	vadd.f32 v9, v8;
	v1 =	vmul.f32 v1, v4;
	v0 =	vmul.f32 $8.000000000e+00, v0  }
0x2aa: {  	v9 =	vld [tilespmem:s9+$0xFFFFFF50]  }
0x2ab: {  	v8 =	vmul.f32 $8.000000000e+00, v8;
	v1 =	vadd.f32 v1, v10;
	v0 =	vadd.f32 v0, v11  }
0x2ac: {  	v10 =	vsub.f32 v12, v3  }
0x2ad: {  	v1 =	vmul.f32 $8.000000000e+00, v1;
	v2 =	vadd.f32 v8, v2;
	[tilespmem:s12+$0xFFFFFF00] =	vst v0;
	v0 =	vld [tilespmem:s9+$0xFFFFFFE0]  }
0x2ae: {  	v8 =	vmul.f32 v10, v7;
	v10 =	vld [tilespmem:s24+$0xFFFFFF10]  }
0x2af: {  	v1 =	vadd.f32 v1, v9;
	[tilespmem:s12+$0xFFFFFF80] =	vst v2;
	v2 =	vld [tilespmem:s24+$0xFFFFFF50]  }
0x2b0: {  	v9 =	vld [tilespmem:s24+$0xFFFFFF90];
	v3 =	vadd.f32 v8, v3  }
0x2b1: {  	[tilespmem:s12+$0x0] =	vst v1;
	v1 =	vld [tilespmem:s24+$0xFFFFFFD0]  }
0x2b2: {  	v3 =	vmul.f32 $8.000000000e+00, v3;
	v8 =	vld [tilespmem:s24+$0x10]  }
0x2b3: {  	v11 =	vld [tilespmem:s24+$0x50]  }
0x2b4: {  	v0 =	vadd.f32 v3, v0  }
0x2b5: {  	v2 =	vsub.f32 v2, v10  }
0x2b6: {  	v3 =	vld [tilespmem:s9+$0xFFFFFE60];
	[tilespmem:s12+$0x90] =	vst v0;
	v0 =	vsub.f32 v1, v9  }
0x2b7: {  	v1 =	vmul.f32 v2, v6;
	v2 =	vld [tilespmem:s24+$0xA0]  }
0x2b8: {  	v12 =	vld [tilespmem:s24+$0xE0];
	v11 =	vsub.f32 v11, v8;
	v0 =	vmul.f32 v0, v5  }
0x2b9: {  	v1 =	vadd.f32 v1, v10  }
0x2ba: {  	v10 =	vld [tilespmem:s9+$0xFFFFFEE0];
	v0 =	vadd.f32 v0, v9;
	v9 =	vmul.f32 v11, v4  }
0x2bb: {  	v1 =	vmul.f32 $8.000000000e+00, v1  }
0x2bc: {  	v11 =	vld [tilespmem:s9+$0xFFFFFF60];
	v8 =	vadd.f32 v9, v8  }
0x2bd: {  	s15 =	simm.s32 $0x10700;
	v0 =	vmul.f32 $8.000000000e+00, v0;
	v1 =	vadd.f32 v1, v3;
	v3 =	vsub.f32 v12, v2  }
0x2be: {  	v16 =	vld [tilespmem:s15+$0xFFFFFF00]  }
0x2bf: {  	v17 =	vld [tilespmem:s15+$0xFFFFFF80];
	v0 =	vadd.f32 v0, v10;
	v8 =	vmul.f32 $8.000000000e+00, v8;
	v3 =	vmul.f32 v3, v7  }
0x2c0: {  	s13 =	sadd.s32 $0x200, s9;
	[tilespmem:s12+$0xFFFFFF10] =	vst v1;
	v1 =	vld [tilespmem:s9+$0xFFFFFFF0]  }
0x2c1: {  	v18 =	vld [tilespmem:s13+$0xFFFFFFD0];
	[tilespmem:s12+$0xFFFFFF90] =	vst v0;
	v0 =	vadd.f32 v8, v11;
	v2 =	vadd.f32 v3, v2  }
0x2c2: {  	v19 =	vld [tilespmem:s15+$0xFFFFFF40]  }
0x2c3: {  	v20 =	vld [tilespmem:s15+$0x0];
	[tilespmem:s12+$0x10] =	vst v0;
	v0 =	vmul.f32 $8.000000000e+00, v2  }
0x2c4: {  	v3 =	vld [tilespmem:s15+$0x80]  }
0x2c5: {  	v0 =	vadd.f32 v0, v1;
	v1 =	vld [tilespmem:s15+$0xC0]  }
0x2c6: {  	s16 =	simm.s32 $0x1A980;
	v22 =	vld [tilespmem:s15+$0x40]  }
0x2c7: {  	v2 =	vld [tilespmem:s16+$0x80]  }
0x2c8: {  	v46 =	vld [tilespmem:s13+$0xFFFFFED0]  }
0x2c9: {  	v24 =	vld [tilespmem:s13+$0xFFFFFE50]  }
0x2ca: {  	v48 =	vld [tilespmem:s13+$0xFFFFFF50];
	[tilespmem:s12+$0xA0] =	vst v0;
	v0 =	vsub.f32 v1, v3  }
0x2cb: {  	v9 =	vld [tilespmem:s24+$0xFFFFFF20]  }
0x2cc: {  	v49 =	vld [tilespmem:s9+$0xFFFFFE70];
	v0 =	vmul.f32 v0, v2  }
0x2cd: {  	v8 =	vld [tilespmem:s24+$0xFFFFFF60]  }
0x2ce: {  	v1 =	vld [tilespmem:s15+$0xFFFFFFC0];
	v3 =	vadd.f32 v0, v3  }
0x2cf: {  	v10 =	vld [tilespmem:s24+$0xFFFFFFA0]  }
0x2d0: {  	v0 =	vld [tilespmem:s16+$0xFFFFFF80];
	v21 =	vmul.f32 $8.000000000e+00, v3  }
0x2d1: {  	v3 =	vld [tilespmem:s16+$0xFFFFFF00]  }
0x2d2: {  	v11 =	vld [tilespmem:s24+$0xFFFFFFE0];
	v8 =	vsub.f32 v8, v9;
	v18 =	vadd.f32 v21, v18  }
0x2d3: {  	s19 =	simm.s32 $0x15700;
	v50 =	vld [tilespmem:s9+$0xFFFFFEF0];
	v23 =	vsub.f32 v1, v17  }
0x2d4: {  	v19 =	vsub.f32 v19, v16;
	v8 =	vmul.f32 v8, v6;
	v1 =	vld [tilespmem:s16+$0x0];
	[tilespmem:s19+$0x80] =	vst v18  }
0x2d5: {  	v23 =	vmul.f32 v23, v0;
	v18 =	vld [tilespmem:s15+$0x90]  }
0x2d6: {  	v8 =	vadd.f32 v8, v9;
	v19 =	vmul.f32 v19, v3;
	v47 =	vld [tilespmem:s15+$0xD0]  }
0x2d7: {  	v12 =	vld [tilespmem:s24+$0x20];
	v17 =	vadd.f32 v23, v17  }
0x2d8: {  	v22 =	vsub.f32 v22, v20;
	v13 =	vld [tilespmem:s24+$0x60];
	v8 =	vmul.f32 $8.000000000e+00, v8;
	v16 =	vadd.f32 v19, v16  }
0x2d9: {  	v51 =	vld [tilespmem:s9+$0xFFFFFF70];
	v11 =	vsub.f32 v11, v10;
	v17 =	vmul.f32 $8.000000000e+00, v17  }
0x2da: {  	v14 =	vld [tilespmem:s24+$0xB0];
	v8 =	vadd.f32 v8, v49;
	v22 =	vmul.f32 v22, v1;
	v16 =	vmul.f32 $8.000000000e+00, v16  }
0x2db: {  	v15 =	vld [tilespmem:s24+$0xF0];
	v17 =	vadd.f32 v17, v46;
	v23 =	vsub.f32 v47, v18  }
0x2dc: {  	v25 =	vld [tilespmem:s9+$0x0];
	v9 =	vmul.f32 v11, v5;
	[tilespmem:s12+$0xFFFFFF20] =	vst v8;
	v20 =	vadd.f32 v22, v20;
	v16 =	vadd.f32 v16, v24  }
0x2dd: {  	v60 =	vld [tilespmem:s24+$0xFFFFFF30];
	[tilespmem:s19+$0xFFFFFF80] =	vst v17;
	v23 =	vmul.f32 v23, v2  }
0x2de: {  	v9 =	vadd.f32 v9, v10;
	v17 =	vmul.f32 $8.000000000e+00, v20;
	[tilespmem:s19+$0xFFFFFF00] =	vst v16;
	v16 =	vld [tilespmem:s13+$0xFFFFFFE0]  }
0x2df: {  	v53 =	vld [tilespmem:s15+$0xFFFFFF10];
	v18 =	vadd.f32 v23, v18  }
0x2e0: {  	v9 =	vmul.f32 $8.000000000e+00, v9;
	v17 =	vadd.f32 v17, v48;
	v54 =	vld [tilespmem:s15+$0xFFFFFF50]  }
0x2e1: {  	v52 =	vld [tilespmem:s15+$0xFFFFFF90];
	v18 =	vmul.f32 $8.000000000e+00, v18  }
0x2e2: {  	v11 =	vsub.f32 v13, v12;
	v9 =	vadd.f32 v9, v50;
	[tilespmem:s19+$0x0] =	vst v17;
	v17 =	vld [tilespmem:s15+$0xFFFFFFD0]  }
0x2e3: {  	v13 =	vld [tilespmem:s15+$0x10];
	v16 =	vadd.f32 v18, v16  }
0x2e4: {  	v10 =	vmul.f32 v11, v4;
	[tilespmem:s12+$0xFFFFFFA0] =	vst v9;
	v55 =	vld [tilespmem:s15+$0x50]  }
0x2e5: {  	v9 =	vld [tilespmem:s24+$0xFFFFFF70];
	v23 =	vsub.f32 v54, v53;
	[tilespmem:s19+$0x90] =	vst v16  }
0x2e6: {  	v10 =	vadd.f32 v10, v12;
	v12 =	vld [tilespmem:s15+$0xA0]  }
0x2e7: {  	v17 =	vsub.f32 v17, v52;
	v56 =	vmul.f32 v23, v3;
	v57 =	vld [tilespmem:s15+$0xE0]  }
0x2e8: {  	v15 =	vsub.f32 v15, v14;
	v10 =	vmul.f32 $8.000000000e+00, v10;
	v11 =	vld [tilespmem:s13+$0xFFFFFE60]  }
0x2e9: {  	v61 =	vld [tilespmem:s24+$0xFFFFFFB0];
	v8 =	vmul.f32 v17, v0;
	v17 =	vsub.f32 v55, v13;
	v59 =	vadd.f32 v56, v53  }
0x2ea: {  	v7 =	vmul.f32 v15, v7;
	v10 =	vadd.f32 v10, v51;
	v16 =	vld [tilespmem:s13+$0xFFFFFEE0]  }
0x2eb: {  	v15 =	vld [tilespmem:s24+$0xFFFFFFF0];
	v8 =	vadd.f32 v8, v52;
	v17 =	vmul.f32 v17, v1;
	v18 =	vmul.f32 $8.000000000e+00, v59  }
0x2ec: {  	v7 =	vadd.f32 v7, v14;
	[tilespmem:s12+$0x20] =	vst v10;
	v58 =	vld [tilespmem:s13+$0xFFFFFF60];
	v10 =	vsub.f32 v57, v12  }
0x2ed: {  	v14 =	vld [tilespmem:s24+$0x70];
	v13 =	vadd.f32 v17, v13;
	v17 =	vmul.f32 $8.000000000e+00, v8;
	v11 =	vadd.f32 v18, v11  }
0x2ee: {  	v8 =	vld [tilespmem:s24+$0x30];
	v10 =	vmul.f32 v10, v2  }
0x2ef: {  	v16 =	vadd.f32 v17, v16;
	v13 =	vmul.f32 $8.000000000e+00, v13;
	v17 =	vsub.f32 v9, v60;
	[tilespmem:s19+$0xFFFFFF10] =	vst v11;
	v11 =	vld [tilespmem:s13+$0xFFFFFFF0]  }
0x2f0: {  	v7 =	vmul.f32 $8.000000000e+00, v7;
	v10 =	vadd.f32 v10, v12;
	v9 =	vld [tilespmem:s15+$0xFFFFFF20]  }
0x2f1: {  	v15 =	vsub.f32 v15, v61;
	[tilespmem:s19+$0xFFFFFF90] =	vst v16;
	v13 =	vadd.f32 v13, v58;
	v12 =	vld [tilespmem:s15+$0xFFFFFF60];
	v6 =	vmul.f32 v17, v6  }
0x2f2: {  	v16 =	vadd.f32 v7, v25;
	v7 =	vld [tilespmem:s15+$0xFFFFFFA0];
	v10 =	vmul.f32 $8.000000000e+00, v10  }
0x2f3: {  	v62 =	vmul.f32 v15, v5;
	v63 =	vsub.f32 v14, v8;
	[tilespmem:s19+$0x10] =	vst v13;
	v13 =	vld [tilespmem:s15+$0xFFFFFFE0];
	v17 =	vadd.f32 v6, v60  }
0x2f4: {  	s20 =	sadd.s32 $0x60, s21;
	s21 =	simm.s32 $0x15700;
	v6 =	vld [tilespmem:s15+$0x20];
	v15 =	vadd.f32 v10, v11  }
0x2f5: {  	s23 =	simm.s32 $0x4;
	s7 =	smov.u32 s13;
	s2 =	simm.s32 $0x10900;
	[tilespmem:s12+$0xB0] =	vst v16;
	v14 =	vld [tilespmem:s15+$0x60];
	v5 =	vmul.f32 $8.000000000e+00, v17;
	v10 =	vadd.f32 v62, v61;
	v11 =	vmul.f32 v63, v4  }
.LBB2_9:
0x2f6: {  	v4 =	vld [tilespmem:s2+$0x80];
	v12 =	vsub.f32 v12, v9;
	[tilespmem:s19+$0xA0] =	vst v15  }
0x2f7: {  	v15 =	vld [tilespmem:s15+$0xB0];
	v10 =	vmul.f32 $8.000000000e+00, v10;
	v8 =	vadd.f32 v11, v8  }
0x2f8: {  	v11 =	vmul.f32 v12, v3;
	v12 =	vsub.f32 v13, v7;
	v13 =	vld [tilespmem:s15+$0xF0]  }
0x2f9: {  	v16 =	vld [tilespmem:s2+$0xC0];
	v8 =	vmul.f32 $8.000000000e+00, v8  }
0x2fa: {  	s16 =	sadd.s32 $0x200, s16;
	v17 =	vld [tilespmem:s2+$0xFFFFFF00];
	v9 =	vadd.f32 v11, v9;
	v11 =	vmul.f32 v12, v0;
	v12 =	vsub.f32 v14, v6  }
0x2fb: {  	v14 =	vld [tilespmem:s16+$0x80]  }
0x2fc: {  	s23 =	sadd.s32 $0x4, s23;
	v18 =	vld [tilespmem:s2+$0xFFFFFF40];
	v9 =	vmul.f32 $8.000000000e+00, v9;
	v7 =	vadd.f32 v11, v7;
	v11 =	vmul.f32 v12, v1  }
0x2fd: {  	p2 =	slt.u32 s23, $0x1C;
	v12 =	vld [tilespmem:s2+$0xFFFFFF80];
	v13 =	vsub.f32 v13, v15  }
0x2fe: {  	v19 =	vld [tilespmem:s2+$0xFFFFFFC0];
	v16 =	vsub.f32 v16, v4;
	v20 =	vmul.f32 $8.000000000e+00, v7;
	v6 =	vadd.f32 v11, v6  }
0x2ff: {  	v11 =	vld [tilespmem:s2+$0x0];
	v7 =	vmul.f32 v13, v2  }
0x300: {  	s7 =	sadd.s32 $0x200, s7;
	v13 =	vmul.f32 v16, v14;
	v16 =	vmul.f32 $8.000000000e+00, v6;
	v21 =	vld [tilespmem:s13+$0x0];
	v2 =	vmov v14  }
0x301: {  	v14 =	vsub.f32 v18, v17;
	v18 =	vld [tilespmem:s7+$0xFFFFFFD0];
	v7 =	vadd.f32 v7, v15  }
0x302: {  	v15 =	vld [tilespmem:s2+$0x40];
	v13 =	vadd.f32 v13, v4  }
0x303: {  	v6 =	vld [tilespmem:s16+$0xFFFFFF80];
	v19 =	vsub.f32 v19, v12;
	v22 =	vmul.f32 $8.000000000e+00, v7  }
0x304: {  	v4 =	vld [tilespmem:s16+$0x0];
	v13 =	vmul.f32 $8.000000000e+00, v13  }
0x305: {  	v7 =	vld [tilespmem:s16+$0xFFFFFF00];
	v21 =	vadd.f32 v22, v21  }
0x306: {  	v22 =	vld [tilespmem:s7+$0xFFFFFE50];
	v13 =	vadd.f32 v13, v18  }
0x307: {  	s19 =	sadd.s32 $0x200, s19;
	v18 =	vld [tilespmem:s7+$0xFFFFFED0];
	v15 =	vsub.f32 v15, v11;
	[tilespmem:s21+$0xB0] =	vst v21  }
0x308: {  	v19 =	vmul.f32 v19, v6;
	v21 =	vld [tilespmem:s7+$0xFFFFFF50];
	[tilespmem:s19+$0x80] =	vst v13  }
0x309: {  	v13 =	vmul.f32 v15, v4;
	v15 =	vld [tilespmem:s2+$0x90]  }
0x30a: {  	v14 =	vmul.f32 v14, v7;
	v12 =	vadd.f32 v19, v12;
	v19 =	vld [tilespmem:s2+$0xD0]  }
0x30b: {  	v11 =	vadd.f32 v13, v11;
	v13 =	vld [tilespmem:s13+$0xFFFFFE70]  }
0x30c: {  	v14 =	vadd.f32 v14, v17;
	v12 =	vmul.f32 $8.000000000e+00, v12;
	v17 =	vld [tilespmem:s13+$0xFFFFFEF0]  }
0x30d: {  	v11 =	vmul.f32 $8.000000000e+00, v11;
	v23 =	vld [tilespmem:s13+$0xFFFFFF70]  }
0x30e: {  	v14 =	vmul.f32 $8.000000000e+00, v14;
	v12 =	vadd.f32 v12, v18;
	v18 =	vld [tilespmem:s9+$0xFFFFFE80]  }
0x30f: {  	v11 =	vadd.f32 v11, v21;
	v19 =	vsub.f32 v19, v15;
	v21 =	vld [tilespmem:s9+$0xFFFFFF00]  }
0x310: {  	v14 =	vadd.f32 v14, v22;
	[tilespmem:s19+$0xFFFFFF80] =	vst v12;
	v9 =	vadd.f32 v9, v13;
	v12 =	vld [tilespmem:s9+$0xFFFFFF80];
	s9 =	smov.u32 s13;
	s13 =	smov.u32 s7  }
0x311: {  	v13 =	vld [tilespmem:s2+$0xFFFFFF90];
	[tilespmem:s19+$0x0] =	vst v11;
	v11 =	vmul.f32 v19, v2;
	v17 =	vadd.f32 v20, v17  }
0x312: {  	[tilespmem:s19+$0xFFFFFF00] =	vst v14;
	v14 =	vld [tilespmem:s7+$0xFFFFFFE0];
	v16 =	vadd.f32 v16, v23  }
0x313: {  	v19 =	vld [tilespmem:s2+$0xFFFFFF10];
	v11 =	vadd.f32 v11, v15;
	[tilespmem:s21+$0xFFFFFF20] =	vst v9;
	v5 =	vadd.f32 v5, v18  }
0x314: {  	v9 =	vld [tilespmem:s2+$0xFFFFFF50];
	[tilespmem:s21+$0xFFFFFFA0] =	vst v17;
	v10 =	vadd.f32 v10, v21  }
0x315: {  	v15 =	vld [tilespmem:s2+$0xFFFFFFD0];
	v11 =	vmul.f32 $8.000000000e+00, v11;
	[tilespmem:s21+$0x20] =	vst v16;
	v8 =	vadd.f32 v8, v12  }
0x316: {  	v12 =	vld [tilespmem:s2+$0x10];
	[tilespmem:s12+$0xFFFFFF30] =	vst v5  }
0x317: {  	v5 =	vld [tilespmem:s2+$0x50];
	v11 =	vadd.f32 v11, v14;
	[tilespmem:s12+$0xFFFFFFB0] =	vst v10  }
0x318: {  	v10 =	vld [tilespmem:s7+$0xFFFFFE60];
	[tilespmem:s12+$0x30] =	vst v8;
	s12 =	smov.u32 s21;
	s21 =	smov.u32 s19  }
0x319: {  	v8 =	vsub.f32 v9, v19;
	v9 =	vld [tilespmem:s7+$0xFFFFFEE0];
	[tilespmem:s19+$0x90] =	vst v11  }
0x31a: {  	v11 =	vsub.f32 v15, v13;
	v14 =	vld [tilespmem:s2+$0xA0]  }
0x31b: {  	v8 =	vmul.f32 v8, v7;
	v15 =	vld [tilespmem:s2+$0xE0]  }
0x31c: {  	v11 =	vmul.f32 v11, v6;
	v5 =	vsub.f32 v5, v12;
	v16 =	vld [tilespmem:s7+$0xFFFFFF60]  }
0x31d: {  	v8 =	vadd.f32 v8, v19;
	v17 =	vld [tilespmem:s15+$0xFFFFFF30]  }
0x31e: {  	v11 =	vadd.f32 v11, v13;
	v5 =	vmul.f32 v5, v4;
	v13 =	vld [tilespmem:s15+$0xFFFFFF70]  }
0x31f: {  	v8 =	vmul.f32 $8.000000000e+00, v8;
	v18 =	vld [tilespmem:s15+$0xFFFFFFB0]  }
0x320: {  	v11 =	vmul.f32 $8.000000000e+00, v11;
	v5 =	vadd.f32 v5, v12;
	v12 =	vsub.f32 v15, v14;
	v15 =	vld [tilespmem:s15+$0xFFFFFFF0]  }
0x321: {  	v10 =	vadd.f32 v8, v10;
	v8 =	vld [tilespmem:s15+$0x30]  }
0x322: {  	v11 =	vadd.f32 v11, v9;
	v5 =	vmul.f32 $8.000000000e+00, v5;
	v12 =	vmul.f32 v12, v2;
	v19 =	vld [tilespmem:s15+$0x70];
	s15 =	smov.u32 s2  }
0x323: {  	[tilespmem:s19+$0xFFFFFF10] =	vst v10;
	v10 =	vld [tilespmem:s7+$0xFFFFFFF0];
	v13 =	vsub.f32 v13, v17  }
0x324: {  	v9 =	vld [tilespmem:s2+$0xFFFFFF20];
	[tilespmem:s19+$0xFFFFFF90] =	vst v11;
	v5 =	vadd.f32 v5, v16;
	v11 =	vadd.f32 v12, v14  }
.Ltmp3:
0x325: {  	v12 =	vld [tilespmem:s2+$0xFFFFFF60];
	v14 =	vmul.f32 v13, v3;
	v15 =	vsub.f32 v15, v18;
	v3 =	vmov v7;
	(pc) =	sbr.rel @p2 .LBB2_9-.Ltmp3, $4  }
0x326: {  	v7 =	vld [tilespmem:s2+$0xFFFFFFA0];
	[tilespmem:s19+$0x10] =	vst v5;
	v5 =	vmul.f32 $8.000000000e+00, v11  }
0x327: {  	v13 =	vld [tilespmem:s2+$0xFFFFFFE0];
	v11 =	vadd.f32 v14, v17;
	v16 =	vmul.f32 v15, v0;
	v17 =	vsub.f32 v19, v8;
	v0 =	vmovc v6  }
0x328: {  	v6 =	vld [tilespmem:s2+$0x20];
	v15 =	vadd.f32 v5, v10  }
0x329: {  	s2 =	sadd.s32 $0x200, s2;
	v14 =	vld [tilespmem:s15+$0x60];
	v5 =	vmul.f32 $8.000000000e+00, v11;
	v10 =	vadd.f32 v16, v18;
	v11 =	vmul.f32 v17, v1;
	v1 =	vmovc v4  }
0x32a: {  	v4 =	vsub.f32 v12, v9;
	_ =	sdelay $0x1  }
0x32b: {  	v4 =	vmul.f32 v4, v3;
	v12 =	vsub.f32 v13, v7  }
0x32c: {  	v13 =	vld [tilespmem:s13+$0xFFFFFE70]  }
0x32d: {  	v4 =	vadd.f32 v4, v9;
	v9 =	vmul.f32 v12, v0;
	v12 =	vsub.f32 v14, v6  }
0x32e: {  	v14 =	vld [tilespmem:s13+$0xFFFFFEF0]  }
0x32f: {  	v4 =	vmul.f32 $8.000000000e+00, v4;
	v7 =	vadd.f32 v9, v7;
	v9 =	vmul.f32 v12, v1  }
0x330: {  	[tilespmem:s19+$0xA0] =	vst v15;
	v12 =	vld [tilespmem:s13+$0xFFFFFF70]  }
0x331: {  	v15 =	vld [tilespmem:s15+$0xB0];
	v7 =	vmul.f32 $8.000000000e+00, v7;
	v6 =	vadd.f32 v9, v6;
	v4 =	vadd.f32 v4, v13  }
0x332: {  	v9 =	vld [tilespmem:s15+$0xF0]  }
0x333: {  	v6 =	vmul.f32 $8.000000000e+00, v6;
	v7 =	vadd.f32 v7, v14;
	[tilespmem:s21+$0xFFFFFF20] =	vst v4  }
0x334: {  	v4 =	vld [tilespmem:s15+$0xFFFFFF30]  }
0x335: {  	v6 =	vadd.f32 v6, v12;
	[tilespmem:s21+$0xFFFFFFA0] =	vst v7;
	v7 =	vld [tilespmem:s15+$0xFFFFFF70]  }
0x336: {  	v12 =	vld [tilespmem:s15+$0xFFFFFFB0]  }
0x337: {  	v9 =	vsub.f32 v9, v15;
	[tilespmem:s21+$0x20] =	vst v6;
	v6 =	vld [tilespmem:s15+$0xFFFFFFF0]  }
0x338: {  	v13 =	vld [tilespmem:s15+$0x30]  }
0x339: {  	v2 =	vmul.f32 v9, v2;
	v9 =	vld [tilespmem:s15+$0x70];
	_ =	sdelay $0x1  }
0x33a: {  	v14 =	vld [tilespmem:s13+$0x0]  }
0x33b: {  	v2 =	vadd.f32 v2, v15;
	v15 =	vld [tilespmem:s9+$0xFFFFFE80];
	v7 =	vsub.f32 v7, v4  }
0x33c: {  	v16 =	vld [tilespmem:s9+$0xFFFFFF00];
	v6 =	vsub.f32 v6, v12  }
0x33d: {  	v2 =	vmul.f32 $8.000000000e+00, v2;
	v3 =	vmul.f32 v7, v3;
	v7 =	vld [tilespmem:s9+$0xFFFFFF80];
	v9 =	vsub.f32 v9, v13  }
0x33e: {  	v8 =	vadd.f32 v11, v8;
	v10 =	vmul.f32 $8.000000000e+00, v10;
	v0 =	vmul.f32 v6, v0;
	v6 =	vld [tilespmem:s13+$0xFFFFFE80]  }
0x33f: {  	v2 =	vadd.f32 v2, v14;
	v3 =	vadd.f32 v3, v4;
	v4 =	vld [tilespmem:s13+$0xFFFFFF00];
	v1 =	vmul.f32 v9, v1  }
0x340: {  	v8 =	vmul.f32 $8.000000000e+00, v8;
	v5 =	vadd.f32 v5, v15;
	v9 =	vld [tilespmem:s13+$0xFFFFFF80];
	v0 =	vadd.f32 v0, v12  }
0x341: {  	[tilespmem:s21+$0xB0] =	vst v2;
	v2 =	vadd.f32 v10, v16;
	v3 =	vmul.f32 $8.000000000e+00, v3;
	v1 =	vadd.f32 v1, v13  }
0x342: {  	v7 =	vadd.f32 v8, v7;
	[tilespmem:s12+$0xFFFFFF30] =	vst v5;
	v0 =	vmul.f32 $8.000000000e+00, v0  }
0x343: {  	[tilespmem:s12+$0xFFFFFFB0] =	vst v2;
	v1 =	vmul.f32 $8.000000000e+00, v1;
	v2 =	vadd.f32 v3, v6  }
0x344: {  	[tilespmem:s12+$0x30] =	vst v7;
	v0 =	vadd.f32 v0, v4  }
0x345: {  	s2 =	sadd.s32 s6, s20;
	v1 =	vadd.f32 v1, v9;
	[tilespmem:s21+$0xFFFFFF30] =	vst v2  }
0x346: {  	s2 =	sshll.u32 s2, $0x4;
	[tilespmem:s21+$0xFFFFFFB0] =	vst v0  }
0x347: {  	s3 =	simm.s32 $0x15400;
	s20 =	simm.s32 $0x5;
	s2 =	sadd.s32 s5, s2;
	[tilespmem:s21+$0x30] =	vst v1  }
0x348: {  	[hbm4b:s2+s29] =	stream.linear.scatter [tilespmem:s3], [sflag:$0xE], $0x1000, $0x38;
	[tilespmem:$0x1C680] =	vst v63  }
0x349: {  	_ =	swait.ge [sflag:s20], $0x1000  }
0x34a: {  	[sflag:s20] =	ssyncset.done $0x0  }
0x34b: {  	s21 =	simm.s32 $0xA;
	[sflag:s20] =	ssyncadd.s32 $0xFFFFF000  }
0x34c: {  	_ =	swait.ge [sflag:s21], $0x1000  }
0x34d: {  	s2 =	sadd.s32 @!p0 $0x1000, s17;
	[sflag:s21] =	ssyncset.done $0x0  }
0x34e: {  	s7 =	sshra.s32 @!p0 s2, $0x2;
	[sflag:s21] =	ssyncadd.s32 $0xFFFFF000  }
0x34f: {  	v0 =	vld @!p0 [tilespmem:s7+$0x0];
	_ =	sdelay $0x4  }
0x350: {  	[tilespmem:$0x17580] =	vst @!p0 v0  }
0x351: {  	v0 =	vld @!p0 [tilespmem:s7+$0x10];
	_ =	sdelay $0x4  }
0x352: {  	s9 =	simm.s32 @!p0 $0x17580;
	s12 =	simm.s32 @!p0 $0x10400;
	s7 =	simm.s32 @!p0 $0x20;
	[tilespmem:$0x17590] =	vst @!p0 v0  }
0x353: {  	[tilespmem:s12], [sflag:$0x4] =	stream.indirect.gather @!p0 [hbm4b:s8+s7], $0x80, s9, s7, $0xb8;
	[tilespmem:$0x1C680] =	vst v63  }
0x354: {  	s2 =	sadd.s32 @!p0 s4, s2;
	s7 =	simm.s32 @!p0 $0x0;
	s9 =	simm.s32 @!p0 $0x1A680  }
0x355: {  	[tilespmem:s9], [sflag:$0x9] =	stream.linear.gather @!p0 [hbm4b:s2+s7], $0x1000, $0x38;
	[tilespmem:$0x1C680] =	vst v63  }
0x356: {  	s2 =	simm.s32 @p1 $0xF  }
0x357: {  	_ =	swait.ge @p1 [sflag:s2], $0x1000  }
0x358: {  	[sflag:s2] =	ssyncset.done @p1 $0x0  }
0x359: {  	s23 =	simm.s32 $0x11500;
	[sflag:s2] =	ssyncadd.s32 @p1 $0xFFFFF000  }
0x35a: {  	v0 =	vld [tilespmem:s23+$0x80]  }
0x35b: {  	v1 =	vld [tilespmem:s23+$0xC0]  }
0x35c: {  	s24 =	simm.s32 $0x1B780  }
0x35d: {  	v7 =	vld [tilespmem:s24+$0x80];
	_ =	sdelay $0x1  }
0x35e: {  	v2 =	vld [tilespmem:s23+$0xFFFFFF00]  }
0x35f: {  	v3 =	vld [tilespmem:s23+$0xFFFFFF40];
	v1 =	vsub.f32 v1, v0  }
0x360: {  	v8 =	vld [tilespmem:s23+$0xFFFFFF80]  }
0x361: {  	v9 =	vld [tilespmem:s23+$0xFFFFFFC0];
	v1 =	vmul.f32 v1, v7  }
0x362: {  	v4 =	vld [tilespmem:s30+$0xFFFFFFD0]  }
0x363: {  	v10 =	vld [tilespmem:s23+$0x0];
	v0 =	vadd.f32 v1, v0  }
0x364: {  	v6 =	vld [tilespmem:s24+$0xFFFFFF00]  }
0x365: {  	v5 =	vld [tilespmem:s24+$0xFFFFFF80];
	v0 =	vmul.f32 $8.000000000e+00, v0  }
0x366: {  	v1 =	vld [tilespmem:s23+$0x40]  }
0x367: {  	v3 =	vsub.f32 v3, v2;
	v0 =	vadd.f32 v0, v4  }
0x368: {  	s9 =	simm.s32 $0x16500;
	v4 =	vld [tilespmem:s24+$0x0]  }
0x369: {  	v11 =	vld [tilespmem:s30+$0xFFFFFE50];
	v9 =	vsub.f32 v9, v8;
	[tilespmem:s9+$0x80] =	vst v0;
	v0 =	vmul.f32 v3, v6  }
0x36a: {  	v3 =	vld [tilespmem:s23+$0x90]  }
0x36b: {  	v9 =	vmul.f32 v9, v5;
	v1 =	vsub.f32 v1, v10;
	v12 =	vld [tilespmem:s23+$0xD0];
	v0 =	vadd.f32 v0, v2  }
0x36c: {  	v2 =	vld [tilespmem:s30+$0xFFFFFED0]  }
0x36d: {  	v8 =	vadd.f32 v9, v8;
	v1 =	vmul.f32 v1, v4;
	v0 =	vmul.f32 $8.000000000e+00, v0  }
0x36e: {  	v9 =	vld [tilespmem:s30+$0xFFFFFF50]  }
0x36f: {  	v8 =	vmul.f32 $8.000000000e+00, v8;
	v1 =	vadd.f32 v1, v10;
	v0 =	vadd.f32 v0, v11  }
0x370: {  	v10 =	vsub.f32 v12, v3  }
0x371: {  	v1 =	vmul.f32 $8.000000000e+00, v1;
	v2 =	vadd.f32 v8, v2;
	[tilespmem:s9+$0xFFFFFF00] =	vst v0;
	v0 =	vld [tilespmem:s30+$0xFFFFFFE0]  }
0x372: {  	v8 =	vmul.f32 v10, v7;
	v10 =	vld [tilespmem:s23+$0xFFFFFF10]  }
0x373: {  	v1 =	vadd.f32 v1, v9;
	[tilespmem:s9+$0xFFFFFF80] =	vst v2;
	v2 =	vld [tilespmem:s23+$0xFFFFFF50]  }
0x374: {  	v9 =	vld [tilespmem:s23+$0xFFFFFF90];
	v3 =	vadd.f32 v8, v3  }
0x375: {  	[tilespmem:s9+$0x0] =	vst v1;
	v1 =	vld [tilespmem:s23+$0xFFFFFFD0]  }
0x376: {  	v3 =	vmul.f32 $8.000000000e+00, v3;
	v8 =	vld [tilespmem:s23+$0x10]  }
0x377: {  	v11 =	vld [tilespmem:s23+$0x50]  }
0x378: {  	v0 =	vadd.f32 v3, v0  }
0x379: {  	v2 =	vsub.f32 v2, v10  }
0x37a: {  	v3 =	vld [tilespmem:s30+$0xFFFFFE60];
	[tilespmem:s9+$0x90] =	vst v0;
	v0 =	vsub.f32 v1, v9  }
0x37b: {  	v1 =	vmul.f32 v2, v6;
	v2 =	vld [tilespmem:s23+$0xA0]  }
0x37c: {  	v12 =	vld [tilespmem:s23+$0xE0];
	v11 =	vsub.f32 v11, v8;
	v0 =	vmul.f32 v0, v5  }
0x37d: {  	v1 =	vadd.f32 v1, v10  }
0x37e: {  	v10 =	vld [tilespmem:s30+$0xFFFFFEE0];
	v0 =	vadd.f32 v0, v9;
	v9 =	vmul.f32 v11, v4  }
0x37f: {  	v1 =	vmul.f32 $8.000000000e+00, v1  }
0x380: {  	v11 =	vld [tilespmem:s30+$0xFFFFFF60];
	v8 =	vadd.f32 v9, v8  }
0x381: {  	s13 =	simm.s32 $0x11700;
	v0 =	vmul.f32 $8.000000000e+00, v0;
	v1 =	vadd.f32 v1, v3;
	v3 =	vsub.f32 v12, v2  }
0x382: {  	v16 =	vld [tilespmem:s13+$0xFFFFFF00]  }
0x383: {  	v17 =	vld [tilespmem:s13+$0xFFFFFF80];
	v0 =	vadd.f32 v0, v10;
	v8 =	vmul.f32 $8.000000000e+00, v8;
	v3 =	vmul.f32 v3, v7  }
0x384: {  	s12 =	sadd.s32 $0x200, s30;
	[tilespmem:s9+$0xFFFFFF10] =	vst v1;
	v1 =	vld [tilespmem:s30+$0xFFFFFFF0]  }
0x385: {  	v18 =	vld [tilespmem:s12+$0xFFFFFFD0];
	[tilespmem:s9+$0xFFFFFF90] =	vst v0;
	v0 =	vadd.f32 v8, v11;
	v2 =	vadd.f32 v3, v2  }
0x386: {  	v19 =	vld [tilespmem:s13+$0xFFFFFF40]  }
0x387: {  	v20 =	vld [tilespmem:s13+$0x0];
	[tilespmem:s9+$0x10] =	vst v0;
	v0 =	vmul.f32 $8.000000000e+00, v2  }
0x388: {  	v3 =	vld [tilespmem:s13+$0x80]  }
0x389: {  	v0 =	vadd.f32 v0, v1;
	v1 =	vld [tilespmem:s13+$0xC0]  }
0x38a: {  	s15 =	simm.s32 $0x1B980;
	v22 =	vld [tilespmem:s13+$0x40]  }
0x38b: {  	v2 =	vld [tilespmem:s15+$0x80]  }
0x38c: {  	v46 =	vld [tilespmem:s12+$0xFFFFFED0]  }
0x38d: {  	v24 =	vld [tilespmem:s12+$0xFFFFFE50]  }
0x38e: {  	v48 =	vld [tilespmem:s12+$0xFFFFFF50];
	[tilespmem:s9+$0xA0] =	vst v0;
	v0 =	vsub.f32 v1, v3  }
0x38f: {  	v9 =	vld [tilespmem:s23+$0xFFFFFF20]  }
0x390: {  	v49 =	vld [tilespmem:s30+$0xFFFFFE70];
	v0 =	vmul.f32 v0, v2  }
0x391: {  	v8 =	vld [tilespmem:s23+$0xFFFFFF60]  }
0x392: {  	v1 =	vld [tilespmem:s13+$0xFFFFFFC0];
	v3 =	vadd.f32 v0, v3  }
0x393: {  	v10 =	vld [tilespmem:s23+$0xFFFFFFA0]  }
0x394: {  	v0 =	vld [tilespmem:s15+$0xFFFFFF80];
	v21 =	vmul.f32 $8.000000000e+00, v3  }
0x395: {  	v3 =	vld [tilespmem:s15+$0xFFFFFF00]  }
0x396: {  	v11 =	vld [tilespmem:s23+$0xFFFFFFE0];
	v8 =	vsub.f32 v8, v9;
	v18 =	vadd.f32 v21, v18  }
0x397: {  	s16 =	simm.s32 $0x16700;
	v50 =	vld [tilespmem:s30+$0xFFFFFEF0];
	v23 =	vsub.f32 v1, v17  }
0x398: {  	v19 =	vsub.f32 v19, v16;
	v8 =	vmul.f32 v8, v6;
	v1 =	vld [tilespmem:s15+$0x0];
	[tilespmem:s16+$0x80] =	vst v18  }
0x399: {  	v23 =	vmul.f32 v23, v0;
	v18 =	vld [tilespmem:s13+$0x90]  }
0x39a: {  	v8 =	vadd.f32 v8, v9;
	v19 =	vmul.f32 v19, v3;
	v47 =	vld [tilespmem:s13+$0xD0]  }
0x39b: {  	v12 =	vld [tilespmem:s23+$0x20];
	v17 =	vadd.f32 v23, v17  }
0x39c: {  	v22 =	vsub.f32 v22, v20;
	v13 =	vld [tilespmem:s23+$0x60];
	v8 =	vmul.f32 $8.000000000e+00, v8;
	v16 =	vadd.f32 v19, v16  }
0x39d: {  	v51 =	vld [tilespmem:s30+$0xFFFFFF70];
	v11 =	vsub.f32 v11, v10;
	v17 =	vmul.f32 $8.000000000e+00, v17  }
0x39e: {  	v14 =	vld [tilespmem:s23+$0xB0];
	v8 =	vadd.f32 v8, v49;
	v22 =	vmul.f32 v22, v1;
	v16 =	vmul.f32 $8.000000000e+00, v16  }
0x39f: {  	v15 =	vld [tilespmem:s23+$0xF0];
	v17 =	vadd.f32 v17, v46;
	v23 =	vsub.f32 v47, v18  }
0x3a0: {  	v25 =	vld [tilespmem:s30+$0x0];
	v9 =	vmul.f32 v11, v5;
	[tilespmem:s9+$0xFFFFFF20] =	vst v8;
	v20 =	vadd.f32 v22, v20;
	v16 =	vadd.f32 v16, v24  }
0x3a1: {  	v60 =	vld [tilespmem:s23+$0xFFFFFF30];
	[tilespmem:s16+$0xFFFFFF80] =	vst v17;
	v23 =	vmul.f32 v23, v2  }
0x3a2: {  	v9 =	vadd.f32 v9, v10;
	v17 =	vmul.f32 $8.000000000e+00, v20;
	[tilespmem:s16+$0xFFFFFF00] =	vst v16;
	v16 =	vld [tilespmem:s12+$0xFFFFFFE0]  }
0x3a3: {  	v53 =	vld [tilespmem:s13+$0xFFFFFF10];
	v18 =	vadd.f32 v23, v18  }
0x3a4: {  	v9 =	vmul.f32 $8.000000000e+00, v9;
	v17 =	vadd.f32 v17, v48;
	v54 =	vld [tilespmem:s13+$0xFFFFFF50]  }
0x3a5: {  	v52 =	vld [tilespmem:s13+$0xFFFFFF90];
	v18 =	vmul.f32 $8.000000000e+00, v18  }
0x3a6: {  	v11 =	vsub.f32 v13, v12;
	v9 =	vadd.f32 v9, v50;
	[tilespmem:s16+$0x0] =	vst v17;
	v17 =	vld [tilespmem:s13+$0xFFFFFFD0]  }
0x3a7: {  	v13 =	vld [tilespmem:s13+$0x10];
	v16 =	vadd.f32 v18, v16  }
0x3a8: {  	v10 =	vmul.f32 v11, v4;
	[tilespmem:s9+$0xFFFFFFA0] =	vst v9;
	v55 =	vld [tilespmem:s13+$0x50]  }
0x3a9: {  	v9 =	vld [tilespmem:s23+$0xFFFFFF70];
	v23 =	vsub.f32 v54, v53;
	[tilespmem:s16+$0x90] =	vst v16  }
0x3aa: {  	v10 =	vadd.f32 v10, v12;
	v12 =	vld [tilespmem:s13+$0xA0]  }
0x3ab: {  	v17 =	vsub.f32 v17, v52;
	v56 =	vmul.f32 v23, v3;
	v57 =	vld [tilespmem:s13+$0xE0]  }
0x3ac: {  	v15 =	vsub.f32 v15, v14;
	v10 =	vmul.f32 $8.000000000e+00, v10;
	v11 =	vld [tilespmem:s12+$0xFFFFFE60]  }
0x3ad: {  	v61 =	vld [tilespmem:s23+$0xFFFFFFB0];
	v8 =	vmul.f32 v17, v0;
	v17 =	vsub.f32 v55, v13;
	v59 =	vadd.f32 v56, v53  }
0x3ae: {  	v7 =	vmul.f32 v15, v7;
	v10 =	vadd.f32 v10, v51;
	v16 =	vld [tilespmem:s12+$0xFFFFFEE0]  }
0x3af: {  	v15 =	vld [tilespmem:s23+$0xFFFFFFF0];
	v8 =	vadd.f32 v8, v52;
	v17 =	vmul.f32 v17, v1;
	v18 =	vmul.f32 $8.000000000e+00, v59  }
0x3b0: {  	v7 =	vadd.f32 v7, v14;
	[tilespmem:s9+$0x20] =	vst v10;
	v58 =	vld [tilespmem:s12+$0xFFFFFF60];
	v10 =	vsub.f32 v57, v12  }
0x3b1: {  	v14 =	vld [tilespmem:s23+$0x70];
	v13 =	vadd.f32 v17, v13;
	v17 =	vmul.f32 $8.000000000e+00, v8;
	v11 =	vadd.f32 v18, v11  }
0x3b2: {  	v8 =	vld [tilespmem:s23+$0x30];
	v10 =	vmul.f32 v10, v2  }
0x3b3: {  	v16 =	vadd.f32 v17, v16;
	v13 =	vmul.f32 $8.000000000e+00, v13;
	v17 =	vsub.f32 v9, v60;
	[tilespmem:s16+$0xFFFFFF10] =	vst v11;
	v11 =	vld [tilespmem:s12+$0xFFFFFFF0]  }
0x3b4: {  	v7 =	vmul.f32 $8.000000000e+00, v7;
	v10 =	vadd.f32 v10, v12;
	v9 =	vld [tilespmem:s13+$0xFFFFFF20]  }
0x3b5: {  	v15 =	vsub.f32 v15, v61;
	[tilespmem:s16+$0xFFFFFF90] =	vst v16;
	v13 =	vadd.f32 v13, v58;
	v12 =	vld [tilespmem:s13+$0xFFFFFF60];
	v6 =	vmul.f32 v17, v6  }
0x3b6: {  	v16 =	vadd.f32 v7, v25;
	v7 =	vld [tilespmem:s13+$0xFFFFFFA0];
	v10 =	vmul.f32 $8.000000000e+00, v10  }
0x3b7: {  	v62 =	vmul.f32 v15, v5;
	v63 =	vsub.f32 v14, v8;
	[tilespmem:s16+$0x10] =	vst v13;
	v13 =	vld [tilespmem:s13+$0xFFFFFFE0];
	v17 =	vadd.f32 v6, v60  }
0x3b8: {  	s19 =	simm.s32 $0x4;
	s17 =	simm.s32 $0x16700;
	s28 =	rddreg [dreg:$0xb];
	v6 =	vld [tilespmem:s13+$0x20];
	v15 =	vadd.f32 v10, v11  }
0x3b9: {  	s20 =	smov.u32 s12;
	s2 =	simm.s32 $0x11900;
	[tilespmem:s9+$0xB0] =	vst v16;
	v14 =	vld [tilespmem:s13+$0x60];
	s7 =	sshll.u32 s28, $0x5;
	v5 =	vmul.f32 $8.000000000e+00, v17;
	v10 =	vadd.f32 v62, v61;
	v11 =	vmul.f32 v63, v4  }
.LBB2_11:
0x3ba: {  	v4 =	vld [tilespmem:s2+$0x80];
	v12 =	vsub.f32 v12, v9;
	[tilespmem:s16+$0xA0] =	vst v15  }
0x3bb: {  	v15 =	vld [tilespmem:s13+$0xB0];
	v10 =	vmul.f32 $8.000000000e+00, v10;
	v8 =	vadd.f32 v11, v8  }
0x3bc: {  	v11 =	vmul.f32 v12, v3;
	v12 =	vsub.f32 v13, v7;
	v13 =	vld [tilespmem:s13+$0xF0]  }
0x3bd: {  	v16 =	vld [tilespmem:s2+$0xC0];
	v8 =	vmul.f32 $8.000000000e+00, v8  }
0x3be: {  	s15 =	sadd.s32 $0x200, s15;
	v17 =	vld [tilespmem:s2+$0xFFFFFF00];
	v9 =	vadd.f32 v11, v9;
	v11 =	vmul.f32 v12, v0;
	v12 =	vsub.f32 v14, v6  }
0x3bf: {  	v14 =	vld [tilespmem:s15+$0x80]  }
0x3c0: {  	s19 =	sadd.s32 $0x4, s19;
	v18 =	vld [tilespmem:s2+$0xFFFFFF40];
	v9 =	vmul.f32 $8.000000000e+00, v9;
	v7 =	vadd.f32 v11, v7;
	v11 =	vmul.f32 v12, v1  }
0x3c1: {  	p0 =	slt.u32 s19, $0x1C;
	v12 =	vld [tilespmem:s2+$0xFFFFFF80];
	v13 =	vsub.f32 v13, v15  }
0x3c2: {  	v19 =	vld [tilespmem:s2+$0xFFFFFFC0];
	v16 =	vsub.f32 v16, v4;
	v20 =	vmul.f32 $8.000000000e+00, v7;
	v6 =	vadd.f32 v11, v6  }
0x3c3: {  	v11 =	vld [tilespmem:s2+$0x0];
	v7 =	vmul.f32 v13, v2  }
0x3c4: {  	s20 =	sadd.s32 $0x200, s20;
	v13 =	vmul.f32 v16, v14;
	v16 =	vmul.f32 $8.000000000e+00, v6;
	v21 =	vld [tilespmem:s12+$0x0];
	v2 =	vmov v14  }
0x3c5: {  	v14 =	vsub.f32 v18, v17;
	v18 =	vld [tilespmem:s20+$0xFFFFFFD0];
	v7 =	vadd.f32 v7, v15  }
0x3c6: {  	v15 =	vld [tilespmem:s2+$0x40];
	v13 =	vadd.f32 v13, v4  }
0x3c7: {  	v6 =	vld [tilespmem:s15+$0xFFFFFF80];
	v19 =	vsub.f32 v19, v12;
	v22 =	vmul.f32 $8.000000000e+00, v7  }
0x3c8: {  	v4 =	vld [tilespmem:s15+$0x0];
	v13 =	vmul.f32 $8.000000000e+00, v13  }
0x3c9: {  	v7 =	vld [tilespmem:s15+$0xFFFFFF00];
	v21 =	vadd.f32 v22, v21  }
0x3ca: {  	v22 =	vld [tilespmem:s20+$0xFFFFFE50];
	v13 =	vadd.f32 v13, v18  }
0x3cb: {  	s16 =	sadd.s32 $0x200, s16;
	v18 =	vld [tilespmem:s20+$0xFFFFFED0];
	v15 =	vsub.f32 v15, v11;
	[tilespmem:s17+$0xB0] =	vst v21  }
0x3cc: {  	v19 =	vmul.f32 v19, v6;
	v21 =	vld [tilespmem:s20+$0xFFFFFF50];
	[tilespmem:s16+$0x80] =	vst v13  }
0x3cd: {  	v13 =	vmul.f32 v15, v4;
	v15 =	vld [tilespmem:s2+$0x90]  }
0x3ce: {  	v14 =	vmul.f32 v14, v7;
	v12 =	vadd.f32 v19, v12;
	v19 =	vld [tilespmem:s2+$0xD0]  }
0x3cf: {  	v11 =	vadd.f32 v13, v11;
	v13 =	vld [tilespmem:s12+$0xFFFFFE70]  }
0x3d0: {  	v14 =	vadd.f32 v14, v17;
	v12 =	vmul.f32 $8.000000000e+00, v12;
	v17 =	vld [tilespmem:s12+$0xFFFFFEF0]  }
0x3d1: {  	v11 =	vmul.f32 $8.000000000e+00, v11;
	v23 =	vld [tilespmem:s12+$0xFFFFFF70]  }
0x3d2: {  	v14 =	vmul.f32 $8.000000000e+00, v14;
	v12 =	vadd.f32 v12, v18;
	v18 =	vld [tilespmem:s30+$0xFFFFFE80]  }
0x3d3: {  	v11 =	vadd.f32 v11, v21;
	v19 =	vsub.f32 v19, v15;
	v21 =	vld [tilespmem:s30+$0xFFFFFF00]  }
0x3d4: {  	v14 =	vadd.f32 v14, v22;
	[tilespmem:s16+$0xFFFFFF80] =	vst v12;
	v9 =	vadd.f32 v9, v13;
	v12 =	vld [tilespmem:s30+$0xFFFFFF80];
	s30 =	smov.u32 s12;
	s12 =	smov.u32 s20  }
0x3d5: {  	v13 =	vld [tilespmem:s2+$0xFFFFFF90];
	[tilespmem:s16+$0x0] =	vst v11;
	v11 =	vmul.f32 v19, v2;
	v17 =	vadd.f32 v20, v17  }
0x3d6: {  	[tilespmem:s16+$0xFFFFFF00] =	vst v14;
	v14 =	vld [tilespmem:s20+$0xFFFFFFE0];
	v16 =	vadd.f32 v16, v23  }
0x3d7: {  	v19 =	vld [tilespmem:s2+$0xFFFFFF10];
	v11 =	vadd.f32 v11, v15;
	[tilespmem:s17+$0xFFFFFF20] =	vst v9;
	v5 =	vadd.f32 v5, v18  }
0x3d8: {  	v9 =	vld [tilespmem:s2+$0xFFFFFF50];
	[tilespmem:s17+$0xFFFFFFA0] =	vst v17;
	v10 =	vadd.f32 v10, v21  }
0x3d9: {  	v15 =	vld [tilespmem:s2+$0xFFFFFFD0];
	v11 =	vmul.f32 $8.000000000e+00, v11;
	[tilespmem:s17+$0x20] =	vst v16;
	v8 =	vadd.f32 v8, v12  }
0x3da: {  	v12 =	vld [tilespmem:s2+$0x10];
	[tilespmem:s9+$0xFFFFFF30] =	vst v5  }
0x3db: {  	v5 =	vld [tilespmem:s2+$0x50];
	v11 =	vadd.f32 v11, v14;
	[tilespmem:s9+$0xFFFFFFB0] =	vst v10  }
0x3dc: {  	v10 =	vld [tilespmem:s20+$0xFFFFFE60];
	[tilespmem:s9+$0x30] =	vst v8;
	s9 =	smov.u32 s17;
	s17 =	smov.u32 s16  }
0x3dd: {  	v8 =	vsub.f32 v9, v19;
	v9 =	vld [tilespmem:s20+$0xFFFFFEE0];
	[tilespmem:s16+$0x90] =	vst v11  }
0x3de: {  	v11 =	vsub.f32 v15, v13;
	v14 =	vld [tilespmem:s2+$0xA0]  }
0x3df: {  	v8 =	vmul.f32 v8, v7;
	v15 =	vld [tilespmem:s2+$0xE0]  }
0x3e0: {  	v11 =	vmul.f32 v11, v6;
	v5 =	vsub.f32 v5, v12;
	v16 =	vld [tilespmem:s20+$0xFFFFFF60]  }
0x3e1: {  	v8 =	vadd.f32 v8, v19;
	v17 =	vld [tilespmem:s13+$0xFFFFFF30]  }
0x3e2: {  	v11 =	vadd.f32 v11, v13;
	v5 =	vmul.f32 v5, v4;
	v13 =	vld [tilespmem:s13+$0xFFFFFF70]  }
0x3e3: {  	v8 =	vmul.f32 $8.000000000e+00, v8;
	v18 =	vld [tilespmem:s13+$0xFFFFFFB0]  }
0x3e4: {  	v11 =	vmul.f32 $8.000000000e+00, v11;
	v5 =	vadd.f32 v5, v12;
	v12 =	vsub.f32 v15, v14;
	v15 =	vld [tilespmem:s13+$0xFFFFFFF0]  }
0x3e5: {  	v10 =	vadd.f32 v8, v10;
	v8 =	vld [tilespmem:s13+$0x30]  }
0x3e6: {  	v11 =	vadd.f32 v11, v9;
	v5 =	vmul.f32 $8.000000000e+00, v5;
	v12 =	vmul.f32 v12, v2;
	v19 =	vld [tilespmem:s13+$0x70];
	s13 =	smov.u32 s2  }
0x3e7: {  	[tilespmem:s16+$0xFFFFFF10] =	vst v10;
	v10 =	vld [tilespmem:s20+$0xFFFFFFF0];
	v13 =	vsub.f32 v13, v17  }
0x3e8: {  	v9 =	vld [tilespmem:s2+$0xFFFFFF20];
	[tilespmem:s16+$0xFFFFFF90] =	vst v11;
	v5 =	vadd.f32 v5, v16;
	v11 =	vadd.f32 v12, v14  }
.Ltmp4:
0x3e9: {  	v12 =	vld [tilespmem:s2+$0xFFFFFF60];
	v14 =	vmul.f32 v13, v3;
	v15 =	vsub.f32 v15, v18;
	v3 =	vmov v7;
	(pc) =	sbr.rel @p0 .LBB2_11-.Ltmp4, $4  }
0x3ea: {  	v7 =	vld [tilespmem:s2+$0xFFFFFFA0];
	[tilespmem:s16+$0x10] =	vst v5;
	v5 =	vmul.f32 $8.000000000e+00, v11  }
0x3eb: {  	v13 =	vld [tilespmem:s2+$0xFFFFFFE0];
	v11 =	vadd.f32 v14, v17;
	v16 =	vmul.f32 v15, v0;
	v17 =	vsub.f32 v19, v8;
	v0 =	vmovc v6  }
0x3ec: {  	v6 =	vld [tilespmem:s2+$0x20];
	v15 =	vadd.f32 v5, v10  }
0x3ed: {  	s2 =	sadd.s32 $0x200, s2;
	v14 =	vld [tilespmem:s13+$0x60];
	v5 =	vmul.f32 $8.000000000e+00, v11;
	v10 =	vadd.f32 v16, v18;
	v11 =	vmul.f32 v17, v1;
	v1 =	vmovc v4  }
0x3ee: {  	v4 =	vsub.f32 v12, v9;
	_ =	sdelay $0x1  }
0x3ef: {  	v4 =	vmul.f32 v4, v3;
	v38 =	vsub.f32 v13, v7  }
0x3f0: {  	v39 =	vld [tilespmem:s12+$0xFFFFFE70]  }
0x3f1: {  	v4 =	vadd.f32 v4, v9;
	v40 =	vmul.f32 v38, v0;
	v41 =	vsub.f32 v14, v6  }
0x3f2: {  	v42 =	vld [tilespmem:s12+$0xFFFFFEF0]  }
0x3f3: {  	v4 =	vmul.f32 $8.000000000e+00, v4;
	v43 =	vadd.f32 v40, v7;
	v44 =	vmul.f32 v41, v1  }
0x3f4: {  	v45 =	vld [tilespmem:s12+$0xFFFFFF70]  }
0x3f5: {  	[tilespmem:s16+$0xA0] =	vst v15;
	v7 =	vmul.f32 $8.000000000e+00, v43;
	v46 =	vadd.f32 v44, v6;
	v4 =	vadd.f32 v4, v39  }
0x3f6: {  	v15 =	vld [tilespmem:s13+$0xB0]  }
0x3f7: {  	v47 =	vld [tilespmem:s13+$0xF0];
	v6 =	vmul.f32 $8.000000000e+00, v46;
	v7 =	vadd.f32 v7, v42;
	[tilespmem:s17+$0xFFFFFF20] =	vst v4  }
0x3f8: {  	v4 =	vld [tilespmem:s13+$0xFFFFFF30]  }
0x3f9: {  	v48 =	vld [tilespmem:s13+$0xFFFFFF70];
	v6 =	vadd.f32 v6, v45;
	[tilespmem:s17+$0xFFFFFFA0] =	vst v7  }
0x3fa: {  	v49 =	vld [tilespmem:s13+$0xFFFFFFB0]  }
0x3fb: {  	v50 =	vld [tilespmem:s13+$0xFFFFFFF0];
	[tilespmem:s17+$0x20] =	vst v6  }
0x3fc: {  	v51 =	vld [tilespmem:s13+$0x30]  }
0x3fd: {  	v52 =	vld [tilespmem:s13+$0x70]  }
0x3fe: {  	v54 =	vld [tilespmem:s30+$0xFFFFFE80];
	v9 =	vsub.f32 v47, v15;
	_ =	sdelay $0x1  }
0x3ff: {  	v16 =	vld [tilespmem:s30+$0xFFFFFF00];
	v2 =	vmul.f32 v9, v2;
	v7 =	vsub.f32 v48, v4  }
0x400: {  	v53 =	vld [tilespmem:s12+$0x0];
	v8 =	vadd.f32 v11, v8;
	v6 =	vsub.f32 v50, v49  }
0x401: {  	v56 =	vld [tilespmem:s30+$0xFFFFFF80];
	v2 =	vadd.f32 v2, v15;
	v55 =	vmul.f32 v7, v3;
	v9 =	vsub.f32 v52, v51  }
0x402: {  	v10 =	vmul.f32 $8.000000000e+00, v10;
	v5 =	vadd.f32 v5, v54;
	v58 =	vld [tilespmem:s12+$0xFFFFFE80];
	v57 =	vmul.f32 v6, v0  }
0x403: {  	v2 =	vmul.f32 $8.000000000e+00, v2;
	v60 =	vld [tilespmem:s12+$0xFFFFFF00];
	v3 =	vadd.f32 v55, v4;
	v59 =	vmul.f32 v9, v1  }
0x404: {  	v8 =	vmul.f32 $8.000000000e+00, v8;
	v62 =	vadd.f32 v10, v16;
	v61 =	vld [tilespmem:s12+$0xFFFFFF80];
	v0 =	vadd.f32 v57, v49  }
0x405: {  	[tilespmem:s9+$0xFFFFFF30] =	vst v5;
	v2 =	vadd.f32 v2, v53;
	v3 =	vmul.f32 $8.000000000e+00, v3;
	v1 =	vadd.f32 v59, v51  }
0x406: {  	[tilespmem:s9+$0xFFFFFFB0] =	vst v62;
	v7 =	vadd.f32 v8, v56;
	v0 =	vmul.f32 $8.000000000e+00, v0  }
0x407: {  	[tilespmem:s17+$0xB0] =	vst v2;
	v63 =	vadd.f32 v3, v58;
	v1 =	vmul.f32 $8.000000000e+00, v1  }
0x408: {  	s2 =	sadd.s32 s6, s7;
	s3 =	simm.s32 $0x16400;
	s26 =	sadd.s32 $0x1, s26;
	[tilespmem:s9+$0x30] =	vst v7;
	v0 =	vadd.f32 v0, v60  }
0x409: {  	s22 =	sadd.s32 $0xA0, s22;
	s10 =	sadd.s32 $0x5000, s10;
	p0 =	sne.s32 s26, $0x28;
	[tilespmem:s17+$0xFFFFFF30] =	vst v63;
	v1 =	vadd.f32 v1, v61  }
.Ltmp5:
0x40a: {  	s18 =	sadd.s32 $0xA0, s18;
	s2 =	sshll.u32 s2, $0x4;
	[tilespmem:s17+$0xFFFFFFB0] =	vst v0;
	(pc) =	sbr.rel @p0 .LBB2_2-.Ltmp5, $4  }
0x40b: {  	s25 =	sadd.s32 $0x5000, s25;
	s31 =	sadd.s32 $0xA0, s31;
	s2 =	sadd.s32 s5, s2;
	[tilespmem:s17+$0x30] =	vst v1  }
0x40c: {  	[hbm4b:s2+s29] =	stream.linear.scatter [tilespmem:s3], [sflag:$0xF], $0x1000, $0x38;
	[tilespmem:$0x1C680] =	vst v63  }
0x40d: {  	s1 =	sadd.s32 $0x5000, s1;
	s0 =	sadd.s32 $0xA0, s0;
	s30 =	rddreg [dreg:$0xa]  }
0x40e: {  	s11 =	sadd.s32 $0x5000, s11;
	s14 =	sadd.s32 $0xA0, s14;
	s13 =	sadd.s32 $0x5000, s30  }
0x40f: {  	s0 =	simm.s32 $0xB  }
0x410: {  	_ =	swait.ge [sflag:s0], $0x1000  }
0x411: {  	[sflag:s0] =	ssyncset.done $0x0  }
0x412: {  	s26 =	simm.s32 $0xC;
	[sflag:s0] =	ssyncadd.s32 $0xFFFFF000  }
0x413: {  	_ =	swait.ge [sflag:s26], $0x1000  }
0x414: {  	[sflag:s26] =	ssyncset.done $0x0  }
0x415: {  	s28 =	simm.s32 $0xD;
	[sflag:s26] =	ssyncadd.s32 $0xFFFFF000  }
0x416: {  	_ =	swait.ge [sflag:s28], $0x1000  }
0x417: {  	[sflag:s28] =	ssyncset.done $0x0  }
0x418: {  	s30 =	simm.s32 $0xE;
	[sflag:s28] =	ssyncadd.s32 $0xFFFFF000  }
0x419: {  	_ =	swait.ge [sflag:s30], $0x1000  }
0x41a: {  	[sflag:s30] =	ssyncset.done $0x0  }
0x41b: {  	s1 =	simm.s32 $0xF;
	[sflag:s30] =	ssyncadd.s32 $0xFFFFF000  }
0x41c: {  	_ =	swait.ge [sflag:s1], $0x1000  }
0x41d: {  	s2 =	rddreg [dreg:$0x9]  }
0x41e: {  	s31 =	rddreg [dreg:$0x5];
	s2 =	sadd.s32 $0x1, s2  }
0x41f: {  	p0 =	sne.s32 s2, s31  }
.Ltmp6:
0x420: {  	_ = 	snop;
	(pc) =	sbr.rel @p0 .LBB2_1-.Ltmp6, $3  }
0x421: {  	_ =	sdelay $0x1  }
0x422: {  	[sflag:s1] =	ssyncset.done $0x0  }
0x423: {  	[sflag:s1] =	ssyncadd.s32 $0xFFFFF000  }
0x424: {  	_ =	sfence.sel $0x180000  }
0x425: {  	[bflag:$0x0] =	sbarrier.arrive $0xFFFF  }
0x426: {  	_ =	strace $0x90000047  }
0x427: {  	s0 =	stileid.u32;
	[bflag:$0x2] =	sbarrier.arrive $0xFFFF  }
0x428: {  	p0 =	sne.s32 s0, $0x0;
	s0 =	rddreg [dreg:$0x2]  }
0x429: {  	s0 =	sadd.s32 @!p0 $0x100000, s0  }
0x42a: {  	[sflag:s0] =	ssyncadd.tile.s32 @!p0 $0x1;
	_ =	shalt  }
.Lfunc_end2:
_tile_overlayer_lowered:
.L_overlay_start_2:
0x42b: {  	(tag) =	ssettag $0x2  }
0x42c: {  	s0 =	rddreg [dreg:$0x0];
	s2 =	stileid.u32  }
0x42d: {  	s1 =	rddreg [dreg:$0x1];
	p0 =	sne.s32 s2, $0x0  }
0x42e: {  	s3 =	rddreg [dreg:$0x2];
	[bflag:$0x3] =	sbarrier.arrive $0xFFFF;
	s2 =	simm.s32 @!p0 $0x1C10  }
0x42f: {  	[timem:s3], [sflag:s2] =	dma.local @!p0 [hbm:s0], s1  }
0x430: {  	s0 =	simm.s32 @!p0 $0x10  }
0x431: {  	_ =	swait.ge @!p0 [sflag:s0], s1  }
0x432: {  	s1 =	ssub.s32 @!p0 $0x0, s1;
	[sflag:s0] =	ssyncset.done @!p0 $0x0  }
0x433: {  	[sflag:s0] =	ssyncadd.s32 @!p0 s1  }
0x434: {  	[bflag:$0x3] =	sbarrier.arrive $0xFFFF  }
0x435: {  	_ =	shalt  }

// kernel: sparse-core-data-format-call.cloned.1.call-start
scs
called_computation_lowered:
.L_overlay_start_0:
0x0: {  	s2 =	sld [smem:$0x3FD9]  }
0x1: {  	s3 =	sld [smem:$0x3FFE];
	_ =	sdelay $0x1  }
0x2: {  	s1 =	srdreg.scid  }
0x3: {  	s0 =	sand.u32 $0x1, s1  }
0x4: {  	s18 =	sshll.u32 s0, $0xA;
	s2 =	sadd.s32 s3, s2  }
0x5: {  	s2 =	sadd.s32 s2, s18  }
0x6: {  	[smem:$0x3FC6] =	sst s2  }
0x7: {  	_ = 	snop  }
0x8: {  	s2 =	sld [smem:$0x3FD0];
	(tm) =	ssettm $0x1  }
0x9: {  	s19 =	sld [smem:$0x3FFB];
	_ =	sdelay $0x3  }
0xa: {  	_ =	strace s19  }
0xb: {  	s3 =	sld [smem:$0x3FFC];
	_ =	sdelay $0x3  }
0xc: {  	_ =	strace s3  }
0xd: {  	s3 =	sld [smem:$0x3FFD];
	_ =	sdelay $0x3  }
0xe: {  	_ =	strace s3  }
0xf: {  	_ =	strace $0x8FFFFFFF  }
0x10: {  	s20 =	sld [smem:$0x3FDB];
	_ =	sdelay $0x1  }
0x11: {  	s4 =	simm.s32 $_scs_section_size  }
0x12: {  	s5 =	simm.s32 $_size__tile_overlayer_lowered;
	s6 =	simm.s32 $_tile_overlayer_lowered  }
0x13: {  	s23 =	simm.s32 $0x1BFF;
	s22 =	sshll.u32 s6, $0x1;
	s3 =	sadd.s32 s4, s20  }
0x14: {  	s7 =	simm.s32 $0x0;
	s21 =	sshll.u32 s5, $0x1;
	s5 =	sadd.s32 s22, s3  }
0x15: {  	[timem:s7], [sflag:s23] =	dma.local [hbm:s5], s21  }
0x16: {  	_ =	swait.ge [sflag:s23], s21  }
0x17: {  	s4 =	ssub.s32 $0x0, s21;
	[sflag:s23] =	ssyncset.done $0x0  }
0x18: {  	[sflag:s23] =	ssyncadd.s32 s4;
	_ =	sdelay $0x1  }
0x19: {  	s24 =	simm.s32 $0x1B8B  }
0x1a: {  	_ =	swait.ge [sflag:s24], $0x1  }
0x1b: {  	[sflag:s24] =	ssyncset.done $0x0  }
0x1c: {  	s26 =	simm.s32 $0x1B8E;
	s25 =	sld [smem:$0x3FFE];
	[sflag:s24] =	ssyncadd.s32 $0xFFFFFFFF  }
0x1d: {  	s27 =	simm.s32 $execute0_lowered;
	[smem:$0x3FD2] =	sst s26  }
0x1e: {  	s5 =	sshll.u32 s27, $0x1;
	_ =	strace $0x80000049;
	[dreg:$0x1] =	wrdreg $0xFFFFFFFF  }
0x1f: {  	s28 =	simm.s32 $_size_execute0_lowered;
	s3 =	sadd.s32 s3, s5;
	[dreg:$0x0] =	wrdreg $0x0  }
0x20: {  	s5 =	sshll.u32 s28, $0x1;
	[dreg:$0x2] =	wrdreg s3  }
0x21: {  	[dreg:$0x3] =	wrdreg s5  }
0x22: {  	[dreg:$0x4] =	wrdreg $0xC0  }
0x23: {  	_ =	task [dreg:s7], $0x5FFFF  }
0x24: {  	[dreg:$0x1] =	wrdreg $0xFFFFFFFF  }
0x25: {  	[dreg:$0x0] =	wrdreg $0x60  }
0x26: {  	[dreg:$0x2] =	wrdreg s25  }
0x27: {  	[dreg:$0x3] =	wrdreg s2  }
0x28: {  	[dreg:$0x4] =	wrdreg $0x9  }
0x29: {  	_ =	task.clear_ibuf [dreg:s7], $0x5FFFF;
	_ =	strace $0x90000049  }
0x2a: {  	s29 =	simm.s32 $0x9;
	_ =	strace $0x8000004B  }
0x2b: {  	_ =	swait.ge [sflag:s29], $0x1  }
0x2c: {  	[sflag:s29] =	ssyncadd.s32 $0xFFFFFFFF  }
0x2d: {  	_ =	strace $0x9000004B  }
0x2e: {  	_ =	sfence  }
0x2f: {  	s30 =	sld [smem:$0x0];
	_ =	sdelay $0x2  }
0x30: {  	s31 =	sshll.u32 s1, $0xD;
	s1 =	sshrl.u32 s1, $0x2  }
0x31: {  	s3 =	sand.u32 $0x4000, s31;
	s1 =	sadd.s32 s1, s30  }
0x32: {  	s0 =	sor.u32 s3, s0;
	s1 =	sshll.u32 s1, $0x11  }
0x33: {  	s0 =	sor.u32 s1, s0  }
0x34: {  	s0 =	sadd.s32 $0x8F2B, s0  }
0x35: {  	[sflag:s0] =	ssyncadd.remote.s32 $0x1  }
0x36: {  	_ =	sfence.sel $0xFFFF  }
0x37: {  	[dreg:$0x0] =	wrdreg $0xFFFFFFFF;
	(pc) =	sbr.abs _section_cstart, $3  }
0x38: {  	[dreg:$0x1] =	wrdreg $0xFFFFFFFF  }
0x39: {  	_ =	task.clear_ibuf [dreg:s7], $0x2FFFF;
	_ =	strace $0x9FFFFFFF  }
0x3a: {  	(tm) =	ssettm $0x7FFFFFFF  }
0x3b: {  	_ =	shalt  }
tec
execute0_lowered:
.L_overlay_start_1:
0x0: {  	(tag) =	ssettag $0x1  }
0x1: {  	s0 =	stileid.u32;
	s6 =	rddreg [dreg:$0x0]  }
0x2: {  	s2 =	rddreg [dreg:$0x1];
	s5 =	srdreg.scid  }
0x3: {  	s31 =	simm.s32 $0x2;
	s13 =	simm.s32 $0x0;
	s1 =	sshll.u32 s0, $0x7  }
0x4: {  	s14 =	simm.s32 $0x0;
	s12 =	simm.s32 $0x0;
	s3 =	sand.u32 $0x380, s1  }
0x5: {  	s5 =	sshll.u32 s5, $0x4;
	s6 =	sadd.s32 $0x321800, s6;
	s4 =	ssub.s32 $0x400, s3  }
0x6: {  	s1 =	rddreg [dreg:$0x2];
	_ =	strace $0x8000004A;
	s7 =	sand.u32 $0x380, s4  }
0x7: {  	s5 =	sand.u32 $0x10, s5;
	p0 =	sne.s32 s7, $0x0;
	s7 =	simm.s32 $0x1  }
.Ltmp0:
0x8: {  	s8 =	sshrl.u32 s4, $0xA;
	s7 =	simm.s32 @!p0 $0x0;
	(pc) =	sbr.rel .LBB1_1-.Ltmp0, $4  }
0x9: {  	s9 =	sor.u32 s0, s5;
	s4 =	simm.s32 $0x1;
	s30 =	sadd.s32 s7, s8  }
0xa: {  	s11 =	smov.u32 s3;
	[sflag:s4] =	ssyncpa.u1 $0x0;
	s5 =	smul.u32 $0x32, s30  }
0xb: {  	[sflag:s31] =	ssyncpa.u1 $0x0;
	p0 =	por $0x0, $0x0;
	s7 =	sshrl.u32 s9, $0x3  }
0xc: {  	s9 =	simm.s32 $0x2000;
	s10 =	smov.u32 s7;
	s8 =	sor.u32 $0x1, s5  }
.LBB1_4:
0xd: {  	s17 =	sand.u32 $0x1F80, s14;
	s13 =	sshll.u32 s13, $0xD  }
0xe: {  	[tilespmem:s16+$0x810 ss:$0x81] =	vst.msk $0xffff, v2;
	s18 =	sshrl.u32 s14, $0x3;
	s31 =	sand.u32 $0x7, s14;
	s17 =	sadd.s32 s2, s17  }
0xf: {  	[tilespmem:s16+$0x1020 ss:$0x81] =	vst.msk $0xffff, v0;
	s18 =	sand.u32 $0xF, s18;
	s14 =	sshll.u32 s31, $0x12;
	s13 =	sadd.s32 s13, s17  }
0x10: {  	[tilespmem:s16+$0x0 ss:$0x81] =	vst.msk $0xffff, v1;
	s14 =	sor.u32 $0x400, s14;
	s13 =	sadd.s32 s18, s13  }
0x11: {  	[hbm4b:s13+s14] =	stream.strided.scatter [tilespmem:s15], [sflag:$0x2], $0x2000, s9, s14, $0x20;
	[tilespmem:$0x8080] =	vst v63  }
.LBB1_5:
0x12: {  	s15 =	sadd.s32 $0x4, s10  }
0x13: {  	s13 =	sadd.s32 $0x400, s11;
	s17 =	smov.u32 s11;
	p2 =	sgt.s32 s15, $0xC7  }
0x14: {  	s17 =	smov.u32 @p2 s13  }
0x15: {  	s15 =	smov.u32 @p2 s7;
	p2 =	sgt.s32 s17, $0x3FF  }
0x16: {  	s17 =	smov.u32 @p2 s3;
	p2 =	sne.s32 s12, s8  }
.Ltmp1:
0x17: {  	p1 =	slt.u32 s12, $0x2;
	(pc) =	sbr.rel @!p2 .LBB1_6-.Ltmp1, $4  }
0x18: {  	s16 =	simm.s32 @!p1 $0x2  }
0x19: {  	s14 =	smov.u32 s11;
	p0 =	por !p0, !p0;
	_ =	swait.ge @!p1 [sflag:s16], $0x2000  }
0x1a: {  	s13 =	smov.u32 s10;
	[sflag:s16] =	ssyncset.done @!p1 $0x0;
	s10 =	smov.u32 s15  }
0x1b: {  	s12 =	sadd.s32 $0x1, s12;
	[sflag:s16] =	ssyncadd.s32 @!p1 $0xFFFFE000;
	s11 =	smov.u32 s17  }
.LBB1_1:
0x1c: {  	p1 =	sge.u32 s12, s5  }
0x1d: {  	s15 =	sand.u32 @!p1 $0x1FFFFFF, s10  }
0x1e: {  	s16 =	smulhi.u32 @!p1 $0x147AE15, s15;
	_ =	sdelay $0x1  }
0x1f: {  	s16 =	smul.u32 @!p1 $0xC8, s16  }
0x20: {  	s17 =	sxor.u32 @!p1 $0xFFFFFFFF, s12;
	s18 =	smul.u32 @!p1 $0xC80, s11  }
0x21: {  	s31 =	sadd.s32 $0xFFFFFFFF, s12;
	s17 =	sshll.u32 @!p1 s17, $0xD;
	s15 =	ssub.s32 @!p1 s15, s16  }
0x22: {  	s16 =	sand.u32 @!p1 $0x2000, s17;
	s17 =	sadd.s32 @!p1 s6, s18;
	s15 =	sshll.u32 @!p1 s15, $0x4  }
0x23: {  	s18 =	simm.s32 @!p1 $0x6400;
	s15 =	sadd.s32 @!p1 s15, s17;
	s17 =	simm.s32 @!p1 $0x40  }
0x24: {  	[tilespmem:s16], [sflag:$0x1] =	stream.strided.gather @!p1 [hbm4b:s15+s17], $0x2000, s18, s17, $0x38;
	[tilespmem:$0x8080] =	vst v63  }
0x25: {  	p1 =	sge.u32 s31, s5  }
.Ltmp2:
0x26: {  	_ = 	snop;
	(pc) =	sbr.rel @p1 .LBB1_5-.Ltmp2, $1  }
0x27: {  	_ =	sdelay $0x3  }
0x28: {  	s15 =	simm.s32 $0x1  }
0x29: {  	_ =	swait.ge [sflag:s4], $0x2000;
	s15 =	simm.s32 @!p0 $0x0  }
0x2a: {  	[sflag:s4] =	ssyncset.done $0x0;
	s16 =	sshll.u32 s15, $0xD  }
0x2b: {  	[sflag:s4] =	ssyncadd.s32 $0xFFFFE000;
	s19 =	sor.u32 $0x20, s16  }
0x2c: {  	s15 =	smul.u32 $0x8100, s15;
	v3 =	vld [tilespmem:s19+$0x10]  }
0x2d: {  	s30 =	sand.u32 $0x1, s12;
	v2 =	vld [tilespmem:s19+$0xFFFFFFF0]  }
0x2e: {  	s16 =	smul.u32 $0x8100, s30;
	s15 =	sshrl.u32 s15, $0x2;
	v0 =	vld [tilespmem:s19+$0x0]  }
0x2f: {  	v1 =	vld [tilespmem:s19+$0xFFFFFFE0];
	s17 =	sor.u32 $0x4000, s15  }
0x30: {  	s31 =	sshrl.u32 s16, $0x2;
	s16 =	sadd.s32 $0x0, s17  }
0x31: {  	s18 =	simm.s32 $0x4;
	s19 =	sadd.s32 $0x40, s19;
	s15 =	sor.u32 $0x4000, s31;
	[tilespmem:s16+$0x1830 ss:$0x81] =	vst.msk $0xffff, v3  }
.LBB1_3:
0x32: {  	v3 =	vld [tilespmem:s19+$0x10];
	p1 =	sne.s32 s18, $0x1FC;
	[tilespmem:s16+$0x810 ss:$0x81] =	vst.msk $0xffff, v2;
	s20 =	smov.u32 s18;
	s18 =	sadd.s32 $0x4, s18  }
.Ltmp3:
0x33: {  	v2 =	vld [tilespmem:s19+$0xFFFFFFF0];
	[tilespmem:s16+$0x1020 ss:$0x81] =	vst.msk $0xffff, v0;
	(pc) =	sbr.rel @p1 .LBB1_3-.Ltmp3, $4  }
0x34: {  	v0 =	vld [tilespmem:s19+$0x0];
	[tilespmem:s16+$0x0 ss:$0x81] =	vst.msk $0xffff, v1  }
0x35: {  	s16 =	sshra.s32 s20, $0x2;
	v1 =	vld [tilespmem:s19+$0xFFFFFFE0]  }
0x36: {  	s16 =	sadd.s32 s16, s17  }
0x37: {  	s19 =	sadd.s32 $0x40, s19;
	[tilespmem:s16+$0x1830 ss:$0x81] =	vst.msk $0xffff, v3  }
.Ltmp4:
0x38: {  	_ = 	snop;
	(pc) =	sbr.rel .LBB1_4-.Ltmp4, $1  }
0x39: {  	_ =	sdelay $0x3  }
.LBB1_6:
0x3a: {  	_ =	sfence.sel $0x180000  }
0x3b: {  	s2 =	simm.s32 $0x1;
	[bflag:$0x0] =	sbarrier.arrive $0xFFFF  }
0x3c: {  	s31 =	simm.s32 $0x2;
	[sflag:s2] =	ssyncpa.u1 $0x1  }
0x3d: {  	[sflag:s31] =	ssyncpa.u1 $0x1  }
0x3e: {  	p0 =	sne.s32 s0, $0x0;
	_ =	strace $0x9000004A  }
0x3f: {  	s0 =	sadd.s32 @!p0 $0x100000, s1;
	[bflag:$0x2] =	sbarrier.arrive $0xFFFF  }
0x40: {  	[sflag:s0] =	ssyncadd.tile.s32 @!p0 $0x1;
	_ =	shalt  }
.Lfunc_end1:
_tile_overlayer_lowered:
.L_overlay_start_2:
0x41: {  	(tag) =	ssettag $0x2  }
0x42: {  	s0 =	rddreg [dreg:$0x0];
	s2 =	stileid.u32  }
0x43: {  	s1 =	rddreg [dreg:$0x1];
	p0 =	sne.s32 s2, $0x0  }
0x44: {  	s3 =	rddreg [dreg:$0x2];
	[bflag:$0x3] =	sbarrier.arrive $0xFFFF;
	s2 =	simm.s32 @!p0 $0x1C01  }
0x45: {  	[timem:s3], [sflag:s2] =	dma.local @!p0 [hbm:s0], s1  }
0x46: {  	s0 =	simm.s32 @!p0 $0x1  }
0x47: {  	_ =	swait.ge @!p0 [sflag:s0], s1  }
0x48: {  	s1 =	ssub.s32 @!p0 $0x0, s1;
	[sflag:s0] =	ssyncset.done @!p0 $0x0  }
0x49: {  	[sflag:s0] =	ssyncadd.s32 @!p0 s1  }
0x4a: {  	[bflag:$0x3] =	sbarrier.arrive $0xFFFF  }
0x4b: {  	_ =	shalt  }

</sc_bundles>
